<compile_context>
chip_gen: v7x
topology: tpu7x:2x2x1
jax: 0.10.2.dev20260603
libtpu: 0.0.44.dev20260713+nightly
codegen_flags: <defaults>
</compile_context>

<pallas_src>
import functools

import jax
import jax.numpy as jnp
from jax import lax
from jax.experimental import pallas as pl
from jax.experimental.pallas import tpu as pltpu
from jax.experimental.pallas import tpu_sc as plsc

_NC = 2
_NS = 16
_NW = _NC * _NS
_CHUNK = 128
_DEG_W = 8


def _sc_mesh():
    return plsc.VectorSubcoreMesh(core_axis_name="c", subcore_axis_name="s")


def _load_chunks(edge_hbm, row, idx_v, wid, n, fill, base, rem, kt):
    pltpu.sync_copy(edge_hbm.at[row].at[pl.ds(wid * base, base)],
                    idx_v.at[pl.ds(0, base)])
    for rr in range(base, kt):
        for t in range(_CHUNK // 16):
            idx_v[rr, pl.ds(16 * t, 16)] = jnp.full((16,), fill, jnp.int32)
    if rem:
        @pl.when(wid < rem)
        def _():
            pltpu.sync_copy(edge_hbm.at[row].at[pl.ds(base * _NW + wid, 1)],
                            idx_v.at[pl.ds(base, 1)])


def _make_deg_kernel(n, base, rem, kt, npad, rpt):

    @functools.partial(
        pl.kernel,
        out_type=jax.ShapeDtypeStruct((_NC, npad, _DEG_W), jnp.float32),
        mesh=_sc_mesh(),
        scratch_types=[
            pltpu.VMEM((kt, _CHUNK), jnp.int32),
            pltpu.VMEM((_CHUNK, _DEG_W), jnp.float32),
            pltpu.VMEM_SHARED((npad, _DEG_W), jnp.float32),
        ],
        compiler_params=pltpu.CompilerParams(use_tc_tiling_on_sc=False),
    )
    def deg_kernel(edge_hbm, ones_hbm, zeros_hbm, out_hbm, dst_v, ones_v, acc):
        c = lax.axis_index("c")
        s = lax.axis_index("s")
        wid = s * _NC + c
        row0 = s * rpt
        _load_chunks(edge_hbm, 1, dst_v, wid, n, n, base, rem, kt)
        pltpu.sync_copy(ones_hbm, ones_v)
        pltpu.sync_copy(zeros_hbm.at[pl.ds(row0, rpt)], acc.at[pl.ds(row0, rpt)])
        plsc.subcore_barrier()

        def body(j, carry):
            pltpu.sync_copy(ones_v, acc.at[dst_v.at[j]], add=True)
            return carry

        lax.fori_loop(0, kt, body, 0)
        plsc.subcore_barrier()
        pltpu.sync_copy(acc.at[pl.ds(row0, rpt)],
                        out_hbm.at[c].at[pl.ds(row0, rpt)])

    return deg_kernel


def _make_agg_kernel(n, base, rem, kt, npad, rpt, d, n_hbm):
    assert kt % 2 == 0 and kt >= 4

    @functools.partial(
        pl.kernel,
        out_type=jax.ShapeDtypeStruct((_NC, npad, d), jnp.float32),
        mesh=_sc_mesh(),
        scratch_types=[
            pltpu.VMEM((kt, _CHUNK), jnp.int32),
            pltpu.VMEM((kt, _CHUNK), jnp.int32),
            pltpu.VMEM((_CHUNK, d), jnp.float32),
            pltpu.VMEM((_CHUNK, d), jnp.float32),
            pltpu.VMEM_SHARED((npad, d), jnp.float32),
            pltpu.VMEM_SHARED((npad, d), jnp.float32),
            pltpu.SemaphoreType.DMA,
            pltpu.SemaphoreType.DMA,
        ],
        compiler_params=pltpu.CompilerParams(use_tc_tiling_on_sc=False),
    )
    def agg_kernel(edge_hbm, table_hbm, zeros_hbm, out_hbm,
                   src_v, dst_v, rows_a, rows_b, acc, table_s, sem_a, sem_b):
        c = lax.axis_index("c")
        s = lax.axis_index("s")
        wid = s * _NC + c
        row0 = s * rpt
        _load_chunks(edge_hbm, 0, src_v, wid, n, 0, base, rem, kt)
        _load_chunks(edge_hbm, 1, dst_v, wid, n, n, base, rem, kt)
        pltpu.sync_copy(zeros_hbm.at[pl.ds(row0, rpt)], acc.at[pl.ds(row0, rpt)])
        pltpu.sync_copy(table_hbm.at[pl.ds(row0, rpt)],
                        table_s.at[pl.ds(row0, rpt)])
        plsc.subcore_barrier()

        use_hbm = s < n_hbm

        def gather(j, buf, sem):
            @pl.when(use_hbm)
            def _():
                pltpu.async_copy(table_hbm.at[src_v.at[j]], buf, sem)

            @pl.when(jnp.logical_not(use_hbm))
            def _():
                pltpu.async_copy(table_s.at[src_v.at[j]], buf, sem)

        def drain(buf, sem):
            pltpu.make_async_copy(table_hbm.at[src_v.at[0]], buf, sem).wait()

        def scatter(j, buf):
            pltpu.sync_copy(buf, acc.at[dst_v.at[j]], add=True)

        gather(0, rows_a, sem_a)
        gather(1, rows_b, sem_b)

        def body(i, carry):
            j0 = 2 * i
            drain(rows_a, sem_a)
            scatter(j0, rows_a)
            gather(j0 + 2, rows_a, sem_a)
            drain(rows_b, sem_b)
            scatter(j0 + 1, rows_b)
            gather(j0 + 3, rows_b, sem_b)
            return carry

        lax.fori_loop(0, kt // 2 - 1, body, 0)
        drain(rows_a, sem_a)
        scatter(kt - 2, rows_a)
        drain(rows_b, sem_b)
        scatter(kt - 1, rows_b)
        plsc.subcore_barrier()
        pltpu.sync_copy(acc.at[pl.ds(row0, rpt)],
                        out_hbm.at[c].at[pl.ds(row0, rpt)])

    return agg_kernel


def _tc1a_body(x_ref, w_ref, praw_ref):
    praw_ref[...] = jnp.dot(x_ref[...], w_ref[...],
                            preferred_element_type=jnp.float32)


def _make_tc1b(n, d_hid, d1):
    def body(praw_ref, dparts_ref, pre_ref, r_ref):
        deg = dparts_ref[0, :n, :1] + dparts_ref[1, :n, :1] + 1.0
        r = lax.rsqrt(deg)
        r_ref[...] = r
        pre_ref[:n, :d_hid] = praw_ref[...] * r
        pre_ref[:n, d_hid:] = jnp.zeros((n, d1 - d_hid), jnp.float32)
    return body


def _make_tc2(n, d_hid, d_out, d2):
    def body(a1_ref, r_ref, w_ref, pre2_ref):
        r = r_ref[...]
        h = jnp.maximum((a1_ref[0, :n, :d_hid] + a1_ref[1, :n, :d_hid]) * r, 0.0)
        p = jnp.dot(h, w_ref[...], preferred_element_type=jnp.float32)
        pre2_ref[:n, :d_out] = p * r
        pre2_ref[:n, d_out:] = jnp.zeros((n, d2 - d_out), jnp.float32)
    return body


def _make_tc3(n, d_out):
    def body(a2_ref, r_ref, out_ref):
        out_ref[...] = (a2_ref[0, :n, :d_out] + a2_ref[1, :n, :d_out]) * r_ref[...]
    return body


def kernel(x, edge_index, W1, W2):
    n, d_feat = x.shape
    e = edge_index.shape[1]
    d_hid = W1.shape[1]
    d_out = W2.shape[1]

    d1 = 24
    d2 = 8
    npad = ((n + 127) // 128) * 128
    rpt = npad // _NS

    if e % _CHUNK:
        pad = _CHUNK - e % _CHUNK
        edge_index = jnp.concatenate(
            [edge_index,
             jnp.concatenate([jnp.zeros((1, pad), jnp.int32),
                              jnp.full((1, pad), n, jnp.int32)])], axis=1)
        e += pad
    nchunks = e // _CHUNK
    base = nchunks // _NW
    rem = nchunks % _NW
    kt = base + 2 - base % 2
    edge3 = edge_index.reshape(2, nchunks, _CHUNK)

    zeros_w = jnp.zeros((npad, _DEG_W), jnp.float32)
    zeros_d1 = jnp.zeros((npad, d1), jnp.float32)
    zeros_d2 = jnp.zeros((npad, d2), jnp.float32)
    ones_c = jnp.ones((_CHUNK, _DEG_W), jnp.float32)

    dparts = _make_deg_kernel(n, base, rem, kt, npad, rpt)(edge3, ones_c, zeros_w)

    praw = pl.pallas_call(
        _tc1a_body,
        out_shape=jax.ShapeDtypeStruct((n, d_hid), jnp.float32),
    )(x, W1)

    pre1s, r = pl.pallas_call(
        _make_tc1b(n, d_hid, d1),
        out_shape=[
            jax.ShapeDtypeStruct((npad, d1), jnp.float32),
            jax.ShapeDtypeStruct((n, 1), jnp.float32),
        ],
    )(praw, dparts)

    a1 = _make_agg_kernel(n, base, rem, kt, npad, rpt, d1, 4)(
        edge3, pre1s, zeros_d1)

    pre2s = pl.pallas_call(
        _make_tc2(n, d_hid, d_out, d2),
        out_shape=jax.ShapeDtypeStruct((npad, d2), jnp.float32),
    )(a1, r, W2)

    a2 = _make_agg_kernel(n, base, rem, kt, npad, rpt, d2, 2)(
        edge3, pre2s, zeros_d2)

    out = pl.pallas_call(
        _make_tc3(n, d_out),
        out_shape=jax.ShapeDtypeStruct((n, d_out), jnp.float32),
    )(a2, r)

    return out

# --- scband reference (transcript-rebuilt; emitter-appended) ---
"""Pipeline reference for scband-mygcn-22703197126957 (READ-ONLY COPY).

The authoritative reference and input builder live on the scoring server;
editing this copy changes nothing except your own understanding.
"""

import jax, jax.numpy as jnp
import numpy as np

N_NODES = 10000
N_EDGES = 320000
D_FEAT = 128
D_HID = 20
D_OUT = 2


def setup_inputs(seed: int = 0) -> dict:
    key = jax.random.key(seed)
    k1, k2, k3, k4 = jax.random.split(key, 4)
    x = jax.random.normal(k1, (N_NODES, D_FEAT), dtype=jnp.float32)
    edge_index = jax.random.randint(k2, (2, N_EDGES), 0, N_NODES, dtype=jnp.int32)
    W1 = jax.random.normal(k3, (D_FEAT, D_HID), dtype=jnp.float32) * 0.05
    W2 = jax.random.normal(k4, (D_HID, D_OUT), dtype=jnp.float32) * 0.05
    return {"x": x, "edge_index": edge_index, "W1": W1, "W2": W2}


def reference(x, edge_index, W1, W2):
    # Two-layer GCN (Kipf-style): out = A_hat @ relu(A_hat @ (x W1)) W2
    # A_hat applied edge-wise with symmetric degree normalization.
    N = x.shape[0]
    src = edge_index[0]
    dst = edge_index[1]
    ones = jnp.ones((src.shape[0],), dtype=x.dtype)
    deg = jax.ops.segment_sum(ones, dst, num_segments=N) + 1.0
    norm = jax.lax.rsqrt(deg[src]) * jax.lax.rsqrt(deg[dst])

    def gcn_layer(h_in, W):
        pre = h_in @ W                      # dense matmul [N, d_out]
        msg = pre[src] * norm[:, None]      # gather per edge
        return jax.ops.segment_sum(msg, dst, num_segments=N)  # scatter-add

    h1 = jax.nn.relu(gcn_layer(x, W1))
    logits = gcn_layer(h1, W2)
    return logits

if __name__ == "__main__":
    import jax
    _d = setup_inputs()
    print(jax.jit(kernel)(*tuple(_d.values())))

</pallas_src>

<mosaic_0001>
#map = affine_map<(d0, d1) -> (0, 0, 0)>
#map1 = affine_map<(d0, d1) -> (0, 0)>
module attributes {stable_mosaic.version = 14 : i64} {
  func.func @agg_kernel(%arg0: i32, %arg1: i32, %arg2: memref<2x2500x128xi32, #tpu.memory_space<hbm>>, %arg3: memref<10112x8xf32, #tpu.memory_space<hbm>>, %arg4: memref<10112x8xf32, #tpu.memory_space<hbm>>, %arg5: memref<2x10112x8xf32, #tpu.memory_space<hbm>>, %arg6: memref<80x128xi32, #tpu.memory_space<vmem>>, %arg7: memref<80x128xi32, #tpu.memory_space<vmem>>, %arg8: memref<128x8xf32, #tpu.memory_space<vmem>>, %arg9: memref<128x8xf32, #tpu.memory_space<vmem>>, %arg10: memref<10112x8xf32, #tpu.memory_space<vmem_shared>>, %arg11: memref<10112x8xf32, #tpu.memory_space<vmem_shared>>, %arg12: memref<!tpu.dma_semaphore, #tpu.memory_space<semaphore_mem>>, %arg13: memref<!tpu.dma_semaphore, #tpu.memory_space<semaphore_mem>>) attributes {dimension_semantics = [#tpu.dimension_semantics<core_parallel>, #tpu.dimension_semantics<subcore_parallel>], iteration_bounds = array<i64: 2, 16>, scalar_prefetch = 0 : i64, scratch_operands = 8 : i64, tpu.core_type = #tpu.core_type<sc_vector_subcore>, window_params = [{transform_indices = #map}, {transform_indices = #map1}, {transform_indices = #map1}, {transform_indices = #map}]} {
    %mul3A = arith.constant 2 : i32
    %mul3A_0 = arith.muli %arg1, %mul3A : i32
    %add3A = arith.addi %mul3A_0, %arg0 : i32
    %mul3A_1 = arith.constant 632 : i32
    %mul3A_2 = arith.muli %arg1, %mul3A_1 : i32
    %mul3A_3 = arith.constant 78 : i32
    %mul3A_4 = arith.muli %add3A, %mul3A_3 : i32
    %run_scoped3A = arith.constant 0 : i32
    "tpu.region"() ({
      %run_scoped3A_307 = tpu.sem_alloc : memref<!tpu.dma_semaphore, #tpu.memory_space<semaphore_mem>>
      %dma_start3A = arith.constant 0 : i32
      %dma_start3A_308 = arith.constant 0 : i32
      %dma_start3A_309 = tpu.memref_slice %arg6[%dma_start3A, %dma_start3A_308] : memref<80x128xi32, #tpu.memory_space<vmem>> -> memref<78x128xi32, #tpu.memory_space<vmem>>
      %dma_start3A_310 = arith.constant 0 : i32
      %dma_start3A_311 = arith.constant 0 : i32
      %dma_start3A_312 = tpu.memref_slice %arg2[%run_scoped3A, %dma_start3A_310, %dma_start3A_311] : memref<2x2500x128xi32, #tpu.memory_space<hbm>> -> memref<1x2500x128xi32, #tpu.memory_space<hbm>>
      %dma_start3A_313 = tpu.memref_squeeze %dma_start3A_312 : memref<1x2500x128xi32, #tpu.memory_space<hbm>> -> memref<2500x128xi32, #tpu.memory_space<hbm>>
      %dma_start3A_314 = arith.constant 0 : i32
      %dma_start3A_315 = tpu.memref_slice %dma_start3A_313[%mul3A_4, %dma_start3A_314] : memref<2500x128xi32, #tpu.memory_space<hbm>> -> memref<78x128xi32, #tpu.memory_space<hbm>>
      %dma_start3A_316 = arith.constant 0 : i32
      %dma_start3A_317 = arith.constant 0 : i32
      %dma_start3A_318 = tpu.memref_slice %arg6[%dma_start3A_316, %dma_start3A_317] : memref<80x128xi32, #tpu.memory_space<vmem>> -> memref<78x128xi32, #tpu.memory_space<vmem>>
      %dma_start3A_319 = arith.constant 0 : i32
      %dma_start3A_320 = arith.constant 0 : i32
      %dma_start3A_321 = tpu.memref_slice %arg2[%run_scoped3A, %dma_start3A_319, %dma_start3A_320] : memref<2x2500x128xi32, #tpu.memory_space<hbm>> -> memref<1x2500x128xi32, #tpu.memory_space<hbm>>
      %dma_start3A_322 = tpu.memref_squeeze %dma_start3A_321 : memref<1x2500x128xi32, #tpu.memory_space<hbm>> -> memref<2500x128xi32, #tpu.memory_space<hbm>>
      %dma_start3A_323 = arith.constant 0 : i32
      %dma_start3A_324 = tpu.memref_slice %dma_start3A_322[%mul3A_4, %dma_start3A_323] : memref<2500x128xi32, #tpu.memory_space<hbm>> -> memref<78x128xi32, #tpu.memory_space<hbm>>
      tpu.enqueue_dma source(%dma_start3A_324 : memref<78x128xi32, #tpu.memory_space<hbm>>) target(%dma_start3A_318 : memref<78x128xi32, #tpu.memory_space<vmem>>) target_semaphore(%run_scoped3A_307 : memref<!tpu.dma_semaphore, #tpu.memory_space<semaphore_mem>>)
      %dma_wait3A_325 = arith.constant 0 : i32
      %dma_wait3A_326 = arith.constant 0 : i32
      %dma_wait3A_327 = tpu.memref_slice %arg6[%dma_wait3A_325, %dma_wait3A_326] : memref<80x128xi32, #tpu.memory_space<vmem>> -> memref<78x128xi32, #tpu.memory_space<vmem>>
      %dma_wait3A_328 = arith.constant 0 : i32
      %dma_wait3A_329 = arith.constant 0 : i32
      %dma_wait3A_330 = tpu.memref_slice %arg2[%run_scoped3A, %dma_wait3A_328, %dma_wait3A_329] : memref<2x2500x128xi32, #tpu.memory_space<hbm>> -> memref<1x2500x128xi32, #tpu.memory_space<hbm>>
      %dma_wait3A_331 = tpu.memref_squeeze %dma_wait3A_330 : memref<1x2500x128xi32, #tpu.memory_space<hbm>> -> memref<2500x128xi32, #tpu.memory_space<hbm>>
      %dma_wait3A_332 = arith.constant 0 : i32
      %dma_wait3A_333 = tpu.memref_slice %dma_wait3A_331[%mul3A_4, %dma_wait3A_332] : memref<2500x128xi32, #tpu.memory_space<hbm>> -> memref<78x128xi32, #tpu.memory_space<hbm>>
      %dma_wait3A_334 = arith.constant 0 : i32
      %dma_wait3A_335 = arith.constant 0 : i32
      %dma_wait3A_336 = tpu.memref_slice %arg6[%dma_wait3A_334, %dma_wait3A_335] : memref<80x128xi32, #tpu.memory_space<vmem>> -> memref<78x128xi32, #tpu.memory_space<vmem>>
      %dma_wait3A_337 = arith.constant 0 : i32
      %dma_wait3A_338 = arith.constant 0 : i32
      %dma_wait3A_339 = tpu.memref_slice %arg2[%run_scoped3A, %dma_wait3A_337, %dma_wait3A_338] : memref<2x2500x128xi32, #tpu.memory_space<hbm>> -> memref<1x2500x128xi32, #tpu.memory_space<hbm>>
      %dma_wait3A_340 = tpu.memref_squeeze %dma_wait3A_339 : memref<1x2500x128xi32, #tpu.memory_space<hbm>> -> memref<2500x128xi32, #tpu.memory_space<hbm>>
      %dma_wait3A_341 = arith.constant 0 : i32
      %dma_wait3A_342 = tpu.memref_slice %dma_wait3A_340[%mul3A_4, %dma_wait3A_341] : memref<2500x128xi32, #tpu.memory_space<hbm>> -> memref<78x128xi32, #tpu.memory_space<hbm>>
      tpu.wait_dma2 semaphore(%run_scoped3A_307 : memref<!tpu.dma_semaphore, #tpu.memory_space<semaphore_mem>>) src(%dma_wait3A_342 : memref<78x128xi32, #tpu.memory_space<hbm>>) dst(%dma_wait3A_336 : memref<78x128xi32, #tpu.memory_space<vmem>>)
      tpu.yield
    }) : () -> ()
    %broadcast_in_dim3A = arith.constant 0 : i32
    %broadcast_in_dim3A_5 = vector.broadcast %broadcast_in_dim3A : i32 to vector<16xi32>
    %swap3A = arith.constant 78 : i32
    %swap3A_6 = arith.index_cast %swap3A : i32 to index
    %swap3A_7 = arith.constant 0 : index
    %swap3A_8 = tpu.vector_load %arg6[%swap3A_6, %swap3A_7] {strides = array<i32>} : memref<80x128xi32, #tpu.memory_space<vmem>>, vector<1x16xi32>,
    %swap3A_9 = vector.shape_cast %swap3A_8 : vector<1x16xi32> to vector<16xi32>
    %swap3A_10 = vector.shape_cast %broadcast_in_dim3A_5 : vector<16xi32> to vector<1x16xi32>
    tpu.vector_store %arg6[%swap3A_6, %swap3A_7], %swap3A_10 {strides = array<i32>} : memref<80x128xi32, #tpu.memory_space<vmem>>, vector<1x16xi32>,
    %broadcast_in_dim3A_11 = arith.constant 0 : i32
    %broadcast_in_dim3A_12 = vector.broadcast %broadcast_in_dim3A_11 : i32 to vector<16xi32>
    %swap3A_13 = arith.constant 78 : i32
    %swap3A_14 = arith.index_cast %swap3A_13 : i32 to index
    %swap3A_15 = arith.constant 16 : index
    %swap3A_16 = tpu.vector_load %arg6[%swap3A_14, %swap3A_15] {strides = array<i32>} : memref<80x128xi32, #tpu.memory_space<vmem>>, vector<1x16xi32>,
    %swap3A_17 = vector.shape_cast %swap3A_16 : vector<1x16xi32> to vector<16xi32>
    %swap3A_18 = vector.shape_cast %broadcast_in_dim3A_12 : vector<16xi32> to vector<1x16xi32>
    tpu.vector_store %arg6[%swap3A_14, %swap3A_15], %swap3A_18 {strides = array<i32>} : memref<80x128xi32, #tpu.memory_space<vmem>>, vector<1x16xi32>,
    %broadcast_in_dim3A_19 = arith.constant 0 : i32
    %broadcast_in_dim3A_20 = vector.broadcast %broadcast_in_dim3A_19 : i32 to vector<16xi32>
    %swap3A_21 = arith.constant 78 : i32
    %swap3A_22 = arith.index_cast %swap3A_21 : i32 to index
    %swap3A_23 = arith.constant 32 : index
    %swap3A_24 = tpu.vector_load %arg6[%swap3A_22, %swap3A_23] {strides = array<i32>} : memref<80x128xi32, #tpu.memory_space<vmem>>, vector<1x16xi32>,
    %swap3A_25 = vector.shape_cast %swap3A_24 : vector<1x16xi32> to vector<16xi32>
    %swap3A_26 = vector.shape_cast %broadcast_in_dim3A_20 : vector<16xi32> to vector<1x16xi32>
    tpu.vector_store %arg6[%swap3A_22, %swap3A_23], %swap3A_26 {strides = array<i32>} : memref<80x128xi32, #tpu.memory_space<vmem>>, vector<1x16xi32>,
    %broadcast_in_dim3A_27 = arith.constant 0 : i32
    %broadcast_in_dim3A_28 = vector.broadcast %broadcast_in_dim3A_27 : i32 to vector<16xi32>
    %swap3A_29 = arith.constant 78 : i32
    %swap3A_30 = arith.index_cast %swap3A_29 : i32 to index
    %swap3A_31 = arith.constant 48 : index
    %swap3A_32 = tpu.vector_load %arg6[%swap3A_30, %swap3A_31] {strides = array<i32>} : memref<80x128xi32, #tpu.memory_space<vmem>>, vector<1x16xi32>,
    %swap3A_33 = vector.shape_cast %swap3A_32 : vector<1x16xi32> to vector<16xi32>
    %swap3A_34 = vector.shape_cast %broadcast_in_dim3A_28 : vector<16xi32> to vector<1x16xi32>
    tpu.vector_store %arg6[%swap3A_30, %swap3A_31], %swap3A_34 {strides = array<i32>} : memref<80x128xi32, #tpu.memory_space<vmem>>, vector<1x16xi32>,
    %broadcast_in_dim3A_35 = arith.constant 0 : i32
    %broadcast_in_dim3A_36 = vector.broadcast %broadcast_in_dim3A_35 : i32 to vector<16xi32>
    %swap3A_37 = arith.constant 78 : i32
    %swap3A_38 = arith.index_cast %swap3A_37 : i32 to index
    %swap3A_39 = arith.constant 64 : index
    %swap3A_40 = tpu.vector_load %arg6[%swap3A_38, %swap3A_39] {strides = array<i32>} : memref<80x128xi32, #tpu.memory_space<vmem>>, vector<1x16xi32>,
    %swap3A_41 = vector.shape_cast %swap3A_40 : vector<1x16xi32> to vector<16xi32>
    %swap3A_42 = vector.shape_cast %broadcast_in_dim3A_36 : vector<16xi32> to vector<1x16xi32>
    tpu.vector_store %arg6[%swap3A_38, %swap3A_39], %swap3A_42 {strides = array<i32>} : memref<80x128xi32, #tpu.memory_space<vmem>>, vector<1x16xi32>,
    %broadcast_in_dim3A_43 = arith.constant 0 : i32
    %broadcast_in_dim3A_44 = vector.broadcast %broadcast_in_dim3A_43 : i32 to vector<16xi32>
    %swap3A_45 = arith.constant 78 : i32
    %swap3A_46 = arith.index_cast %swap3A_45 : i32 to index
    %swap3A_47 = arith.constant 80 : index
    %swap3A_48 = tpu.vector_load %arg6[%swap3A_46, %swap3A_47] {strides = array<i32>} : memref<80x128xi32, #tpu.memory_space<vmem>>, vector<1x16xi32>,
    %swap3A_49 = vector.shape_cast %swap3A_48 : vector<1x16xi32> to vector<16xi32>
    %swap3A_50 = vector.shape_cast %broadcast_in_dim3A_44 : vector<16xi32> to vector<1x16xi32>
    tpu.vector_store %arg6[%swap3A_46, %swap3A_47], %swap3A_50 {strides = array<i32>} : memref<80x128xi32, #tpu.memory_space<vmem>>, vector<1x16xi32>,
    %broadcast_in_dim3A_51 = arith.constant 0 : i32
    %broadcast_in_dim3A_52 = vector.broadcast %broadcast_in_dim3A_51 : i32 to vector<16xi32>
    %swap3A_53 = arith.constant 78 : i32
    %swap3A_54 = arith.index_cast %swap3A_53 : i32 to index
    %swap3A_55 = arith.constant 96 : index
    %swap3A_56 = tpu.vector_load %arg6[%swap3A_54, %swap3A_55] {strides = array<i32>} : memref<80x128xi32, #tpu.memory_space<vmem>>, vector<1x16xi32>,
    %swap3A_57 = vector.shape_cast %swap3A_56 : vector<1x16xi32> to vector<16xi32>
    %swap3A_58 = vector.shape_cast %broadcast_in_dim3A_52 : vector<16xi32> to vector<1x16xi32>
    tpu.vector_store %arg6[%swap3A_54, %swap3A_55], %swap3A_58 {strides = array<i32>} : memref<80x128xi32, #tpu.memory_space<vmem>>, vector<1x16xi32>,
    %broadcast_in_dim3A_59 = arith.constant 0 : i32
    %broadcast_in_dim3A_60 = vector.broadcast %broadcast_in_dim3A_59 : i32 to vector<16xi32>
    %swap3A_61 = arith.constant 78 : i32
    %swap3A_62 = arith.index_cast %swap3A_61 : i32 to index
    %swap3A_63 = arith.constant 112 : index
    %swap3A_64 = tpu.vector_load %arg6[%swap3A_62, %swap3A_63] {strides = array<i32>} : memref<80x128xi32, #tpu.memory_space<vmem>>, vector<1x16xi32>,
    %swap3A_65 = vector.shape_cast %swap3A_64 : vector<1x16xi32> to vector<16xi32>
    %swap3A_66 = vector.shape_cast %broadcast_in_dim3A_60 : vector<16xi32> to vector<1x16xi32>
    tpu.vector_store %arg6[%swap3A_62, %swap3A_63], %swap3A_66 {strides = array<i32>} : memref<80x128xi32, #tpu.memory_space<vmem>>, vector<1x16xi32>,
    %broadcast_in_dim3A_67 = arith.constant 0 : i32
    %broadcast_in_dim3A_68 = vector.broadcast %broadcast_in_dim3A_67 : i32 to vector<16xi32>
    %swap3A_69 = arith.constant 79 : i32
    %swap3A_70 = arith.index_cast %swap3A_69 : i32 to index
    %swap3A_71 = arith.constant 0 : index
    %swap3A_72 = tpu.vector_load %arg6[%swap3A_70, %swap3A_71] {strides = array<i32>} : memref<80x128xi32, #tpu.memory_space<vmem>>, vector<1x16xi32>,
    %swap3A_73 = vector.shape_cast %swap3A_72 : vector<1x16xi32> to vector<16xi32>
    %swap3A_74 = vector.shape_cast %broadcast_in_dim3A_68 : vector<16xi32> to vector<1x16xi32>
    tpu.vector_store %arg6[%swap3A_70, %swap3A_71], %swap3A_74 {strides = array<i32>} : memref<80x128xi32, #tpu.memory_space<vmem>>, vector<1x16xi32>,
    %broadcast_in_dim3A_75 = arith.constant 0 : i32
    %broadcast_in_dim3A_76 = vector.broadcast %broadcast_in_dim3A_75 : i32 to vector<16xi32>
    %swap3A_77 = arith.constant 79 : i32
    %swap3A_78 = arith.index_cast %swap3A_77 : i32 to index
    %swap3A_79 = arith.constant 16 : index
    %swap3A_80 = tpu.vector_load %arg6[%swap3A_78, %swap3A_79] {strides = array<i32>} : memref<80x128xi32, #tpu.memory_space<vmem>>, vector<1x16xi32>,
    %swap3A_81 = vector.shape_cast %swap3A_80 : vector<1x16xi32> to vector<16xi32>
    %swap3A_82 = vector.shape_cast %broadcast_in_dim3A_76 : vector<16xi32> to vector<1x16xi32>
    tpu.vector_store %arg6[%swap3A_78, %swap3A_79], %swap3A_82 {strides = array<i32>} : memref<80x128xi32, #tpu.memory_space<vmem>>, vector<1x16xi32>,
    %broadcast_in_dim3A_83 = arith.constant 0 : i32
    %broadcast_in_dim3A_84 = vector.broadcast %broadcast_in_dim3A_83 : i32 to vector<16xi32>
    %swap3A_85 = arith.constant 79 : i32
    %swap3A_86 = arith.index_cast %swap3A_85 : i32 to index
    %swap3A_87 = arith.constant 32 : index
    %swap3A_88 = tpu.vector_load %arg6[%swap3A_86, %swap3A_87] {strides = array<i32>} : memref<80x128xi32, #tpu.memory_space<vmem>>, vector<1x16xi32>,
    %swap3A_89 = vector.shape_cast %swap3A_88 : vector<1x16xi32> to vector<16xi32>
    %swap3A_90 = vector.shape_cast %broadcast_in_dim3A_84 : vector<16xi32> to vector<1x16xi32>
    tpu.vector_store %arg6[%swap3A_86, %swap3A_87], %swap3A_90 {strides = array<i32>} : memref<80x128xi32, #tpu.memory_space<vmem>>, vector<1x16xi32>,
    %broadcast_in_dim3A_91 = arith.constant 0 : i32
    %broadcast_in_dim3A_92 = vector.broadcast %broadcast_in_dim3A_91 : i32 to vector<16xi32>
    %swap3A_93 = arith.constant 79 : i32
    %swap3A_94 = arith.index_cast %swap3A_93 : i32 to index
    %swap3A_95 = arith.constant 48 : index
    %swap3A_96 = tpu.vector_load %arg6[%swap3A_94, %swap3A_95] {strides = array<i32>} : memref<80x128xi32, #tpu.memory_space<vmem>>, vector<1x16xi32>,
    %swap3A_97 = vector.shape_cast %swap3A_96 : vector<1x16xi32> to vector<16xi32>
    %swap3A_98 = vector.shape_cast %broadcast_in_dim3A_92 : vector<16xi32> to vector<1x16xi32>
    tpu.vector_store %arg6[%swap3A_94, %swap3A_95], %swap3A_98 {strides = array<i32>} : memref<80x128xi32, #tpu.memory_space<vmem>>, vector<1x16xi32>,
    %broadcast_in_dim3A_99 = arith.constant 0 : i32
    %broadcast_in_dim3A_100 = vector.broadcast %broadcast_in_dim3A_99 : i32 to vector<16xi32>
    %swap3A_101 = arith.constant 79 : i32
    %swap3A_102 = arith.index_cast %swap3A_101 : i32 to index
    %swap3A_103 = arith.constant 64 : index
    %swap3A_104 = tpu.vector_load %arg6[%swap3A_102, %swap3A_103] {strides = array<i32>} : memref<80x128xi32, #tpu.memory_space<vmem>>, vector<1x16xi32>,
    %swap3A_105 = vector.shape_cast %swap3A_104 : vector<1x16xi32> to vector<16xi32>
    %swap3A_106 = vector.shape_cast %broadcast_in_dim3A_100 : vector<16xi32> to vector<1x16xi32>
    tpu.vector_store %arg6[%swap3A_102, %swap3A_103], %swap3A_106 {strides = array<i32>} : memref<80x128xi32, #tpu.memory_space<vmem>>, vector<1x16xi32>,
    %broadcast_in_dim3A_107 = arith.constant 0 : i32
    %broadcast_in_dim3A_108 = vector.broadcast %broadcast_in_dim3A_107 : i32 to vector<16xi32>
    %swap3A_109 = arith.constant 79 : i32
    %swap3A_110 = arith.index_cast %swap3A_109 : i32 to index
    %swap3A_111 = arith.constant 80 : index
    %swap3A_112 = tpu.vector_load %arg6[%swap3A_110, %swap3A_111] {strides = array<i32>} : memref<80x128xi32, #tpu.memory_space<vmem>>, vector<1x16xi32>,
    %swap3A_113 = vector.shape_cast %swap3A_112 : vector<1x16xi32> to vector<16xi32>
    %swap3A_114 = vector.shape_cast %broadcast_in_dim3A_108 : vector<16xi32> to vector<1x16xi32>
    tpu.vector_store %arg6[%swap3A_110, %swap3A_111], %swap3A_114 {strides = array<i32>} : memref<80x128xi32, #tpu.memory_space<vmem>>, vector<1x16xi32>,
    %broadcast_in_dim3A_115 = arith.constant 0 : i32
    %broadcast_in_dim3A_116 = vector.broadcast %broadcast_in_dim3A_115 : i32 to vector<16xi32>
    %swap3A_117 = arith.constant 79 : i32
    %swap3A_118 = arith.index_cast %swap3A_117 : i32 to index
    %swap3A_119 = arith.constant 96 : index
    %swap3A_120 = tpu.vector_load %arg6[%swap3A_118, %swap3A_119] {strides = array<i32>} : memref<80x128xi32, #tpu.memory_space<vmem>>, vector<1x16xi32>,
    %swap3A_121 = vector.shape_cast %swap3A_120 : vector<1x16xi32> to vector<16xi32>
    %swap3A_122 = vector.shape_cast %broadcast_in_dim3A_116 : vector<16xi32> to vector<1x16xi32>
    tpu.vector_store %arg6[%swap3A_118, %swap3A_119], %swap3A_122 {strides = array<i32>} : memref<80x128xi32, #tpu.memory_space<vmem>>, vector<1x16xi32>,
    %broadcast_in_dim3A_123 = arith.constant 0 : i32
    %broadcast_in_dim3A_124 = vector.broadcast %broadcast_in_dim3A_123 : i32 to vector<16xi32>
    %swap3A_125 = arith.constant 79 : i32
    %swap3A_126 = arith.index_cast %swap3A_125 : i32 to index
    %swap3A_127 = arith.constant 112 : index
    %swap3A_128 = tpu.vector_load %arg6[%swap3A_126, %swap3A_127] {strides = array<i32>} : memref<80x128xi32, #tpu.memory_space<vmem>>, vector<1x16xi32>,
    %swap3A_129 = vector.shape_cast %swap3A_128 : vector<1x16xi32> to vector<16xi32>
    %swap3A_130 = vector.shape_cast %broadcast_in_dim3A_124 : vector<16xi32> to vector<1x16xi32>
    tpu.vector_store %arg6[%swap3A_126, %swap3A_127], %swap3A_130 {strides = array<i32>} : memref<80x128xi32, #tpu.memory_space<vmem>>, vector<1x16xi32>,
    %lt3A = arith.constant 4 : i32
    %lt3A_131 = arith.cmpi slt, %add3A, %lt3A : i32
    %convert_element_type3A = arith.extui %lt3A_131 : i1 to i32
    %cond3A = arith.constant 0 : i32
    %cond3A_132 = arith.cmpi ne, %convert_element_type3A, %cond3A : i32
    scf.if %cond3A_132 {
      %add3A_307 = arith.constant 2496 : i32
      %add3A_308 = arith.addi %add3A_307, %add3A : i32
      %run_scoped3A_309 = arith.constant 0 : i32
      "tpu.region"() ({
        %run_scoped3A_310 = tpu.sem_alloc : memref<!tpu.dma_semaphore, #tpu.memory_space<semaphore_mem>>
        %dma_start3A = arith.constant 78 : i32
        %dma_start3A_311 = arith.constant 0 : i32
        %dma_start3A_312 = tpu.memref_slice %arg6[%dma_start3A, %dma_start3A_311] : memref<80x128xi32, #tpu.memory_space<vmem>> -> memref<1x128xi32, #tpu.memory_space<vmem>>
        %dma_start3A_313 = arith.constant 0 : i32
        %dma_start3A_314 = arith.constant 0 : i32
        %dma_start3A_315 = tpu.memref_slice %arg2[%run_scoped3A_309, %dma_start3A_313, %dma_start3A_314] : memref<2x2500x128xi32, #tpu.memory_space<hbm>> -> memref<1x2500x128xi32, #tpu.memory_space<hbm>>
        %dma_start3A_316 = tpu.memref_squeeze %dma_start3A_315 : memref<1x2500x128xi32, #tpu.memory_space<hbm>> -> memref<2500x128xi32, #tpu.memory_space<hbm>>
        %dma_start3A_317 = arith.constant 0 : i32
        %dma_start3A_318 = tpu.memref_slice %dma_start3A_316[%add3A_308, %dma_start3A_317] : memref<2500x128xi32, #tpu.memory_space<hbm>> -> memref<1x128xi32, #tpu.memory_space<hbm>>
        %dma_start3A_319 = arith.constant 78 : i32
        %dma_start3A_320 = arith.constant 0 : i32
        %dma_start3A_321 = tpu.memref_slice %arg6[%dma_start3A_319, %dma_start3A_320] : memref<80x128xi32, #tpu.memory_space<vmem>> -> memref<1x128xi32, #tpu.memory_space<vmem>>
        %dma_start3A_322 = arith.constant 0 : i32
        %dma_start3A_323 = arith.constant 0 : i32
        %dma_start3A_324 = tpu.memref_slice %arg2[%run_scoped3A_309, %dma_start3A_322, %dma_start3A_323] : memref<2x2500x128xi32, #tpu.memory_space<hbm>> -> memref<1x2500x128xi32, #tpu.memory_space<hbm>>
        %dma_start3A_325 = tpu.memref_squeeze %dma_start3A_324 : memref<1x2500x128xi32, #tpu.memory_space<hbm>> -> memref<2500x128xi32, #tpu.memory_space<hbm>>
        %dma_start3A_326 = arith.constant 0 : i32
        %dma_start3A_327 = tpu.memref_slice %dma_start3A_325[%add3A_308, %dma_start3A_326] : memref<2500x128xi32, #tpu.memory_space<hbm>> -> memref<1x128xi32, #tpu.memory_space<hbm>>
        tpu.enqueue_dma source(%dma_start3A_327 : memref<1x128xi32, #tpu.memory_space<hbm>>) target(%dma_start3A_321 : memref<1x128xi32, #tpu.memory_space<vmem>>) target_semaphore(%run_scoped3A_310 : memref<!tpu.dma_semaphore, #tpu.memory_space<semaphore_mem>>)
        %dma_wait3A_328 = arith.constant 78 : i32
        %dma_wait3A_329 = arith.constant 0 : i32
        %dma_wait3A_330 = tpu.memref_slice %arg6[%dma_wait3A_328, %dma_wait3A_329] : memref<80x128xi32, #tpu.memory_space<vmem>> -> memref<1x128xi32, #tpu.memory_space<vmem>>
        %dma_wait3A_331 = arith.constant 0 : i32
        %dma_wait3A_332 = arith.constant 0 : i32
        %dma_wait3A_333 = tpu.memref_slice %arg2[%run_scoped3A_309, %dma_wait3A_331, %dma_wait3A_332] : memref<2x2500x128xi32, #tpu.memory_space<hbm>> -> memref<1x2500x128xi32, #tpu.memory_space<hbm>>
        %dma_wait3A_334 = tpu.memref_squeeze %dma_wait3A_333 : memref<1x2500x128xi32, #tpu.memory_space<hbm>> -> memref<2500x128xi32, #tpu.memory_space<hbm>>
        %dma_wait3A_335 = arith.constant 0 : i32
        %dma_wait3A_336 = tpu.memref_slice %dma_wait3A_334[%add3A_308, %dma_wait3A_335] : memref<2500x128xi32, #tpu.memory_space<hbm>> -> memref<1x128xi32, #tpu.memory_space<hbm>>
        %dma_wait3A_337 = arith.constant 78 : i32
        %dma_wait3A_338 = arith.constant 0 : i32
        %dma_wait3A_339 = tpu.memref_slice %arg6[%dma_wait3A_337, %dma_wait3A_338] : memref<80x128xi32, #tpu.memory_space<vmem>> -> memref<1x128xi32, #tpu.memory_space<vmem>>
        %dma_wait3A_340 = arith.constant 0 : i32
        %dma_wait3A_341 = arith.constant 0 : i32
        %dma_wait3A_342 = tpu.memref_slice %arg2[%run_scoped3A_309, %dma_wait3A_340, %dma_wait3A_341] : memref<2x2500x128xi32, #tpu.memory_space<hbm>> -> memref<1x2500x128xi32, #tpu.memory_space<hbm>>
        %dma_wait3A_343 = tpu.memref_squeeze %dma_wait3A_342 : memref<1x2500x128xi32, #tpu.memory_space<hbm>> -> memref<2500x128xi32, #tpu.memory_space<hbm>>
        %dma_wait3A_344 = arith.constant 0 : i32
        %dma_wait3A_345 = tpu.memref_slice %dma_wait3A_343[%add3A_308, %dma_wait3A_344] : memref<2500x128xi32, #tpu.memory_space<hbm>> -> memref<1x128xi32, #tpu.memory_space<hbm>>
        tpu.wait_dma2 semaphore(%run_scoped3A_310 : memref<!tpu.dma_semaphore, #tpu.memory_space<semaphore_mem>>) src(%dma_wait3A_345 : memref<1x128xi32, #tpu.memory_space<hbm>>) dst(%dma_wait3A_339 : memref<1x128xi32, #tpu.memory_space<vmem>>)
        tpu.yield
      }) : () -> ()
    } else {
    }
    %mul3A_133 = arith.constant 78 : i32
    %mul3A_134 = arith.muli %add3A, %mul3A_133 : i32
    %run_scoped3A_135 = arith.constant 1 : i32
    "tpu.region"() ({
      %run_scoped3A_307 = tpu.sem_alloc : memref<!tpu.dma_semaphore, #tpu.memory_space<semaphore_mem>>
      %dma_start3A = arith.constant 0 : i32
      %dma_start3A_308 = arith.constant 0 : i32
      %dma_start3A_309 = tpu.memref_slice %arg7[%dma_start3A, %dma_start3A_308] : memref<80x128xi32, #tpu.memory_space<vmem>> -> memref<78x128xi32, #tpu.memory_space<vmem>>
      %dma_start3A_310 = arith.constant 0 : i32
      %dma_start3A_311 = arith.constant 0 : i32
      %dma_start3A_312 = tpu.memref_slice %arg2[%run_scoped3A_135, %dma_start3A_310, %dma_start3A_311] : memref<2x2500x128xi32, #tpu.memory_space<hbm>> -> memref<1x2500x128xi32, #tpu.memory_space<hbm>>
      %dma_start3A_313 = tpu.memref_squeeze %dma_start3A_312 : memref<1x2500x128xi32, #tpu.memory_space<hbm>> -> memref<2500x128xi32, #tpu.memory_space<hbm>>
      %dma_start3A_314 = arith.constant 0 : i32
      %dma_start3A_315 = tpu.memref_slice %dma_start3A_313[%mul3A_134, %dma_start3A_314] : memref<2500x128xi32, #tpu.memory_space<hbm>> -> memref<78x128xi32, #tpu.memory_space<hbm>>
      %dma_start3A_316 = arith.constant 0 : i32
      %dma_start3A_317 = arith.constant 0 : i32
      %dma_start3A_318 = tpu.memref_slice %arg7[%dma_start3A_316, %dma_start3A_317] : memref<80x128xi32, #tpu.memory_space<vmem>> -> memref<78x128xi32, #tpu.memory_space<vmem>>
      %dma_start3A_319 = arith.constant 0 : i32
      %dma_start3A_320 = arith.constant 0 : i32
      %dma_start3A_321 = tpu.memref_slice %arg2[%run_scoped3A_135, %dma_start3A_319, %dma_start3A_320] : memref<2x2500x128xi32, #tpu.memory_space<hbm>> -> memref<1x2500x128xi32, #tpu.memory_space<hbm>>
      %dma_start3A_322 = tpu.memref_squeeze %dma_start3A_321 : memref<1x2500x128xi32, #tpu.memory_space<hbm>> -> memref<2500x128xi32, #tpu.memory_space<hbm>>
      %dma_start3A_323 = arith.constant 0 : i32
      %dma_start3A_324 = tpu.memref_slice %dma_start3A_322[%mul3A_134, %dma_start3A_323] : memref<2500x128xi32, #tpu.memory_space<hbm>> -> memref<78x128xi32, #tpu.memory_space<hbm>>
      tpu.enqueue_dma source(%dma_start3A_324 : memref<78x128xi32, #tpu.memory_space<hbm>>) target(%dma_start3A_318 : memref<78x128xi32, #tpu.memory_space<vmem>>) target_semaphore(%run_scoped3A_307 : memref<!tpu.dma_semaphore, #tpu.memory_space<semaphore_mem>>)
      %dma_wait3A_325 = arith.constant 0 : i32
      %dma_wait3A_326 = arith.constant 0 : i32
      %dma_wait3A_327 = tpu.memref_slice %arg7[%dma_wait3A_325, %dma_wait3A_326] : memref<80x128xi32, #tpu.memory_space<vmem>> -> memref<78x128xi32, #tpu.memory_space<vmem>>
      %dma_wait3A_328 = arith.constant 0 : i32
      %dma_wait3A_329 = arith.constant 0 : i32
      %dma_wait3A_330 = tpu.memref_slice %arg2[%run_scoped3A_135, %dma_wait3A_328, %dma_wait3A_329] : memref<2x2500x128xi32, #tpu.memory_space<hbm>> -> memref<1x2500x128xi32, #tpu.memory_space<hbm>>
      %dma_wait3A_331 = tpu.memref_squeeze %dma_wait3A_330 : memref<1x2500x128xi32, #tpu.memory_space<hbm>> -> memref<2500x128xi32, #tpu.memory_space<hbm>>
      %dma_wait3A_332 = arith.constant 0 : i32
      %dma_wait3A_333 = tpu.memref_slice %dma_wait3A_331[%mul3A_134, %dma_wait3A_332] : memref<2500x128xi32, #tpu.memory_space<hbm>> -> memref<78x128xi32, #tpu.memory_space<hbm>>
      %dma_wait3A_334 = arith.constant 0 : i32
      %dma_wait3A_335 = arith.constant 0 : i32
      %dma_wait3A_336 = tpu.memref_slice %arg7[%dma_wait3A_334, %dma_wait3A_335] : memref<80x128xi32, #tpu.memory_space<vmem>> -> memref<78x128xi32, #tpu.memory_space<vmem>>
      %dma_wait3A_337 = arith.constant 0 : i32
      %dma_wait3A_338 = arith.constant 0 : i32
      %dma_wait3A_339 = tpu.memref_slice %arg2[%run_scoped3A_135, %dma_wait3A_337, %dma_wait3A_338] : memref<2x2500x128xi32, #tpu.memory_space<hbm>> -> memref<1x2500x128xi32, #tpu.memory_space<hbm>>
      %dma_wait3A_340 = tpu.memref_squeeze %dma_wait3A_339 : memref<1x2500x128xi32, #tpu.memory_space<hbm>> -> memref<2500x128xi32, #tpu.memory_space<hbm>>
      %dma_wait3A_341 = arith.constant 0 : i32
      %dma_wait3A_342 = tpu.memref_slice %dma_wait3A_340[%mul3A_134, %dma_wait3A_341] : memref<2500x128xi32, #tpu.memory_space<hbm>> -> memref<78x128xi32, #tpu.memory_space<hbm>>
      tpu.wait_dma2 semaphore(%run_scoped3A_307 : memref<!tpu.dma_semaphore, #tpu.memory_space<semaphore_mem>>) src(%dma_wait3A_342 : memref<78x128xi32, #tpu.memory_space<hbm>>) dst(%dma_wait3A_336 : memref<78x128xi32, #tpu.memory_space<vmem>>)
      tpu.yield
    }) : () -> ()
    %broadcast_in_dim3A_136 = arith.constant 10000 : i32
    %broadcast_in_dim3A_137 = vector.broadcast %broadcast_in_dim3A_136 : i32 to vector<16xi32>
    %swap3A_138 = arith.constant 78 : i32
    %swap3A_139 = arith.index_cast %swap3A_138 : i32 to index
    %swap3A_140 = arith.constant 0 : index
    %swap3A_141 = tpu.vector_load %arg7[%swap3A_139, %swap3A_140] {strides = array<i32>} : memref<80x128xi32, #tpu.memory_space<vmem>>, vector<1x16xi32>,
    %swap3A_142 = vector.shape_cast %swap3A_141 : vector<1x16xi32> to vector<16xi32>
    %swap3A_143 = vector.shape_cast %broadcast_in_dim3A_137 : vector<16xi32> to vector<1x16xi32>
    tpu.vector_store %arg7[%swap3A_139, %swap3A_140], %swap3A_143 {strides = array<i32>} : memref<80x128xi32, #tpu.memory_space<vmem>>, vector<1x16xi32>,
    %broadcast_in_dim3A_144 = arith.constant 10000 : i32
    %broadcast_in_dim3A_145 = vector.broadcast %broadcast_in_dim3A_144 : i32 to vector<16xi32>
    %swap3A_146 = arith.constant 78 : i32
    %swap3A_147 = arith.index_cast %swap3A_146 : i32 to index
    %swap3A_148 = arith.constant 16 : index
    %swap3A_149 = tpu.vector_load %arg7[%swap3A_147, %swap3A_148] {strides = array<i32>} : memref<80x128xi32, #tpu.memory_space<vmem>>, vector<1x16xi32>,
    %swap3A_150 = vector.shape_cast %swap3A_149 : vector<1x16xi32> to vector<16xi32>
    %swap3A_151 = vector.shape_cast %broadcast_in_dim3A_145 : vector<16xi32> to vector<1x16xi32>
    tpu.vector_store %arg7[%swap3A_147, %swap3A_148], %swap3A_151 {strides = array<i32>} : memref<80x128xi32, #tpu.memory_space<vmem>>, vector<1x16xi32>,
    %broadcast_in_dim3A_152 = arith.constant 10000 : i32
    %broadcast_in_dim3A_153 = vector.broadcast %broadcast_in_dim3A_152 : i32 to vector<16xi32>
    %swap3A_154 = arith.constant 78 : i32
    %swap3A_155 = arith.index_cast %swap3A_154 : i32 to index
    %swap3A_156 = arith.constant 32 : index
    %swap3A_157 = tpu.vector_load %arg7[%swap3A_155, %swap3A_156] {strides = array<i32>} : memref<80x128xi32, #tpu.memory_space<vmem>>, vector<1x16xi32>,
    %swap3A_158 = vector.shape_cast %swap3A_157 : vector<1x16xi32> to vector<16xi32>
    %swap3A_159 = vector.shape_cast %broadcast_in_dim3A_153 : vector<16xi32> to vector<1x16xi32>
    tpu.vector_store %arg7[%swap3A_155, %swap3A_156], %swap3A_159 {strides = array<i32>} : memref<80x128xi32, #tpu.memory_space<vmem>>, vector<1x16xi32>,
    %broadcast_in_dim3A_160 = arith.constant 10000 : i32
    %broadcast_in_dim3A_161 = vector.broadcast %broadcast_in_dim3A_160 : i32 to vector<16xi32>
    %swap3A_162 = arith.constant 78 : i32
    %swap3A_163 = arith.index_cast %swap3A_162 : i32 to index
    %swap3A_164 = arith.constant 48 : index
    %swap3A_165 = tpu.vector_load %arg7[%swap3A_163, %swap3A_164] {strides = array<i32>} : memref<80x128xi32, #tpu.memory_space<vmem>>, vector<1x16xi32>,
    %swap3A_166 = vector.shape_cast %swap3A_165 : vector<1x16xi32> to vector<16xi32>
    %swap3A_167 = vector.shape_cast %broadcast_in_dim3A_161 : vector<16xi32> to vector<1x16xi32>
    tpu.vector_store %arg7[%swap3A_163, %swap3A_164], %swap3A_167 {strides = array<i32>} : memref<80x128xi32, #tpu.memory_space<vmem>>, vector<1x16xi32>,
    %broadcast_in_dim3A_168 = arith.constant 10000 : i32
    %broadcast_in_dim3A_169 = vector.broadcast %broadcast_in_dim3A_168 : i32 to vector<16xi32>
    %swap3A_170 = arith.constant 78 : i32
    %swap3A_171 = arith.index_cast %swap3A_170 : i32 to index
    %swap3A_172 = arith.constant 64 : index
    %swap3A_173 = tpu.vector_load %arg7[%swap3A_171, %swap3A_172] {strides = array<i32>} : memref<80x128xi32, #tpu.memory_space<vmem>>, vector<1x16xi32>,
    %swap3A_174 = vector.shape_cast %swap3A_173 : vector<1x16xi32> to vector<16xi32>
    %swap3A_175 = vector.shape_cast %broadcast_in_dim3A_169 : vector<16xi32> to vector<1x16xi32>
    tpu.vector_store %arg7[%swap3A_171, %swap3A_172], %swap3A_175 {strides = array<i32>} : memref<80x128xi32, #tpu.memory_space<vmem>>, vector<1x16xi32>,
    %broadcast_in_dim3A_176 = arith.constant 10000 : i32
    %broadcast_in_dim3A_177 = vector.broadcast %broadcast_in_dim3A_176 : i32 to vector<16xi32>
    %swap3A_178 = arith.constant 78 : i32
    %swap3A_179 = arith.index_cast %swap3A_178 : i32 to index
    %swap3A_180 = arith.constant 80 : index
    %swap3A_181 = tpu.vector_load %arg7[%swap3A_179, %swap3A_180] {strides = array<i32>} : memref<80x128xi32, #tpu.memory_space<vmem>>, vector<1x16xi32>,
    %swap3A_182 = vector.shape_cast %swap3A_181 : vector<1x16xi32> to vector<16xi32>
    %swap3A_183 = vector.shape_cast %broadcast_in_dim3A_177 : vector<16xi32> to vector<1x16xi32>
    tpu.vector_store %arg7[%swap3A_179, %swap3A_180], %swap3A_183 {strides = array<i32>} : memref<80x128xi32, #tpu.memory_space<vmem>>, vector<1x16xi32>,
    %broadcast_in_dim3A_184 = arith.constant 10000 : i32
    %broadcast_in_dim3A_185 = vector.broadcast %broadcast_in_dim3A_184 : i32 to vector<16xi32>
    %swap3A_186 = arith.constant 78 : i32
    %swap3A_187 = arith.index_cast %swap3A_186 : i32 to index
    %swap3A_188 = arith.constant 96 : index
    %swap3A_189 = tpu.vector_load %arg7[%swap3A_187, %swap3A_188] {strides = array<i32>} : memref<80x128xi32, #tpu.memory_space<vmem>>, vector<1x16xi32>,
    %swap3A_190 = vector.shape_cast %swap3A_189 : vector<1x16xi32> to vector<16xi32>
    %swap3A_191 = vector.shape_cast %broadcast_in_dim3A_185 : vector<16xi32> to vector<1x16xi32>
    tpu.vector_store %arg7[%swap3A_187, %swap3A_188], %swap3A_191 {strides = array<i32>} : memref<80x128xi32, #tpu.memory_space<vmem>>, vector<1x16xi32>,
    %broadcast_in_dim3A_192 = arith.constant 10000 : i32
    %broadcast_in_dim3A_193 = vector.broadcast %broadcast_in_dim3A_192 : i32 to vector<16xi32>
    %swap3A_194 = arith.constant 78 : i32
    %swap3A_195 = arith.index_cast %swap3A_194 : i32 to index
    %swap3A_196 = arith.constant 112 : index
    %swap3A_197 = tpu.vector_load %arg7[%swap3A_195, %swap3A_196] {strides = array<i32>} : memref<80x128xi32, #tpu.memory_space<vmem>>, vector<1x16xi32>,
    %swap3A_198 = vector.shape_cast %swap3A_197 : vector<1x16xi32> to vector<16xi32>
    %swap3A_199 = vector.shape_cast %broadcast_in_dim3A_193 : vector<16xi32> to vector<1x16xi32>
    tpu.vector_store %arg7[%swap3A_195, %swap3A_196], %swap3A_199 {strides = array<i32>} : memref<80x128xi32, #tpu.memory_space<vmem>>, vector<1x16xi32>,
    %broadcast_in_dim3A_200 = arith.constant 10000 : i32
    %broadcast_in_dim3A_201 = vector.broadcast %broadcast_in_dim3A_200 : i32 to vector<16xi32>
    %swap3A_202 = arith.constant 79 : i32
    %swap3A_203 = arith.index_cast %swap3A_202 : i32 to index
    %swap3A_204 = arith.constant 0 : index
    %swap3A_205 = tpu.vector_load %arg7[%swap3A_203, %swap3A_204] {strides = array<i32>} : memref<80x128xi32, #tpu.memory_space<vmem>>, vector<1x16xi32>,
    %swap3A_206 = vector.shape_cast %swap3A_205 : vector<1x16xi32> to vector<16xi32>
    %swap3A_207 = vector.shape_cast %broadcast_in_dim3A_201 : vector<16xi32> to vector<1x16xi32>
    tpu.vector_store %arg7[%swap3A_203, %swap3A_204], %swap3A_207 {strides = array<i32>} : memref<80x128xi32, #tpu.memory_space<vmem>>, vector<1x16xi32>,
    %broadcast_in_dim3A_208 = arith.constant 10000 : i32
    %broadcast_in_dim3A_209 = vector.broadcast %broadcast_in_dim3A_208 : i32 to vector<16xi32>
    %swap3A_210 = arith.constant 79 : i32
    %swap3A_211 = arith.index_cast %swap3A_210 : i32 to index
    %swap3A_212 = arith.constant 16 : index
    %swap3A_213 = tpu.vector_load %arg7[%swap3A_211, %swap3A_212] {strides = array<i32>} : memref<80x128xi32, #tpu.memory_space<vmem>>, vector<1x16xi32>,
    %swap3A_214 = vector.shape_cast %swap3A_213 : vector<1x16xi32> to vector<16xi32>
    %swap3A_215 = vector.shape_cast %broadcast_in_dim3A_209 : vector<16xi32> to vector<1x16xi32>
    tpu.vector_store %arg7[%swap3A_211, %swap3A_212], %swap3A_215 {strides = array<i32>} : memref<80x128xi32, #tpu.memory_space<vmem>>, vector<1x16xi32>,
    %broadcast_in_dim3A_216 = arith.constant 10000 : i32
    %broadcast_in_dim3A_217 = vector.broadcast %broadcast_in_dim3A_216 : i32 to vector<16xi32>
    %swap3A_218 = arith.constant 79 : i32
    %swap3A_219 = arith.index_cast %swap3A_218 : i32 to index
    %swap3A_220 = arith.constant 32 : index
    %swap3A_221 = tpu.vector_load %arg7[%swap3A_219, %swap3A_220] {strides = array<i32>} : memref<80x128xi32, #tpu.memory_space<vmem>>, vector<1x16xi32>,
    %swap3A_222 = vector.shape_cast %swap3A_221 : vector<1x16xi32> to vector<16xi32>
    %swap3A_223 = vector.shape_cast %broadcast_in_dim3A_217 : vector<16xi32> to vector<1x16xi32>
    tpu.vector_store %arg7[%swap3A_219, %swap3A_220], %swap3A_223 {strides = array<i32>} : memref<80x128xi32, #tpu.memory_space<vmem>>, vector<1x16xi32>,
    %broadcast_in_dim3A_224 = arith.constant 10000 : i32
    %broadcast_in_dim3A_225 = vector.broadcast %broadcast_in_dim3A_224 : i32 to vector<16xi32>
    %swap3A_226 = arith.constant 79 : i32
    %swap3A_227 = arith.index_cast %swap3A_226 : i32 to index
    %swap3A_228 = arith.constant 48 : index
    %swap3A_229 = tpu.vector_load %arg7[%swap3A_227, %swap3A_228] {strides = array<i32>} : memref<80x128xi32, #tpu.memory_space<vmem>>, vector<1x16xi32>,
    %swap3A_230 = vector.shape_cast %swap3A_229 : vector<1x16xi32> to vector<16xi32>
    %swap3A_231 = vector.shape_cast %broadcast_in_dim3A_225 : vector<16xi32> to vector<1x16xi32>
    tpu.vector_store %arg7[%swap3A_227, %swap3A_228], %swap3A_231 {strides = array<i32>} : memref<80x128xi32, #tpu.memory_space<vmem>>, vector<1x16xi32>,
    %broadcast_in_dim3A_232 = arith.constant 10000 : i32
    %broadcast_in_dim3A_233 = vector.broadcast %broadcast_in_dim3A_232 : i32 to vector<16xi32>
    %swap3A_234 = arith.constant 79 : i32
    %swap3A_235 = arith.index_cast %swap3A_234 : i32 to index
    %swap3A_236 = arith.constant 64 : index
    %swap3A_237 = tpu.vector_load %arg7[%swap3A_235, %swap3A_236] {strides = array<i32>} : memref<80x128xi32, #tpu.memory_space<vmem>>, vector<1x16xi32>,
    %swap3A_238 = vector.shape_cast %swap3A_237 : vector<1x16xi32> to vector<16xi32>
    %swap3A_239 = vector.shape_cast %broadcast_in_dim3A_233 : vector<16xi32> to vector<1x16xi32>
    tpu.vector_store %arg7[%swap3A_235, %swap3A_236], %swap3A_239 {strides = array<i32>} : memref<80x128xi32, #tpu.memory_space<vmem>>, vector<1x16xi32>,
    %broadcast_in_dim3A_240 = arith.constant 10000 : i32
    %broadcast_in_dim3A_241 = vector.broadcast %broadcast_in_dim3A_240 : i32 to vector<16xi32>
    %swap3A_242 = arith.constant 79 : i32
    %swap3A_243 = arith.index_cast %swap3A_242 : i32 to index
    %swap3A_244 = arith.constant 80 : index
    %swap3A_245 = tpu.vector_load %arg7[%swap3A_243, %swap3A_244] {strides = array<i32>} : memref<80x128xi32, #tpu.memory_space<vmem>>, vector<1x16xi32>,
    %swap3A_246 = vector.shape_cast %swap3A_245 : vector<1x16xi32> to vector<16xi32>
    %swap3A_247 = vector.shape_cast %broadcast_in_dim3A_241 : vector<16xi32> to vector<1x16xi32>
    tpu.vector_store %arg7[%swap3A_243, %swap3A_244], %swap3A_247 {strides = array<i32>} : memref<80x128xi32, #tpu.memory_space<vmem>>, vector<1x16xi32>,
    %broadcast_in_dim3A_248 = arith.constant 10000 : i32
    %broadcast_in_dim3A_249 = vector.broadcast %broadcast_in_dim3A_248 : i32 to vector<16xi32>
    %swap3A_250 = arith.constant 79 : i32
    %swap3A_251 = arith.index_cast %swap3A_250 : i32 to index
    %swap3A_252 = arith.constant 96 : index
    %swap3A_253 = tpu.vector_load %arg7[%swap3A_251, %swap3A_252] {strides = array<i32>} : memref<80x128xi32, #tpu.memory_space<vmem>>, vector<1x16xi32>,
    %swap3A_254 = vector.shape_cast %swap3A_253 : vector<1x16xi32> to vector<16xi32>
    %swap3A_255 = vector.shape_cast %broadcast_in_dim3A_249 : vector<16xi32> to vector<1x16xi32>
    tpu.vector_store %arg7[%swap3A_251, %swap3A_252], %swap3A_255 {strides = array<i32>} : memref<80x128xi32, #tpu.memory_space<vmem>>, vector<1x16xi32>,
    %broadcast_in_dim3A_256 = arith.constant 10000 : i32
    %broadcast_in_dim3A_257 = vector.broadcast %broadcast_in_dim3A_256 : i32 to vector<16xi32>
    %swap3A_258 = arith.constant 79 : i32
    %swap3A_259 = arith.index_cast %swap3A_258 : i32 to index
    %swap3A_260 = arith.constant 112 : index
    %swap3A_261 = tpu.vector_load %arg7[%swap3A_259, %swap3A_260] {strides = array<i32>} : memref<80x128xi32, #tpu.memory_space<vmem>>, vector<1x16xi32>,
    %swap3A_262 = vector.shape_cast %swap3A_261 : vector<1x16xi32> to vector<16xi32>
    %swap3A_263 = vector.shape_cast %broadcast_in_dim3A_257 : vector<16xi32> to vector<1x16xi32>
    tpu.vector_store %arg7[%swap3A_259, %swap3A_260], %swap3A_263 {strides = array<i32>} : memref<80x128xi32, #tpu.memory_space<vmem>>, vector<1x16xi32>,
    %lt3A_264 = arith.constant 4 : i32
    %lt3A_265 = arith.cmpi slt, %add3A, %lt3A_264 : i32
    %convert_element_type3A_266 = arith.extui %lt3A_265 : i1 to i32
    %cond3A_267 = arith.constant 0 : i32
    %cond3A_268 = arith.cmpi ne, %convert_element_type3A_266, %cond3A_267 : i32
    scf.if %cond3A_268 {
      %add3A_307 = arith.constant 2496 : i32
      %add3A_308 = arith.addi %add3A_307, %add3A : i32
      %run_scoped3A_309 = arith.constant 1 : i32
      "tpu.region"() ({
        %run_scoped3A_310 = tpu.sem_alloc : memref<!tpu.dma_semaphore, #tpu.memory_space<semaphore_mem>>
        %dma_start3A = arith.constant 78 : i32
        %dma_start3A_311 = arith.constant 0 : i32
        %dma_start3A_312 = tpu.memref_slice %arg7[%dma_start3A, %dma_start3A_311] : memref<80x128xi32, #tpu.memory_space<vmem>> -> memref<1x128xi32, #tpu.memory_space<vmem>>
        %dma_start3A_313 = arith.constant 0 : i32
        %dma_start3A_314 = arith.constant 0 : i32
        %dma_start3A_315 = tpu.memref_slice %arg2[%run_scoped3A_309, %dma_start3A_313, %dma_start3A_314] : memref<2x2500x128xi32, #tpu.memory_space<hbm>> -> memref<1x2500x128xi32, #tpu.memory_space<hbm>>
        %dma_start3A_316 = tpu.memref_squeeze %dma_start3A_315 : memref<1x2500x128xi32, #tpu.memory_space<hbm>> -> memref<2500x128xi32, #tpu.memory_space<hbm>>
        %dma_start3A_317 = arith.constant 0 : i32
        %dma_start3A_318 = tpu.memref_slice %dma_start3A_316[%add3A_308, %dma_start3A_317] : memref<2500x128xi32, #tpu.memory_space<hbm>> -> memref<1x128xi32, #tpu.memory_space<hbm>>
        %dma_start3A_319 = arith.constant 78 : i32
        %dma_start3A_320 = arith.constant 0 : i32
        %dma_start3A_321 = tpu.memref_slice %arg7[%dma_start3A_319, %dma_start3A_320] : memref<80x128xi32, #tpu.memory_space<vmem>> -> memref<1x128xi32, #tpu.memory_space<vmem>>
        %dma_start3A_322 = arith.constant 0 : i32
        %dma_start3A_323 = arith.constant 0 : i32
        %dma_start3A_324 = tpu.memref_slice %arg2[%run_scoped3A_309, %dma_start3A_322, %dma_start3A_323] : memref<2x2500x128xi32, #tpu.memory_space<hbm>> -> memref<1x2500x128xi32, #tpu.memory_space<hbm>>
        %dma_start3A_325 = tpu.memref_squeeze %dma_start3A_324 : memref<1x2500x128xi32, #tpu.memory_space<hbm>> -> memref<2500x128xi32, #tpu.memory_space<hbm>>
        %dma_start3A_326 = arith.constant 0 : i32
        %dma_start3A_327 = tpu.memref_slice %dma_start3A_325[%add3A_308, %dma_start3A_326] : memref<2500x128xi32, #tpu.memory_space<hbm>> -> memref<1x128xi32, #tpu.memory_space<hbm>>
        tpu.enqueue_dma source(%dma_start3A_327 : memref<1x128xi32, #tpu.memory_space<hbm>>) target(%dma_start3A_321 : memref<1x128xi32, #tpu.memory_space<vmem>>) target_semaphore(%run_scoped3A_310 : memref<!tpu.dma_semaphore, #tpu.memory_space<semaphore_mem>>)
        %dma_wait3A_328 = arith.constant 78 : i32
        %dma_wait3A_329 = arith.constant 0 : i32
        %dma_wait3A_330 = tpu.memref_slice %arg7[%dma_wait3A_328, %dma_wait3A_329] : memref<80x128xi32, #tpu.memory_space<vmem>> -> memref<1x128xi32, #tpu.memory_space<vmem>>
        %dma_wait3A_331 = arith.constant 0 : i32
        %dma_wait3A_332 = arith.constant 0 : i32
        %dma_wait3A_333 = tpu.memref_slice %arg2[%run_scoped3A_309, %dma_wait3A_331, %dma_wait3A_332] : memref<2x2500x128xi32, #tpu.memory_space<hbm>> -> memref<1x2500x128xi32, #tpu.memory_space<hbm>>
        %dma_wait3A_334 = tpu.memref_squeeze %dma_wait3A_333 : memref<1x2500x128xi32, #tpu.memory_space<hbm>> -> memref<2500x128xi32, #tpu.memory_space<hbm>>
        %dma_wait3A_335 = arith.constant 0 : i32
        %dma_wait3A_336 = tpu.memref_slice %dma_wait3A_334[%add3A_308, %dma_wait3A_335] : memref<2500x128xi32, #tpu.memory_space<hbm>> -> memref<1x128xi32, #tpu.memory_space<hbm>>
        %dma_wait3A_337 = arith.constant 78 : i32
        %dma_wait3A_338 = arith.constant 0 : i32
        %dma_wait3A_339 = tpu.memref_slice %arg7[%dma_wait3A_337, %dma_wait3A_338] : memref<80x128xi32, #tpu.memory_space<vmem>> -> memref<1x128xi32, #tpu.memory_space<vmem>>
        %dma_wait3A_340 = arith.constant 0 : i32
        %dma_wait3A_341 = arith.constant 0 : i32
        %dma_wait3A_342 = tpu.memref_slice %arg2[%run_scoped3A_309, %dma_wait3A_340, %dma_wait3A_341] : memref<2x2500x128xi32, #tpu.memory_space<hbm>> -> memref<1x2500x128xi32, #tpu.memory_space<hbm>>
        %dma_wait3A_343 = tpu.memref_squeeze %dma_wait3A_342 : memref<1x2500x128xi32, #tpu.memory_space<hbm>> -> memref<2500x128xi32, #tpu.memory_space<hbm>>
        %dma_wait3A_344 = arith.constant 0 : i32
        %dma_wait3A_345 = tpu.memref_slice %dma_wait3A_343[%add3A_308, %dma_wait3A_344] : memref<2500x128xi32, #tpu.memory_space<hbm>> -> memref<1x128xi32, #tpu.memory_space<hbm>>
        tpu.wait_dma2 semaphore(%run_scoped3A_310 : memref<!tpu.dma_semaphore, #tpu.memory_space<semaphore_mem>>) src(%dma_wait3A_345 : memref<1x128xi32, #tpu.memory_space<hbm>>) dst(%dma_wait3A_339 : memref<1x128xi32, #tpu.memory_space<vmem>>)
        tpu.yield
      }) : () -> ()
    } else {
    }
    "tpu.region"() ({
      %run_scoped3A_307 = tpu.sem_alloc : memref<!tpu.dma_semaphore, #tpu.memory_space<semaphore_mem>>
      %dma_start3A = arith.constant 0 : i32
      %dma_start3A_308 = tpu.memref_slice %arg10[%mul3A_2, %dma_start3A] : memref<10112x8xf32, #tpu.memory_space<vmem_shared>> -> memref<632x8xf32, #tpu.memory_space<vmem_shared>>
      %dma_start3A_309 = arith.constant 0 : i32
      %dma_start3A_310 = tpu.memref_slice %arg4[%mul3A_2, %dma_start3A_309] : memref<10112x8xf32, #tpu.memory_space<hbm>> -> memref<632x8xf32, #tpu.memory_space<hbm>>
      tpu.enqueue_dma source(%dma_start3A_310 : memref<632x8xf32, #tpu.memory_space<hbm>>) target(%dma_start3A_308 : memref<632x8xf32, #tpu.memory_space<vmem_shared>>) target_semaphore(%run_scoped3A_307 : memref<!tpu.dma_semaphore, #tpu.memory_space<semaphore_mem>>)
      %dma_wait3A_311 = arith.constant 0 : i32
      %dma_wait3A_312 = tpu.memref_slice %arg10[%mul3A_2, %dma_wait3A_311] : memref<10112x8xf32, #tpu.memory_space<vmem_shared>> -> memref<632x8xf32, #tpu.memory_space<vmem_shared>>
      %dma_wait3A_313 = arith.constant 0 : i32
      %dma_wait3A_314 = tpu.memref_slice %arg4[%mul3A_2, %dma_wait3A_313] : memref<10112x8xf32, #tpu.memory_space<hbm>> -> memref<632x8xf32, #tpu.memory_space<hbm>>
      tpu.wait_dma2 semaphore(%run_scoped3A_307 : memref<!tpu.dma_semaphore, #tpu.memory_space<semaphore_mem>>) src(%dma_wait3A_314 : memref<632x8xf32, #tpu.memory_space<hbm>>) dst(%dma_wait3A_312 : memref<632x8xf32, #tpu.memory_space<vmem_shared>>)
      tpu.yield
    }) : () -> ()
    "tpu.region"() ({
      %run_scoped3A_307 = tpu.sem_alloc : memref<!tpu.dma_semaphore, #tpu.memory_space<semaphore_mem>>
      %dma_start3A = arith.constant 0 : i32
      %dma_start3A_308 = tpu.memref_slice %arg11[%mul3A_2, %dma_start3A] : memref<10112x8xf32, #tpu.memory_space<vmem_shared>> -> memref<632x8xf32, #tpu.memory_space<vmem_shared>>
      %dma_start3A_309 = arith.constant 0 : i32
      %dma_start3A_310 = tpu.memref_slice %arg3[%mul3A_2, %dma_start3A_309] : memref<10112x8xf32, #tpu.memory_space<hbm>> -> memref<632x8xf32, #tpu.memory_space<hbm>>
      tpu.enqueue_dma source(%dma_start3A_310 : memref<632x8xf32, #tpu.memory_space<hbm>>) target(%dma_start3A_308 : memref<632x8xf32, #tpu.memory_space<vmem_shared>>) target_semaphore(%run_scoped3A_307 : memref<!tpu.dma_semaphore, #tpu.memory_space<semaphore_mem>>)
      %dma_wait3A_311 = arith.constant 0 : i32
      %dma_wait3A_312 = tpu.memref_slice %arg11[%mul3A_2, %dma_wait3A_311] : memref<10112x8xf32, #tpu.memory_space<vmem_shared>> -> memref<632x8xf32, #tpu.memory_space<vmem_shared>>
      %dma_wait3A_313 = arith.constant 0 : i32
      %dma_wait3A_314 = tpu.memref_slice %arg3[%mul3A_2, %dma_wait3A_313] : memref<10112x8xf32, #tpu.memory_space<hbm>> -> memref<632x8xf32, #tpu.memory_space<hbm>>
      tpu.wait_dma2 semaphore(%run_scoped3A_307 : memref<!tpu.dma_semaphore, #tpu.memory_space<semaphore_mem>>) src(%dma_wait3A_314 : memref<632x8xf32, #tpu.memory_space<hbm>>) dst(%dma_wait3A_312 : memref<632x8xf32, #tpu.memory_space<vmem_shared>>)
      tpu.yield
    }) : () -> ()
    %barrier3A = arith.constant 0 : index
    tpu.barrier barrier_id(%barrier3A)
    %lt3A_269 = arith.constant 2 : i32
    %lt3A_270 = arith.cmpi slt, %arg1, %lt3A_269 : i32
    %convert_element_type3A_271 = arith.extui %lt3A_270 : i1 to i32
    %cond3A_272 = arith.constant 0 : i32
    %cond3A_273 = arith.cmpi ne, %convert_element_type3A_271, %cond3A_272 : i32
    scf.if %cond3A_273 {
      %dma_start3A = arith.constant 0 : i32
      %dma_start3A_307 = arith.constant 0 : i32
      %dma_start3A_308 = tpu.memref_slice %arg6[%dma_start3A, %dma_start3A_307] : memref<80x128xi32, #tpu.memory_space<vmem>> -> memref<1x128xi32, #tpu.memory_space<vmem>>
      %dma_start3A_309 = tpu.memref_squeeze %dma_start3A_308 : memref<1x128xi32, #tpu.memory_space<vmem>> -> memref<128xi32, #tpu.memory_space<vmem>>
      %dma_start3A_310 = arith.constant 0 : i32
      %dma_start3A_311 = arith.constant 0 : i32
      %dma_start3A_312 = tpu.memref_slice %arg3[%dma_start3A_310, %dma_start3A_311] : memref<10112x8xf32, #tpu.memory_space<hbm>> -> memref<10112x8xf32, #tpu.memory_space<hbm>>
      tpu.enqueue_indirect_dma source(%dma_start3A_312 : memref<10112x8xf32, #tpu.memory_space<hbm>>) target(%arg8 : memref<128x8xf32, #tpu.memory_space<vmem>>) offsets(%dma_start3A_309 : memref<128xi32, #tpu.memory_space<vmem>>) semaphore(%arg12 : memref<!tpu.dma_semaphore, #tpu.memory_space<semaphore_mem>>)
    } else {
    }
    %not3A = arith.constant true
    %not3A_274 = arith.xori %lt3A_270, %not3A : i1
    %convert_element_type3A_275 = arith.extui %not3A_274 : i1 to i32
    %cond3A_276 = arith.constant 0 : i32
    %cond3A_277 = arith.cmpi ne, %convert_element_type3A_275, %cond3A_276 : i32
    scf.if %cond3A_277 {
      %dma_start3A = arith.constant 0 : i32
      %dma_start3A_307 = arith.constant 0 : i32
      %dma_start3A_308 = tpu.memref_slice %arg6[%dma_start3A, %dma_start3A_307] : memref<80x128xi32, #tpu.memory_space<vmem>> -> memref<1x128xi32, #tpu.memory_space<vmem>>
      %dma_start3A_309 = tpu.memref_squeeze %dma_start3A_308 : memref<1x128xi32, #tpu.memory_space<vmem>> -> memref<128xi32, #tpu.memory_space<vmem>>
      %dma_start3A_310 = arith.constant 0 : i32
      %dma_start3A_311 = arith.constant 0 : i32
      %dma_start3A_312 = tpu.memref_slice %arg11[%dma_start3A_310, %dma_start3A_311] : memref<10112x8xf32, #tpu.memory_space<vmem_shared>> -> memref<10112x8xf32, #tpu.memory_space<vmem_shared>>
      tpu.enqueue_indirect_dma source(%dma_start3A_312 : memref<10112x8xf32, #tpu.memory_space<vmem_shared>>) target(%arg8 : memref<128x8xf32, #tpu.memory_space<vmem>>) offsets(%dma_start3A_309 : memref<128xi32, #tpu.memory_space<vmem>>) semaphore(%arg12 : memref<!tpu.dma_semaphore, #tpu.memory_space<semaphore_mem>>)
    } else {
    }
    %convert_element_type3A_278 = arith.extui %lt3A_270 : i1 to i32
    %cond3A_279 = arith.constant 0 : i32
    %cond3A_280 = arith.cmpi ne, %convert_element_type3A_278, %cond3A_279 : i32
    scf.if %cond3A_280 {
      %dma_start3A = arith.constant 1 : i32
      %dma_start3A_307 = arith.constant 0 : i32
      %dma_start3A_308 = tpu.memref_slice %arg6[%dma_start3A, %dma_start3A_307] : memref<80x128xi32, #tpu.memory_space<vmem>> -> memref<1x128xi32, #tpu.memory_space<vmem>>
      %dma_start3A_309 = tpu.memref_squeeze %dma_start3A_308 : memref<1x128xi32, #tpu.memory_space<vmem>> -> memref<128xi32, #tpu.memory_space<vmem>>
      %dma_start3A_310 = arith.constant 0 : i32
      %dma_start3A_311 = arith.constant 0 : i32
      %dma_start3A_312 = tpu.memref_slice %arg3[%dma_start3A_310, %dma_start3A_311] : memref<10112x8xf32, #tpu.memory_space<hbm>> -> memref<10112x8xf32, #tpu.memory_space<hbm>>
      tpu.enqueue_indirect_dma source(%dma_start3A_312 : memref<10112x8xf32, #tpu.memory_space<hbm>>) target(%arg9 : memref<128x8xf32, #tpu.memory_space<vmem>>) offsets(%dma_start3A_309 : memref<128xi32, #tpu.memory_space<vmem>>) semaphore(%arg13 : memref<!tpu.dma_semaphore, #tpu.memory_space<semaphore_mem>>)
    } else {
    }
    %not3A_281 = arith.constant true
    %not3A_282 = arith.xori %lt3A_270, %not3A_281 : i1
    %convert_element_type3A_283 = arith.extui %not3A_282 : i1 to i32
    %cond3A_284 = arith.constant 0 : i32
    %cond3A_285 = arith.cmpi ne, %convert_element_type3A_283, %cond3A_284 : i32
    scf.if %cond3A_285 {
      %dma_start3A = arith.constant 1 : i32
      %dma_start3A_307 = arith.constant 0 : i32
      %dma_start3A_308 = tpu.memref_slice %arg6[%dma_start3A, %dma_start3A_307] : memref<80x128xi32, #tpu.memory_space<vmem>> -> memref<1x128xi32, #tpu.memory_space<vmem>>
      %dma_start3A_309 = tpu.memref_squeeze %dma_start3A_308 : memref<1x128xi32, #tpu.memory_space<vmem>> -> memref<128xi32, #tpu.memory_space<vmem>>
      %dma_start3A_310 = arith.constant 0 : i32
      %dma_start3A_311 = arith.constant 0 : i32
      %dma_start3A_312 = tpu.memref_slice %arg11[%dma_start3A_310, %dma_start3A_311] : memref<10112x8xf32, #tpu.memory_space<vmem_shared>> -> memref<10112x8xf32, #tpu.memory_space<vmem_shared>>
      tpu.enqueue_indirect_dma source(%dma_start3A_312 : memref<10112x8xf32, #tpu.memory_space<vmem_shared>>) target(%arg9 : memref<128x8xf32, #tpu.memory_space<vmem>>) offsets(%dma_start3A_309 : memref<128xi32, #tpu.memory_space<vmem>>) semaphore(%arg13 : memref<!tpu.dma_semaphore, #tpu.memory_space<semaphore_mem>>)
    } else {
    }
    %scan3A = arith.constant 0 : i32
    %scan3A_286 = arith.constant 0 : i32
    %scan3A_287 = arith.constant 39 : i32
    %scan3A_288 = arith.addi %scan3A_286, %scan3A_287 : i32
    %scan3A_289 = arith.constant 1 : i32
    scf.for %scan3A_307 = %scan3A_286 to %scan3A_288 step %scan3A_289  : i32 {
      %mul3A_308 = arith.constant 2 : i32
      %mul3A_309 = arith.muli %mul3A_308, %scan3A_307 : i32
      %dma_wait3A_310 = arith.constant 0 : i32
      %dma_wait3A_311 = arith.constant 0 : i32
      %dma_wait3A_312 = tpu.memref_slice %arg6[%dma_wait3A_310, %dma_wait3A_311] : memref<80x128xi32, #tpu.memory_space<vmem>> -> memref<1x128xi32, #tpu.memory_space<vmem>>
      %dma_wait3A_313 = tpu.memref_squeeze %dma_wait3A_312 : memref<1x128xi32, #tpu.memory_space<vmem>> -> memref<128xi32, #tpu.memory_space<vmem>>
      %dma_wait3A_314 = arith.constant 0 : i32
      %dma_wait3A_315 = arith.constant 0 : i32
      %dma_wait3A_316 = tpu.memref_slice %arg3[%dma_wait3A_314, %dma_wait3A_315] : memref<10112x8xf32, #tpu.memory_space<hbm>> -> memref<10112x8xf32, #tpu.memory_space<hbm>>
      tpu.wait_indirect_dma semaphore(%arg12 : memref<!tpu.dma_semaphore, #tpu.memory_space<semaphore_mem>>) src(%dma_wait3A_316 : memref<10112x8xf32, #tpu.memory_space<hbm>>) dst(%arg8 : memref<128x8xf32, #tpu.memory_space<vmem>>)
      "tpu.region"() ({
        %run_scoped3A_346 = tpu.sem_alloc : memref<!tpu.dma_semaphore, #tpu.memory_space<semaphore_mem>>
        %dma_start3A = arith.constant 0 : i32
        %dma_start3A_347 = tpu.memref_slice %arg7[%mul3A_309, %dma_start3A] : memref<80x128xi32, #tpu.memory_space<vmem>> -> memref<1x128xi32, #tpu.memory_space<vmem>>
        %dma_start3A_348 = tpu.memref_squeeze %dma_start3A_347 : memref<1x128xi32, #tpu.memory_space<vmem>> -> memref<128xi32, #tpu.memory_space<vmem>>
        %dma_start3A_349 = arith.constant 0 : i32
        %dma_start3A_350 = arith.constant 0 : i32
        %dma_start3A_351 = tpu.memref_slice %arg10[%dma_start3A_349, %dma_start3A_350] : memref<10112x8xf32, #tpu.memory_space<vmem_shared>> -> memref<10112x8xf32, #tpu.memory_space<vmem_shared>>
        tpu.enqueue_indirect_dma source(%arg8 : memref<128x8xf32, #tpu.memory_space<vmem>>) target(%dma_start3A_351 : memref<10112x8xf32, #tpu.memory_space<vmem_shared>>) offsets(%dma_start3A_348 : memref<128xi32, #tpu.memory_space<vmem>>) semaphore(%run_scoped3A_346 : memref<!tpu.dma_semaphore, #tpu.memory_space<semaphore_mem>>) {add = true}
        %dma_wait3A_352 = arith.constant 0 : i32
        %dma_wait3A_353 = tpu.memref_slice %arg7[%mul3A_309, %dma_wait3A_352] : memref<80x128xi32, #tpu.memory_space<vmem>> -> memref<1x128xi32, #tpu.memory_space<vmem>>
        %dma_wait3A_354 = tpu.memref_squeeze %dma_wait3A_353 : memref<1x128xi32, #tpu.memory_space<vmem>> -> memref<128xi32, #tpu.memory_space<vmem>>
        %dma_wait3A_355 = arith.constant 0 : i32
        %dma_wait3A_356 = arith.constant 0 : i32
        %dma_wait3A_357 = tpu.memref_slice %arg10[%dma_wait3A_355, %dma_wait3A_356] : memref<10112x8xf32, #tpu.memory_space<vmem_shared>> -> memref<10112x8xf32, #tpu.memory_space<vmem_shared>>
        tpu.wait_indirect_dma semaphore(%run_scoped3A_346 : memref<!tpu.dma_semaphore, #tpu.memory_space<semaphore_mem>>) src(%arg8 : memref<128x8xf32, #tpu.memory_space<vmem>>) dst(%dma_wait3A_357 : memref<10112x8xf32, #tpu.memory_space<vmem_shared>>)
        tpu.yield
      }) : () -> ()
      %add3A_317 = arith.constant 2 : i32
      %add3A_318 = arith.addi %mul3A_309, %add3A_317 : i32
      %convert_element_type3A_319 = arith.extui %lt3A_270 : i1 to i32
      %cond3A_320 = arith.constant 0 : i32
      %cond3A_321 = arith.cmpi ne, %convert_element_type3A_319, %cond3A_320 : i32
      scf.if %cond3A_321 {
        %dma_start3A = arith.constant 0 : i32
        %dma_start3A_346 = tpu.memref_slice %arg6[%add3A_318, %dma_start3A] : memref<80x128xi32, #tpu.memory_space<vmem>> -> memref<1x128xi32, #tpu.memory_space<vmem>>
        %dma_start3A_347 = tpu.memref_squeeze %dma_start3A_346 : memref<1x128xi32, #tpu.memory_space<vmem>> -> memref<128xi32, #tpu.memory_space<vmem>>
        %dma_start3A_348 = arith.constant 0 : i32
        %dma_start3A_349 = arith.constant 0 : i32
        %dma_start3A_350 = tpu.memref_slice %arg3[%dma_start3A_348, %dma_start3A_349] : memref<10112x8xf32, #tpu.memory_space<hbm>> -> memref<10112x8xf32, #tpu.memory_space<hbm>>
        tpu.enqueue_indirect_dma source(%dma_start3A_350 : memref<10112x8xf32, #tpu.memory_space<hbm>>) target(%arg8 : memref<128x8xf32, #tpu.memory_space<vmem>>) offsets(%dma_start3A_347 : memref<128xi32, #tpu.memory_space<vmem>>) semaphore(%arg12 : memref<!tpu.dma_semaphore, #tpu.memory_space<semaphore_mem>>)
      } else {
      }
      %not3A_322 = arith.constant true
      %not3A_323 = arith.xori %lt3A_270, %not3A_322 : i1
      %convert_element_type3A_324 = arith.extui %not3A_323 : i1 to i32
      %cond3A_325 = arith.constant 0 : i32
      %cond3A_326 = arith.cmpi ne, %convert_element_type3A_324, %cond3A_325 : i32
      scf.if %cond3A_326 {
        %dma_start3A = arith.constant 0 : i32
        %dma_start3A_346 = tpu.memref_slice %arg6[%add3A_318, %dma_start3A] : memref<80x128xi32, #tpu.memory_space<vmem>> -> memref<1x128xi32, #tpu.memory_space<vmem>>
        %dma_start3A_347 = tpu.memref_squeeze %dma_start3A_346 : memref<1x128xi32, #tpu.memory_space<vmem>> -> memref<128xi32, #tpu.memory_space<vmem>>
        %dma_start3A_348 = arith.constant 0 : i32
        %dma_start3A_349 = arith.constant 0 : i32
        %dma_start3A_350 = tpu.memref_slice %arg11[%dma_start3A_348, %dma_start3A_349] : memref<10112x8xf32, #tpu.memory_space<vmem_shared>> -> memref<10112x8xf32, #tpu.memory_space<vmem_shared>>
        tpu.enqueue_indirect_dma source(%dma_start3A_350 : memref<10112x8xf32, #tpu.memory_space<vmem_shared>>) target(%arg8 : memref<128x8xf32, #tpu.memory_space<vmem>>) offsets(%dma_start3A_347 : memref<128xi32, #tpu.memory_space<vmem>>) semaphore(%arg12 : memref<!tpu.dma_semaphore, #tpu.memory_space<semaphore_mem>>)
      } else {
      }
      %dma_wait3A_327 = arith.constant 0 : i32
      %dma_wait3A_328 = arith.constant 0 : i32
      %dma_wait3A_329 = tpu.memref_slice %arg6[%dma_wait3A_327, %dma_wait3A_328] : memref<80x128xi32, #tpu.memory_space<vmem>> -> memref<1x128xi32, #tpu.memory_space<vmem>>
      %dma_wait3A_330 = tpu.memref_squeeze %dma_wait3A_329 : memref<1x128xi32, #tpu.memory_space<vmem>> -> memref<128xi32, #tpu.memory_space<vmem>>
      %dma_wait3A_331 = arith.constant 0 : i32
      %dma_wait3A_332 = arith.constant 0 : i32
      %dma_wait3A_333 = tpu.memref_slice %arg3[%dma_wait3A_331, %dma_wait3A_332] : memref<10112x8xf32, #tpu.memory_space<hbm>> -> memref<10112x8xf32, #tpu.memory_space<hbm>>
      tpu.wait_indirect_dma semaphore(%arg13 : memref<!tpu.dma_semaphore, #tpu.memory_space<semaphore_mem>>) src(%dma_wait3A_333 : memref<10112x8xf32, #tpu.memory_space<hbm>>) dst(%arg9 : memref<128x8xf32, #tpu.memory_space<vmem>>)
      %add3A_334 = arith.constant 1 : i32
      %add3A_335 = arith.addi %mul3A_309, %add3A_334 : i32
      "tpu.region"() ({
        %run_scoped3A_346 = tpu.sem_alloc : memref<!tpu.dma_semaphore, #tpu.memory_space<semaphore_mem>>
        %dma_start3A = arith.constant 0 : i32
        %dma_start3A_347 = tpu.memref_slice %arg7[%add3A_335, %dma_start3A] : memref<80x128xi32, #tpu.memory_space<vmem>> -> memref<1x128xi32, #tpu.memory_space<vmem>>
        %dma_start3A_348 = tpu.memref_squeeze %dma_start3A_347 : memref<1x128xi32, #tpu.memory_space<vmem>> -> memref<128xi32, #tpu.memory_space<vmem>>
        %dma_start3A_349 = arith.constant 0 : i32
        %dma_start3A_350 = arith.constant 0 : i32
        %dma_start3A_351 = tpu.memref_slice %arg10[%dma_start3A_349, %dma_start3A_350] : memref<10112x8xf32, #tpu.memory_space<vmem_shared>> -> memref<10112x8xf32, #tpu.memory_space<vmem_shared>>
        tpu.enqueue_indirect_dma source(%arg9 : memref<128x8xf32, #tpu.memory_space<vmem>>) target(%dma_start3A_351 : memref<10112x8xf32, #tpu.memory_space<vmem_shared>>) offsets(%dma_start3A_348 : memref<128xi32, #tpu.memory_space<vmem>>) semaphore(%run_scoped3A_346 : memref<!tpu.dma_semaphore, #tpu.memory_space<semaphore_mem>>) {add = true}
        %dma_wait3A_352 = arith.constant 0 : i32
        %dma_wait3A_353 = tpu.memref_slice %arg7[%add3A_335, %dma_wait3A_352] : memref<80x128xi32, #tpu.memory_space<vmem>> -> memref<1x128xi32, #tpu.memory_space<vmem>>
        %dma_wait3A_354 = tpu.memref_squeeze %dma_wait3A_353 : memref<1x128xi32, #tpu.memory_space<vmem>> -> memref<128xi32, #tpu.memory_space<vmem>>
        %dma_wait3A_355 = arith.constant 0 : i32
        %dma_wait3A_356 = arith.constant 0 : i32
        %dma_wait3A_357 = tpu.memref_slice %arg10[%dma_wait3A_355, %dma_wait3A_356] : memref<10112x8xf32, #tpu.memory_space<vmem_shared>> -> memref<10112x8xf32, #tpu.memory_space<vmem_shared>>
        tpu.wait_indirect_dma semaphore(%run_scoped3A_346 : memref<!tpu.dma_semaphore, #tpu.memory_space<semaphore_mem>>) src(%arg9 : memref<128x8xf32, #tpu.memory_space<vmem>>) dst(%dma_wait3A_357 : memref<10112x8xf32, #tpu.memory_space<vmem_shared>>)
        tpu.yield
      }) : () -> ()
      %add3A_336 = arith.constant 3 : i32
      %add3A_337 = arith.addi %mul3A_309, %add3A_336 : i32
      %convert_element_type3A_338 = arith.extui %lt3A_270 : i1 to i32
      %cond3A_339 = arith.constant 0 : i32
      %cond3A_340 = arith.cmpi ne, %convert_element_type3A_338, %cond3A_339 : i32
      scf.if %cond3A_340 {
        %dma_start3A = arith.constant 0 : i32
        %dma_start3A_346 = tpu.memref_slice %arg6[%add3A_337, %dma_start3A] : memref<80x128xi32, #tpu.memory_space<vmem>> -> memref<1x128xi32, #tpu.memory_space<vmem>>
        %dma_start3A_347 = tpu.memref_squeeze %dma_start3A_346 : memref<1x128xi32, #tpu.memory_space<vmem>> -> memref<128xi32, #tpu.memory_space<vmem>>
        %dma_start3A_348 = arith.constant 0 : i32
        %dma_start3A_349 = arith.constant 0 : i32
        %dma_start3A_350 = tpu.memref_slice %arg3[%dma_start3A_348, %dma_start3A_349] : memref<10112x8xf32, #tpu.memory_space<hbm>> -> memref<10112x8xf32, #tpu.memory_space<hbm>>
        tpu.enqueue_indirect_dma source(%dma_start3A_350 : memref<10112x8xf32, #tpu.memory_space<hbm>>) target(%arg9 : memref<128x8xf32, #tpu.memory_space<vmem>>) offsets(%dma_start3A_347 : memref<128xi32, #tpu.memory_space<vmem>>) semaphore(%arg13 : memref<!tpu.dma_semaphore, #tpu.memory_space<semaphore_mem>>)
      } else {
      }
      %not3A_341 = arith.constant true
      %not3A_342 = arith.xori %lt3A_270, %not3A_341 : i1
      %convert_element_type3A_343 = arith.extui %not3A_342 : i1 to i32
      %cond3A_344 = arith.constant 0 : i32
      %cond3A_345 = arith.cmpi ne, %convert_element_type3A_343, %cond3A_344 : i32
      scf.if %cond3A_345 {
        %dma_start3A = arith.constant 0 : i32
        %dma_start3A_346 = tpu.memref_slice %arg6[%add3A_337, %dma_start3A] : memref<80x128xi32, #tpu.memory_space<vmem>> -> memref<1x128xi32, #tpu.memory_space<vmem>>
        %dma_start3A_347 = tpu.memref_squeeze %dma_start3A_346 : memref<1x128xi32, #tpu.memory_space<vmem>> -> memref<128xi32, #tpu.memory_space<vmem>>
        %dma_start3A_348 = arith.constant 0 : i32
        %dma_start3A_349 = arith.constant 0 : i32
        %dma_start3A_350 = tpu.memref_slice %arg11[%dma_start3A_348, %dma_start3A_349] : memref<10112x8xf32, #tpu.memory_space<vmem_shared>> -> memref<10112x8xf32, #tpu.memory_space<vmem_shared>>
        tpu.enqueue_indirect_dma source(%dma_start3A_350 : memref<10112x8xf32, #tpu.memory_space<vmem_shared>>) target(%arg9 : memref<128x8xf32, #tpu.memory_space<vmem>>) offsets(%dma_start3A_347 : memref<128xi32, #tpu.memory_space<vmem>>) semaphore(%arg13 : memref<!tpu.dma_semaphore, #tpu.memory_space<semaphore_mem>>)
      } else {
      }
    }
    %scan3A_290 = arith.constant 39 : i32
    %dma_wait3A = arith.constant 0 : i32
    %dma_wait3A_291 = arith.constant 0 : i32
    %dma_wait3A_292 = tpu.memref_slice %arg6[%dma_wait3A, %dma_wait3A_291] : memref<80x128xi32, #tpu.memory_space<vmem>> -> memref<1x128xi32, #tpu.memory_space<vmem>>
    %dma_wait3A_293 = tpu.memref_squeeze %dma_wait3A_292 : memref<1x128xi32, #tpu.memory_space<vmem>> -> memref<128xi32, #tpu.memory_space<vmem>>
    %dma_wait3A_294 = arith.constant 0 : i32
    %dma_wait3A_295 = arith.constant 0 : i32
    %dma_wait3A_296 = tpu.memref_slice %arg3[%dma_wait3A_294, %dma_wait3A_295] : memref<10112x8xf32, #tpu.memory_space<hbm>> -> memref<10112x8xf32, #tpu.memory_space<hbm>>
    tpu.wait_indirect_dma semaphore(%arg12 : memref<!tpu.dma_semaphore, #tpu.memory_space<semaphore_mem>>) src(%dma_wait3A_296 : memref<10112x8xf32, #tpu.memory_space<hbm>>) dst(%arg8 : memref<128x8xf32, #tpu.memory_space<vmem>>)
    %run_scoped3A_297 = arith.constant 78 : i32
    "tpu.region"() ({
      %run_scoped3A_307 = tpu.sem_alloc : memref<!tpu.dma_semaphore, #tpu.memory_space<semaphore_mem>>
      %dma_start3A = arith.constant 0 : i32
      %dma_start3A_308 = tpu.memref_slice %arg7[%run_scoped3A_297, %dma_start3A] : memref<80x128xi32, #tpu.memory_space<vmem>> -> memref<1x128xi32, #tpu.memory_space<vmem>>
      %dma_start3A_309 = tpu.memref_squeeze %dma_start3A_308 : memref<1x128xi32, #tpu.memory_space<vmem>> -> memref<128xi32, #tpu.memory_space<vmem>>
      %dma_start3A_310 = arith.constant 0 : i32
      %dma_start3A_311 = arith.constant 0 : i32
      %dma_start3A_312 = tpu.memref_slice %arg10[%dma_start3A_310, %dma_start3A_311] : memref<10112x8xf32, #tpu.memory_space<vmem_shared>> -> memref<10112x8xf32, #tpu.memory_space<vmem_shared>>
      tpu.enqueue_indirect_dma source(%arg8 : memref<128x8xf32, #tpu.memory_space<vmem>>) target(%dma_start3A_312 : memref<10112x8xf32, #tpu.memory_space<vmem_shared>>) offsets(%dma_start3A_309 : memref<128xi32, #tpu.memory_space<vmem>>) semaphore(%run_scoped3A_307 : memref<!tpu.dma_semaphore, #tpu.memory_space<semaphore_mem>>) {add = true}
      %dma_wait3A_313 = arith.constant 0 : i32
      %dma_wait3A_314 = tpu.memref_slice %arg7[%run_scoped3A_297, %dma_wait3A_313] : memref<80x128xi32, #tpu.memory_space<vmem>> -> memref<1x128xi32, #tpu.memory_space<vmem>>
      %dma_wait3A_315 = tpu.memref_squeeze %dma_wait3A_314 : memref<1x128xi32, #tpu.memory_space<vmem>> -> memref<128xi32, #tpu.memory_space<vmem>>
      %dma_wait3A_316 = arith.constant 0 : i32
      %dma_wait3A_317 = arith.constant 0 : i32
      %dma_wait3A_318 = tpu.memref_slice %arg10[%dma_wait3A_316, %dma_wait3A_317] : memref<10112x8xf32, #tpu.memory_space<vmem_shared>> -> memref<10112x8xf32, #tpu.memory_space<vmem_shared>>
      tpu.wait_indirect_dma semaphore(%run_scoped3A_307 : memref<!tpu.dma_semaphore, #tpu.memory_space<semaphore_mem>>) src(%arg8 : memref<128x8xf32, #tpu.memory_space<vmem>>) dst(%dma_wait3A_318 : memref<10112x8xf32, #tpu.memory_space<vmem_shared>>)
      tpu.yield
    }) : () -> ()
    %dma_wait3A_298 = arith.constant 0 : i32
    %dma_wait3A_299 = arith.constant 0 : i32
    %dma_wait3A_300 = tpu.memref_slice %arg6[%dma_wait3A_298, %dma_wait3A_299] : memref<80x128xi32, #tpu.memory_space<vmem>> -> memref<1x128xi32, #tpu.memory_space<vmem>>
    %dma_wait3A_301 = tpu.memref_squeeze %dma_wait3A_300 : memref<1x128xi32, #tpu.memory_space<vmem>> -> memref<128xi32, #tpu.memory_space<vmem>>
    %dma_wait3A_302 = arith.constant 0 : i32
    %dma_wait3A_303 = arith.constant 0 : i32
    %dma_wait3A_304 = tpu.memref_slice %arg3[%dma_wait3A_302, %dma_wait3A_303] : memref<10112x8xf32, #tpu.memory_space<hbm>> -> memref<10112x8xf32, #tpu.memory_space<hbm>>
    tpu.wait_indirect_dma semaphore(%arg13 : memref<!tpu.dma_semaphore, #tpu.memory_space<semaphore_mem>>) src(%dma_wait3A_304 : memref<10112x8xf32, #tpu.memory_space<hbm>>) dst(%arg9 : memref<128x8xf32, #tpu.memory_space<vmem>>)
    %run_scoped3A_305 = arith.constant 79 : i32
    "tpu.region"() ({
      %run_scoped3A_307 = tpu.sem_alloc : memref<!tpu.dma_semaphore, #tpu.memory_space<semaphore_mem>>
      %dma_start3A = arith.constant 0 : i32
      %dma_start3A_308 = tpu.memref_slice %arg7[%run_scoped3A_305, %dma_start3A] : memref<80x128xi32, #tpu.memory_space<vmem>> -> memref<1x128xi32, #tpu.memory_space<vmem>>
      %dma_start3A_309 = tpu.memref_squeeze %dma_start3A_308 : memref<1x128xi32, #tpu.memory_space<vmem>> -> memref<128xi32, #tpu.memory_space<vmem>>
      %dma_start3A_310 = arith.constant 0 : i32
      %dma_start3A_311 = arith.constant 0 : i32
      %dma_start3A_312 = tpu.memref_slice %arg10[%dma_start3A_310, %dma_start3A_311] : memref<10112x8xf32, #tpu.memory_space<vmem_shared>> -> memref<10112x8xf32, #tpu.memory_space<vmem_shared>>
      tpu.enqueue_indirect_dma source(%arg9 : memref<128x8xf32, #tpu.memory_space<vmem>>) target(%dma_start3A_312 : memref<10112x8xf32, #tpu.memory_space<vmem_shared>>) offsets(%dma_start3A_309 : memref<128xi32, #tpu.memory_space<vmem>>) semaphore(%run_scoped3A_307 : memref<!tpu.dma_semaphore, #tpu.memory_space<semaphore_mem>>) {add = true}
      %dma_wait3A_313 = arith.constant 0 : i32
      %dma_wait3A_314 = tpu.memref_slice %arg7[%run_scoped3A_305, %dma_wait3A_313] : memref<80x128xi32, #tpu.memory_space<vmem>> -> memref<1x128xi32, #tpu.memory_space<vmem>>
      %dma_wait3A_315 = tpu.memref_squeeze %dma_wait3A_314 : memref<1x128xi32, #tpu.memory_space<vmem>> -> memref<128xi32, #tpu.memory_space<vmem>>
      %dma_wait3A_316 = arith.constant 0 : i32
      %dma_wait3A_317 = arith.constant 0 : i32
      %dma_wait3A_318 = tpu.memref_slice %arg10[%dma_wait3A_316, %dma_wait3A_317] : memref<10112x8xf32, #tpu.memory_space<vmem_shared>> -> memref<10112x8xf32, #tpu.memory_space<vmem_shared>>
      tpu.wait_indirect_dma semaphore(%run_scoped3A_307 : memref<!tpu.dma_semaphore, #tpu.memory_space<semaphore_mem>>) src(%arg9 : memref<128x8xf32, #tpu.memory_space<vmem>>) dst(%dma_wait3A_318 : memref<10112x8xf32, #tpu.memory_space<vmem_shared>>)
      tpu.yield
    }) : () -> ()
    %barrier3A_306 = arith.constant 0 : index
    tpu.barrier barrier_id(%barrier3A_306)
    "tpu.region"() ({
      %run_scoped3A_307 = tpu.sem_alloc : memref<!tpu.dma_semaphore, #tpu.memory_space<semaphore_mem>>
      %dma_start3A = arith.constant 0 : i32
      %dma_start3A_308 = arith.constant 0 : i32
      %dma_start3A_309 = tpu.memref_slice %arg5[%arg0, %dma_start3A, %dma_start3A_308] : memref<2x10112x8xf32, #tpu.memory_space<hbm>> -> memref<1x10112x8xf32, #tpu.memory_space<hbm>>
      %dma_start3A_310 = tpu.memref_squeeze %dma_start3A_309 : memref<1x10112x8xf32, #tpu.memory_space<hbm>> -> memref<10112x8xf32, #tpu.memory_space<hbm>>
      %dma_start3A_311 = arith.constant 0 : i32
      %dma_start3A_312 = tpu.memref_slice %dma_start3A_310[%mul3A_2, %dma_start3A_311] : memref<10112x8xf32, #tpu.memory_space<hbm>> -> memref<632x8xf32, #tpu.memory_space<hbm>>
      %dma_start3A_313 = arith.constant 0 : i32
      %dma_start3A_314 = tpu.memref_slice %arg10[%mul3A_2, %dma_start3A_313] : memref<10112x8xf32, #tpu.memory_space<vmem_shared>> -> memref<632x8xf32, #tpu.memory_space<vmem_shared>>
      tpu.enqueue_dma source(%dma_start3A_314 : memref<632x8xf32, #tpu.memory_space<vmem_shared>>) target(%dma_start3A_312 : memref<632x8xf32, #tpu.memory_space<hbm>>) target_semaphore(%run_scoped3A_307 : memref<!tpu.dma_semaphore, #tpu.memory_space<semaphore_mem>>)
      %dma_wait3A_315 = arith.constant 0 : i32
      %dma_wait3A_316 = arith.constant 0 : i32
      %dma_wait3A_317 = tpu.memref_slice %arg5[%arg0, %dma_wait3A_315, %dma_wait3A_316] : memref<2x10112x8xf32, #tpu.memory_space<hbm>> -> memref<1x10112x8xf32, #tpu.memory_space<hbm>>
      %dma_wait3A_318 = tpu.memref_squeeze %dma_wait3A_317 : memref<1x10112x8xf32, #tpu.memory_space<hbm>> -> memref<10112x8xf32, #tpu.memory_space<hbm>>
      %dma_wait3A_319 = arith.constant 0 : i32
      %dma_wait3A_320 = tpu.memref_slice %dma_wait3A_318[%mul3A_2, %dma_wait3A_319] : memref<10112x8xf32, #tpu.memory_space<hbm>> -> memref<632x8xf32, #tpu.memory_space<hbm>>
      %dma_wait3A_321 = arith.constant 0 : i32
      %dma_wait3A_322 = tpu.memref_slice %arg10[%mul3A_2, %dma_wait3A_321] : memref<10112x8xf32, #tpu.memory_space<vmem_shared>> -> memref<632x8xf32, #tpu.memory_space<vmem_shared>>
      tpu.wait_dma2 semaphore(%run_scoped3A_307 : memref<!tpu.dma_semaphore, #tpu.memory_space<semaphore_mem>>) src(%dma_wait3A_322 : memref<632x8xf32, #tpu.memory_space<vmem_shared>>) dst(%dma_wait3A_320 : memref<632x8xf32, #tpu.memory_space<hbm>>)
      tpu.yield
    }) : () -> ()
    return
  }
}

#map = affine_map<(d0, d1) -> (0, 0, 0)>
#map1 = affine_map<(d0, d1) -> (0, 0)>
module attributes {stable_mosaic.version = 14 : i64} {
  func.func @deg_kernel(%arg0: i32, %arg1: i32, %arg2: memref<2x2500x128xi32, #tpu.memory_space<hbm>>, %arg3: memref<128x8xf32, #tpu.memory_space<hbm>>, %arg4: memref<10112x8xf32, #tpu.memory_space<hbm>>, %arg5: memref<2x10112x8xf32, #tpu.memory_space<hbm>>, %arg6: memref<80x128xi32, #tpu.memory_space<vmem>>, %arg7: memref<128x8xf32, #tpu.memory_space<vmem>>, %arg8: memref<10112x8xf32, #tpu.memory_space<vmem_shared>>) attributes {dimension_semantics = [#tpu.dimension_semantics<core_parallel>, #tpu.dimension_semantics<subcore_parallel>], iteration_bounds = array<i64: 2, 16>, scalar_prefetch = 0 : i64, scratch_operands = 3 : i64, tpu.core_type = #tpu.core_type<sc_vector_subcore>, window_params = [{transform_indices = #map}, {transform_indices = #map1}, {transform_indices = #map1}, {transform_indices = #map}]} {
    %mul3A = arith.constant 2 : i32
    %mul3A_0 = arith.muli %arg1, %mul3A : i32
    %add3A = arith.addi %mul3A_0, %arg0 : i32
    %mul3A_1 = arith.constant 632 : i32
    %mul3A_2 = arith.muli %arg1, %mul3A_1 : i32
    %mul3A_3 = arith.constant 78 : i32
    %mul3A_4 = arith.muli %add3A, %mul3A_3 : i32
    %run_scoped3A = arith.constant 1 : i32
    "tpu.region"() ({
      %run_scoped3A_139 = tpu.sem_alloc : memref<!tpu.dma_semaphore, #tpu.memory_space<semaphore_mem>>
      %dma_start3A = arith.constant 0 : i32
      %dma_start3A_140 = arith.constant 0 : i32
      %dma_start3A_141 = tpu.memref_slice %arg6[%dma_start3A, %dma_start3A_140] : memref<80x128xi32, #tpu.memory_space<vmem>> -> memref<78x128xi32, #tpu.memory_space<vmem>>
      %dma_start3A_142 = arith.constant 0 : i32
      %dma_start3A_143 = arith.constant 0 : i32
      %dma_start3A_144 = tpu.memref_slice %arg2[%run_scoped3A, %dma_start3A_142, %dma_start3A_143] : memref<2x2500x128xi32, #tpu.memory_space<hbm>> -> memref<1x2500x128xi32, #tpu.memory_space<hbm>>
      %dma_start3A_145 = tpu.memref_squeeze %dma_start3A_144 : memref<1x2500x128xi32, #tpu.memory_space<hbm>> -> memref<2500x128xi32, #tpu.memory_space<hbm>>
      %dma_start3A_146 = arith.constant 0 : i32
      %dma_start3A_147 = tpu.memref_slice %dma_start3A_145[%mul3A_4, %dma_start3A_146] : memref<2500x128xi32, #tpu.memory_space<hbm>> -> memref<78x128xi32, #tpu.memory_space<hbm>>
      %dma_start3A_148 = arith.constant 0 : i32
      %dma_start3A_149 = arith.constant 0 : i32
      %dma_start3A_150 = tpu.memref_slice %arg6[%dma_start3A_148, %dma_start3A_149] : memref<80x128xi32, #tpu.memory_space<vmem>> -> memref<78x128xi32, #tpu.memory_space<vmem>>
      %dma_start3A_151 = arith.constant 0 : i32
      %dma_start3A_152 = arith.constant 0 : i32
      %dma_start3A_153 = tpu.memref_slice %arg2[%run_scoped3A, %dma_start3A_151, %dma_start3A_152] : memref<2x2500x128xi32, #tpu.memory_space<hbm>> -> memref<1x2500x128xi32, #tpu.memory_space<hbm>>
      %dma_start3A_154 = tpu.memref_squeeze %dma_start3A_153 : memref<1x2500x128xi32, #tpu.memory_space<hbm>> -> memref<2500x128xi32, #tpu.memory_space<hbm>>
      %dma_start3A_155 = arith.constant 0 : i32
      %dma_start3A_156 = tpu.memref_slice %dma_start3A_154[%mul3A_4, %dma_start3A_155] : memref<2500x128xi32, #tpu.memory_space<hbm>> -> memref<78x128xi32, #tpu.memory_space<hbm>>
      tpu.enqueue_dma source(%dma_start3A_156 : memref<78x128xi32, #tpu.memory_space<hbm>>) target(%dma_start3A_150 : memref<78x128xi32, #tpu.memory_space<vmem>>) target_semaphore(%run_scoped3A_139 : memref<!tpu.dma_semaphore, #tpu.memory_space<semaphore_mem>>)
      %dma_wait3A = arith.constant 0 : i32
      %dma_wait3A_157 = arith.constant 0 : i32
      %dma_wait3A_158 = tpu.memref_slice %arg6[%dma_wait3A, %dma_wait3A_157] : memref<80x128xi32, #tpu.memory_space<vmem>> -> memref<78x128xi32, #tpu.memory_space<vmem>>
      %dma_wait3A_159 = arith.constant 0 : i32
      %dma_wait3A_160 = arith.constant 0 : i32
      %dma_wait3A_161 = tpu.memref_slice %arg2[%run_scoped3A, %dma_wait3A_159, %dma_wait3A_160] : memref<2x2500x128xi32, #tpu.memory_space<hbm>> -> memref<1x2500x128xi32, #tpu.memory_space<hbm>>
      %dma_wait3A_162 = tpu.memref_squeeze %dma_wait3A_161 : memref<1x2500x128xi32, #tpu.memory_space<hbm>> -> memref<2500x128xi32, #tpu.memory_space<hbm>>
      %dma_wait3A_163 = arith.constant 0 : i32
      %dma_wait3A_164 = tpu.memref_slice %dma_wait3A_162[%mul3A_4, %dma_wait3A_163] : memref<2500x128xi32, #tpu.memory_space<hbm>> -> memref<78x128xi32, #tpu.memory_space<hbm>>
      %dma_wait3A_165 = arith.constant 0 : i32
      %dma_wait3A_166 = arith.constant 0 : i32
      %dma_wait3A_167 = tpu.memref_slice %arg6[%dma_wait3A_165, %dma_wait3A_166] : memref<80x128xi32, #tpu.memory_space<vmem>> -> memref<78x128xi32, #tpu.memory_space<vmem>>
      %dma_wait3A_168 = arith.constant 0 : i32
      %dma_wait3A_169 = arith.constant 0 : i32
      %dma_wait3A_170 = tpu.memref_slice %arg2[%run_scoped3A, %dma_wait3A_168, %dma_wait3A_169] : memref<2x2500x128xi32, #tpu.memory_space<hbm>> -> memref<1x2500x128xi32, #tpu.memory_space<hbm>>
      %dma_wait3A_171 = tpu.memref_squeeze %dma_wait3A_170 : memref<1x2500x128xi32, #tpu.memory_space<hbm>> -> memref<2500x128xi32, #tpu.memory_space<hbm>>
      %dma_wait3A_172 = arith.constant 0 : i32
      %dma_wait3A_173 = tpu.memref_slice %dma_wait3A_171[%mul3A_4, %dma_wait3A_172] : memref<2500x128xi32, #tpu.memory_space<hbm>> -> memref<78x128xi32, #tpu.memory_space<hbm>>
      tpu.wait_dma2 semaphore(%run_scoped3A_139 : memref<!tpu.dma_semaphore, #tpu.memory_space<semaphore_mem>>) src(%dma_wait3A_173 : memref<78x128xi32, #tpu.memory_space<hbm>>) dst(%dma_wait3A_167 : memref<78x128xi32, #tpu.memory_space<vmem>>)
      tpu.yield
    }) : () -> ()
    %broadcast_in_dim3A = arith.constant 10000 : i32
    %broadcast_in_dim3A_5 = vector.broadcast %broadcast_in_dim3A : i32 to vector<16xi32>
    %swap3A = arith.constant 78 : i32
    %swap3A_6 = arith.index_cast %swap3A : i32 to index
    %swap3A_7 = arith.constant 0 : index
    %swap3A_8 = tpu.vector_load %arg6[%swap3A_6, %swap3A_7] {strides = array<i32>} : memref<80x128xi32, #tpu.memory_space<vmem>>, vector<1x16xi32>,
    %swap3A_9 = vector.shape_cast %swap3A_8 : vector<1x16xi32> to vector<16xi32>
    %swap3A_10 = vector.shape_cast %broadcast_in_dim3A_5 : vector<16xi32> to vector<1x16xi32>
    tpu.vector_store %arg6[%swap3A_6, %swap3A_7], %swap3A_10 {strides = array<i32>} : memref<80x128xi32, #tpu.memory_space<vmem>>, vector<1x16xi32>,
    %broadcast_in_dim3A_11 = arith.constant 10000 : i32
    %broadcast_in_dim3A_12 = vector.broadcast %broadcast_in_dim3A_11 : i32 to vector<16xi32>
    %swap3A_13 = arith.constant 78 : i32
    %swap3A_14 = arith.index_cast %swap3A_13 : i32 to index
    %swap3A_15 = arith.constant 16 : index
    %swap3A_16 = tpu.vector_load %arg6[%swap3A_14, %swap3A_15] {strides = array<i32>} : memref<80x128xi32, #tpu.memory_space<vmem>>, vector<1x16xi32>,
    %swap3A_17 = vector.shape_cast %swap3A_16 : vector<1x16xi32> to vector<16xi32>
    %swap3A_18 = vector.shape_cast %broadcast_in_dim3A_12 : vector<16xi32> to vector<1x16xi32>
    tpu.vector_store %arg6[%swap3A_14, %swap3A_15], %swap3A_18 {strides = array<i32>} : memref<80x128xi32, #tpu.memory_space<vmem>>, vector<1x16xi32>,
    %broadcast_in_dim3A_19 = arith.constant 10000 : i32
    %broadcast_in_dim3A_20 = vector.broadcast %broadcast_in_dim3A_19 : i32 to vector<16xi32>
    %swap3A_21 = arith.constant 78 : i32
    %swap3A_22 = arith.index_cast %swap3A_21 : i32 to index
    %swap3A_23 = arith.constant 32 : index
    %swap3A_24 = tpu.vector_load %arg6[%swap3A_22, %swap3A_23] {strides = array<i32>} : memref<80x128xi32, #tpu.memory_space<vmem>>, vector<1x16xi32>,
    %swap3A_25 = vector.shape_cast %swap3A_24 : vector<1x16xi32> to vector<16xi32>
    %swap3A_26 = vector.shape_cast %broadcast_in_dim3A_20 : vector<16xi32> to vector<1x16xi32>
    tpu.vector_store %arg6[%swap3A_22, %swap3A_23], %swap3A_26 {strides = array<i32>} : memref<80x128xi32, #tpu.memory_space<vmem>>, vector<1x16xi32>,
    %broadcast_in_dim3A_27 = arith.constant 10000 : i32
    %broadcast_in_dim3A_28 = vector.broadcast %broadcast_in_dim3A_27 : i32 to vector<16xi32>
    %swap3A_29 = arith.constant 78 : i32
    %swap3A_30 = arith.index_cast %swap3A_29 : i32 to index
    %swap3A_31 = arith.constant 48 : index
    %swap3A_32 = tpu.vector_load %arg6[%swap3A_30, %swap3A_31] {strides = array<i32>} : memref<80x128xi32, #tpu.memory_space<vmem>>, vector<1x16xi32>,
    %swap3A_33 = vector.shape_cast %swap3A_32 : vector<1x16xi32> to vector<16xi32>
    %swap3A_34 = vector.shape_cast %broadcast_in_dim3A_28 : vector<16xi32> to vector<1x16xi32>
    tpu.vector_store %arg6[%swap3A_30, %swap3A_31], %swap3A_34 {strides = array<i32>} : memref<80x128xi32, #tpu.memory_space<vmem>>, vector<1x16xi32>,
    %broadcast_in_dim3A_35 = arith.constant 10000 : i32
    %broadcast_in_dim3A_36 = vector.broadcast %broadcast_in_dim3A_35 : i32 to vector<16xi32>
    %swap3A_37 = arith.constant 78 : i32
    %swap3A_38 = arith.index_cast %swap3A_37 : i32 to index
    %swap3A_39 = arith.constant 64 : index
    %swap3A_40 = tpu.vector_load %arg6[%swap3A_38, %swap3A_39] {strides = array<i32>} : memref<80x128xi32, #tpu.memory_space<vmem>>, vector<1x16xi32>,
    %swap3A_41 = vector.shape_cast %swap3A_40 : vector<1x16xi32> to vector<16xi32>
    %swap3A_42 = vector.shape_cast %broadcast_in_dim3A_36 : vector<16xi32> to vector<1x16xi32>
    tpu.vector_store %arg6[%swap3A_38, %swap3A_39], %swap3A_42 {strides = array<i32>} : memref<80x128xi32, #tpu.memory_space<vmem>>, vector<1x16xi32>,
    %broadcast_in_dim3A_43 = arith.constant 10000 : i32
    %broadcast_in_dim3A_44 = vector.broadcast %broadcast_in_dim3A_43 : i32 to vector<16xi32>
    %swap3A_45 = arith.constant 78 : i32
    %swap3A_46 = arith.index_cast %swap3A_45 : i32 to index
    %swap3A_47 = arith.constant 80 : index
    %swap3A_48 = tpu.vector_load %arg6[%swap3A_46, %swap3A_47] {strides = array<i32>} : memref<80x128xi32, #tpu.memory_space<vmem>>, vector<1x16xi32>,
    %swap3A_49 = vector.shape_cast %swap3A_48 : vector<1x16xi32> to vector<16xi32>
    %swap3A_50 = vector.shape_cast %broadcast_in_dim3A_44 : vector<16xi32> to vector<1x16xi32>
    tpu.vector_store %arg6[%swap3A_46, %swap3A_47], %swap3A_50 {strides = array<i32>} : memref<80x128xi32, #tpu.memory_space<vmem>>, vector<1x16xi32>,
    %broadcast_in_dim3A_51 = arith.constant 10000 : i32
    %broadcast_in_dim3A_52 = vector.broadcast %broadcast_in_dim3A_51 : i32 to vector<16xi32>
    %swap3A_53 = arith.constant 78 : i32
    %swap3A_54 = arith.index_cast %swap3A_53 : i32 to index
    %swap3A_55 = arith.constant 96 : index
    %swap3A_56 = tpu.vector_load %arg6[%swap3A_54, %swap3A_55] {strides = array<i32>} : memref<80x128xi32, #tpu.memory_space<vmem>>, vector<1x16xi32>,
    %swap3A_57 = vector.shape_cast %swap3A_56 : vector<1x16xi32> to vector<16xi32>
    %swap3A_58 = vector.shape_cast %broadcast_in_dim3A_52 : vector<16xi32> to vector<1x16xi32>
    tpu.vector_store %arg6[%swap3A_54, %swap3A_55], %swap3A_58 {strides = array<i32>} : memref<80x128xi32, #tpu.memory_space<vmem>>, vector<1x16xi32>,
    %broadcast_in_dim3A_59 = arith.constant 10000 : i32
    %broadcast_in_dim3A_60 = vector.broadcast %broadcast_in_dim3A_59 : i32 to vector<16xi32>
    %swap3A_61 = arith.constant 78 : i32
    %swap3A_62 = arith.index_cast %swap3A_61 : i32 to index
    %swap3A_63 = arith.constant 112 : index
    %swap3A_64 = tpu.vector_load %arg6[%swap3A_62, %swap3A_63] {strides = array<i32>} : memref<80x128xi32, #tpu.memory_space<vmem>>, vector<1x16xi32>,
    %swap3A_65 = vector.shape_cast %swap3A_64 : vector<1x16xi32> to vector<16xi32>
    %swap3A_66 = vector.shape_cast %broadcast_in_dim3A_60 : vector<16xi32> to vector<1x16xi32>
    tpu.vector_store %arg6[%swap3A_62, %swap3A_63], %swap3A_66 {strides = array<i32>} : memref<80x128xi32, #tpu.memory_space<vmem>>, vector<1x16xi32>,
    %broadcast_in_dim3A_67 = arith.constant 10000 : i32
    %broadcast_in_dim3A_68 = vector.broadcast %broadcast_in_dim3A_67 : i32 to vector<16xi32>
    %swap3A_69 = arith.constant 79 : i32
    %swap3A_70 = arith.index_cast %swap3A_69 : i32 to index
    %swap3A_71 = arith.constant 0 : index
    %swap3A_72 = tpu.vector_load %arg6[%swap3A_70, %swap3A_71] {strides = array<i32>} : memref<80x128xi32, #tpu.memory_space<vmem>>, vector<1x16xi32>,
    %swap3A_73 = vector.shape_cast %swap3A_72 : vector<1x16xi32> to vector<16xi32>
    %swap3A_74 = vector.shape_cast %broadcast_in_dim3A_68 : vector<16xi32> to vector<1x16xi32>
    tpu.vector_store %arg6[%swap3A_70, %swap3A_71], %swap3A_74 {strides = array<i32>} : memref<80x128xi32, #tpu.memory_space<vmem>>, vector<1x16xi32>,
    %broadcast_in_dim3A_75 = arith.constant 10000 : i32
    %broadcast_in_dim3A_76 = vector.broadcast %broadcast_in_dim3A_75 : i32 to vector<16xi32>
    %swap3A_77 = arith.constant 79 : i32
    %swap3A_78 = arith.index_cast %swap3A_77 : i32 to index
    %swap3A_79 = arith.constant 16 : index
    %swap3A_80 = tpu.vector_load %arg6[%swap3A_78, %swap3A_79] {strides = array<i32>} : memref<80x128xi32, #tpu.memory_space<vmem>>, vector<1x16xi32>,
    %swap3A_81 = vector.shape_cast %swap3A_80 : vector<1x16xi32> to vector<16xi32>
    %swap3A_82 = vector.shape_cast %broadcast_in_dim3A_76 : vector<16xi32> to vector<1x16xi32>
    tpu.vector_store %arg6[%swap3A_78, %swap3A_79], %swap3A_82 {strides = array<i32>} : memref<80x128xi32, #tpu.memory_space<vmem>>, vector<1x16xi32>,
    %broadcast_in_dim3A_83 = arith.constant 10000 : i32
    %broadcast_in_dim3A_84 = vector.broadcast %broadcast_in_dim3A_83 : i32 to vector<16xi32>
    %swap3A_85 = arith.constant 79 : i32
    %swap3A_86 = arith.index_cast %swap3A_85 : i32 to index
    %swap3A_87 = arith.constant 32 : index
    %swap3A_88 = tpu.vector_load %arg6[%swap3A_86, %swap3A_87] {strides = array<i32>} : memref<80x128xi32, #tpu.memory_space<vmem>>, vector<1x16xi32>,
    %swap3A_89 = vector.shape_cast %swap3A_88 : vector<1x16xi32> to vector<16xi32>
    %swap3A_90 = vector.shape_cast %broadcast_in_dim3A_84 : vector<16xi32> to vector<1x16xi32>
    tpu.vector_store %arg6[%swap3A_86, %swap3A_87], %swap3A_90 {strides = array<i32>} : memref<80x128xi32, #tpu.memory_space<vmem>>, vector<1x16xi32>,
    %broadcast_in_dim3A_91 = arith.constant 10000 : i32
    %broadcast_in_dim3A_92 = vector.broadcast %broadcast_in_dim3A_91 : i32 to vector<16xi32>
    %swap3A_93 = arith.constant 79 : i32
    %swap3A_94 = arith.index_cast %swap3A_93 : i32 to index
    %swap3A_95 = arith.constant 48 : index
    %swap3A_96 = tpu.vector_load %arg6[%swap3A_94, %swap3A_95] {strides = array<i32>} : memref<80x128xi32, #tpu.memory_space<vmem>>, vector<1x16xi32>,
    %swap3A_97 = vector.shape_cast %swap3A_96 : vector<1x16xi32> to vector<16xi32>
    %swap3A_98 = vector.shape_cast %broadcast_in_dim3A_92 : vector<16xi32> to vector<1x16xi32>
    tpu.vector_store %arg6[%swap3A_94, %swap3A_95], %swap3A_98 {strides = array<i32>} : memref<80x128xi32, #tpu.memory_space<vmem>>, vector<1x16xi32>,
    %broadcast_in_dim3A_99 = arith.constant 10000 : i32
    %broadcast_in_dim3A_100 = vector.broadcast %broadcast_in_dim3A_99 : i32 to vector<16xi32>
    %swap3A_101 = arith.constant 79 : i32
    %swap3A_102 = arith.index_cast %swap3A_101 : i32 to index
    %swap3A_103 = arith.constant 64 : index
    %swap3A_104 = tpu.vector_load %arg6[%swap3A_102, %swap3A_103] {strides = array<i32>} : memref<80x128xi32, #tpu.memory_space<vmem>>, vector<1x16xi32>,
    %swap3A_105 = vector.shape_cast %swap3A_104 : vector<1x16xi32> to vector<16xi32>
    %swap3A_106 = vector.shape_cast %broadcast_in_dim3A_100 : vector<16xi32> to vector<1x16xi32>
    tpu.vector_store %arg6[%swap3A_102, %swap3A_103], %swap3A_106 {strides = array<i32>} : memref<80x128xi32, #tpu.memory_space<vmem>>, vector<1x16xi32>,
    %broadcast_in_dim3A_107 = arith.constant 10000 : i32
    %broadcast_in_dim3A_108 = vector.broadcast %broadcast_in_dim3A_107 : i32 to vector<16xi32>
    %swap3A_109 = arith.constant 79 : i32
    %swap3A_110 = arith.index_cast %swap3A_109 : i32 to index
    %swap3A_111 = arith.constant 80 : index
    %swap3A_112 = tpu.vector_load %arg6[%swap3A_110, %swap3A_111] {strides = array<i32>} : memref<80x128xi32, #tpu.memory_space<vmem>>, vector<1x16xi32>,
    %swap3A_113 = vector.shape_cast %swap3A_112 : vector<1x16xi32> to vector<16xi32>
    %swap3A_114 = vector.shape_cast %broadcast_in_dim3A_108 : vector<16xi32> to vector<1x16xi32>
    tpu.vector_store %arg6[%swap3A_110, %swap3A_111], %swap3A_114 {strides = array<i32>} : memref<80x128xi32, #tpu.memory_space<vmem>>, vector<1x16xi32>,
    %broadcast_in_dim3A_115 = arith.constant 10000 : i32
    %broadcast_in_dim3A_116 = vector.broadcast %broadcast_in_dim3A_115 : i32 to vector<16xi32>
    %swap3A_117 = arith.constant 79 : i32
    %swap3A_118 = arith.index_cast %swap3A_117 : i32 to index
    %swap3A_119 = arith.constant 96 : index
    %swap3A_120 = tpu.vector_load %arg6[%swap3A_118, %swap3A_119] {strides = array<i32>} : memref<80x128xi32, #tpu.memory_space<vmem>>, vector<1x16xi32>,
    %swap3A_121 = vector.shape_cast %swap3A_120 : vector<1x16xi32> to vector<16xi32>
    %swap3A_122 = vector.shape_cast %broadcast_in_dim3A_116 : vector<16xi32> to vector<1x16xi32>
    tpu.vector_store %arg6[%swap3A_118, %swap3A_119], %swap3A_122 {strides = array<i32>} : memref<80x128xi32, #tpu.memory_space<vmem>>, vector<1x16xi32>,
    %broadcast_in_dim3A_123 = arith.constant 10000 : i32
    %broadcast_in_dim3A_124 = vector.broadcast %broadcast_in_dim3A_123 : i32 to vector<16xi32>
    %swap3A_125 = arith.constant 79 : i32
    %swap3A_126 = arith.index_cast %swap3A_125 : i32 to index
    %swap3A_127 = arith.constant 112 : index
    %swap3A_128 = tpu.vector_load %arg6[%swap3A_126, %swap3A_127] {strides = array<i32>} : memref<80x128xi32, #tpu.memory_space<vmem>>, vector<1x16xi32>,
    %swap3A_129 = vector.shape_cast %swap3A_128 : vector<1x16xi32> to vector<16xi32>
    %swap3A_130 = vector.shape_cast %broadcast_in_dim3A_124 : vector<16xi32> to vector<1x16xi32>
    tpu.vector_store %arg6[%swap3A_126, %swap3A_127], %swap3A_130 {strides = array<i32>} : memref<80x128xi32, #tpu.memory_space<vmem>>, vector<1x16xi32>,
    %lt3A = arith.constant 4 : i32
    %lt3A_131 = arith.cmpi slt, %add3A, %lt3A : i32
    %convert_element_type3A = arith.extui %lt3A_131 : i1 to i32
    %cond3A = arith.constant 0 : i32
    %cond3A_132 = arith.cmpi ne, %convert_element_type3A, %cond3A : i32
    scf.if %cond3A_132 {
      %add3A_139 = arith.constant 2496 : i32
      %add3A_140 = arith.addi %add3A_139, %add3A : i32
      %run_scoped3A_141 = arith.constant 1 : i32
      "tpu.region"() ({
        %run_scoped3A_142 = tpu.sem_alloc : memref<!tpu.dma_semaphore, #tpu.memory_space<semaphore_mem>>
        %dma_start3A = arith.constant 78 : i32
        %dma_start3A_143 = arith.constant 0 : i32
        %dma_start3A_144 = tpu.memref_slice %arg6[%dma_start3A, %dma_start3A_143] : memref<80x128xi32, #tpu.memory_space<vmem>> -> memref<1x128xi32, #tpu.memory_space<vmem>>
        %dma_start3A_145 = arith.constant 0 : i32
        %dma_start3A_146 = arith.constant 0 : i32
        %dma_start3A_147 = tpu.memref_slice %arg2[%run_scoped3A_141, %dma_start3A_145, %dma_start3A_146] : memref<2x2500x128xi32, #tpu.memory_space<hbm>> -> memref<1x2500x128xi32, #tpu.memory_space<hbm>>
        %dma_start3A_148 = tpu.memref_squeeze %dma_start3A_147 : memref<1x2500x128xi32, #tpu.memory_space<hbm>> -> memref<2500x128xi32, #tpu.memory_space<hbm>>
        %dma_start3A_149 = arith.constant 0 : i32
        %dma_start3A_150 = tpu.memref_slice %dma_start3A_148[%add3A_140, %dma_start3A_149] : memref<2500x128xi32, #tpu.memory_space<hbm>> -> memref<1x128xi32, #tpu.memory_space<hbm>>
        %dma_start3A_151 = arith.constant 78 : i32
        %dma_start3A_152 = arith.constant 0 : i32
        %dma_start3A_153 = tpu.memref_slice %arg6[%dma_start3A_151, %dma_start3A_152] : memref<80x128xi32, #tpu.memory_space<vmem>> -> memref<1x128xi32, #tpu.memory_space<vmem>>
        %dma_start3A_154 = arith.constant 0 : i32
        %dma_start3A_155 = arith.constant 0 : i32
        %dma_start3A_156 = tpu.memref_slice %arg2[%run_scoped3A_141, %dma_start3A_154, %dma_start3A_155] : memref<2x2500x128xi32, #tpu.memory_space<hbm>> -> memref<1x2500x128xi32, #tpu.memory_space<hbm>>
        %dma_start3A_157 = tpu.memref_squeeze %dma_start3A_156 : memref<1x2500x128xi32, #tpu.memory_space<hbm>> -> memref<2500x128xi32, #tpu.memory_space<hbm>>
        %dma_start3A_158 = arith.constant 0 : i32
        %dma_start3A_159 = tpu.memref_slice %dma_start3A_157[%add3A_140, %dma_start3A_158] : memref<2500x128xi32, #tpu.memory_space<hbm>> -> memref<1x128xi32, #tpu.memory_space<hbm>>
        tpu.enqueue_dma source(%dma_start3A_159 : memref<1x128xi32, #tpu.memory_space<hbm>>) target(%dma_start3A_153 : memref<1x128xi32, #tpu.memory_space<vmem>>) target_semaphore(%run_scoped3A_142 : memref<!tpu.dma_semaphore, #tpu.memory_space<semaphore_mem>>)
        %dma_wait3A = arith.constant 78 : i32
        %dma_wait3A_160 = arith.constant 0 : i32
        %dma_wait3A_161 = tpu.memref_slice %arg6[%dma_wait3A, %dma_wait3A_160] : memref<80x128xi32, #tpu.memory_space<vmem>> -> memref<1x128xi32, #tpu.memory_space<vmem>>
        %dma_wait3A_162 = arith.constant 0 : i32
        %dma_wait3A_163 = arith.constant 0 : i32
        %dma_wait3A_164 = tpu.memref_slice %arg2[%run_scoped3A_141, %dma_wait3A_162, %dma_wait3A_163] : memref<2x2500x128xi32, #tpu.memory_space<hbm>> -> memref<1x2500x128xi32, #tpu.memory_space<hbm>>
        %dma_wait3A_165 = tpu.memref_squeeze %dma_wait3A_164 : memref<1x2500x128xi32, #tpu.memory_space<hbm>> -> memref<2500x128xi32, #tpu.memory_space<hbm>>
        %dma_wait3A_166 = arith.constant 0 : i32
        %dma_wait3A_167 = tpu.memref_slice %dma_wait3A_165[%add3A_140, %dma_wait3A_166] : memref<2500x128xi32, #tpu.memory_space<hbm>> -> memref<1x128xi32, #tpu.memory_space<hbm>>
        %dma_wait3A_168 = arith.constant 78 : i32
        %dma_wait3A_169 = arith.constant 0 : i32
        %dma_wait3A_170 = tpu.memref_slice %arg6[%dma_wait3A_168, %dma_wait3A_169] : memref<80x128xi32, #tpu.memory_space<vmem>> -> memref<1x128xi32, #tpu.memory_space<vmem>>
        %dma_wait3A_171 = arith.constant 0 : i32
        %dma_wait3A_172 = arith.constant 0 : i32
        %dma_wait3A_173 = tpu.memref_slice %arg2[%run_scoped3A_141, %dma_wait3A_171, %dma_wait3A_172] : memref<2x2500x128xi32, #tpu.memory_space<hbm>> -> memref<1x2500x128xi32, #tpu.memory_space<hbm>>
        %dma_wait3A_174 = tpu.memref_squeeze %dma_wait3A_173 : memref<1x2500x128xi32, #tpu.memory_space<hbm>> -> memref<2500x128xi32, #tpu.memory_space<hbm>>
        %dma_wait3A_175 = arith.constant 0 : i32
        %dma_wait3A_176 = tpu.memref_slice %dma_wait3A_174[%add3A_140, %dma_wait3A_175] : memref<2500x128xi32, #tpu.memory_space<hbm>> -> memref<1x128xi32, #tpu.memory_space<hbm>>
        tpu.wait_dma2 semaphore(%run_scoped3A_142 : memref<!tpu.dma_semaphore, #tpu.memory_space<semaphore_mem>>) src(%dma_wait3A_176 : memref<1x128xi32, #tpu.memory_space<hbm>>) dst(%dma_wait3A_170 : memref<1x128xi32, #tpu.memory_space<vmem>>)
        tpu.yield
      }) : () -> ()
    } else {
    }
    "tpu.region"() ({
      %run_scoped3A_139 = tpu.sem_alloc : memref<!tpu.dma_semaphore, #tpu.memory_space<semaphore_mem>>
      tpu.enqueue_dma source(%arg3 : memref<128x8xf32, #tpu.memory_space<hbm>>) target(%arg7 : memref<128x8xf32, #tpu.memory_space<vmem>>) target_semaphore(%run_scoped3A_139 : memref<!tpu.dma_semaphore, #tpu.memory_space<semaphore_mem>>)
      tpu.wait_dma2 semaphore(%run_scoped3A_139 : memref<!tpu.dma_semaphore, #tpu.memory_space<semaphore_mem>>) src(%arg3 : memref<128x8xf32, #tpu.memory_space<hbm>>) dst(%arg7 : memref<128x8xf32, #tpu.memory_space<vmem>>)
      tpu.yield
    }) : () -> ()
    "tpu.region"() ({
      %run_scoped3A_139 = tpu.sem_alloc : memref<!tpu.dma_semaphore, #tpu.memory_space<semaphore_mem>>
      %dma_start3A = arith.constant 0 : i32
      %dma_start3A_140 = tpu.memref_slice %arg8[%mul3A_2, %dma_start3A] : memref<10112x8xf32, #tpu.memory_space<vmem_shared>> -> memref<632x8xf32, #tpu.memory_space<vmem_shared>>
      %dma_start3A_141 = arith.constant 0 : i32
      %dma_start3A_142 = tpu.memref_slice %arg4[%mul3A_2, %dma_start3A_141] : memref<10112x8xf32, #tpu.memory_space<hbm>> -> memref<632x8xf32, #tpu.memory_space<hbm>>
      tpu.enqueue_dma source(%dma_start3A_142 : memref<632x8xf32, #tpu.memory_space<hbm>>) target(%dma_start3A_140 : memref<632x8xf32, #tpu.memory_space<vmem_shared>>) target_semaphore(%run_scoped3A_139 : memref<!tpu.dma_semaphore, #tpu.memory_space<semaphore_mem>>)
      %dma_wait3A = arith.constant 0 : i32
      %dma_wait3A_143 = tpu.memref_slice %arg8[%mul3A_2, %dma_wait3A] : memref<10112x8xf32, #tpu.memory_space<vmem_shared>> -> memref<632x8xf32, #tpu.memory_space<vmem_shared>>
      %dma_wait3A_144 = arith.constant 0 : i32
      %dma_wait3A_145 = tpu.memref_slice %arg4[%mul3A_2, %dma_wait3A_144] : memref<10112x8xf32, #tpu.memory_space<hbm>> -> memref<632x8xf32, #tpu.memory_space<hbm>>
      tpu.wait_dma2 semaphore(%run_scoped3A_139 : memref<!tpu.dma_semaphore, #tpu.memory_space<semaphore_mem>>) src(%dma_wait3A_145 : memref<632x8xf32, #tpu.memory_space<hbm>>) dst(%dma_wait3A_143 : memref<632x8xf32, #tpu.memory_space<vmem_shared>>)
      tpu.yield
    }) : () -> ()
    %barrier3A = arith.constant 0 : index
    tpu.barrier barrier_id(%barrier3A)
    %scan3A = arith.constant 0 : i32
    %scan3A_133 = arith.constant 0 : i32
    %scan3A_134 = arith.constant 80 : i32
    %scan3A_135 = arith.addi %scan3A_133, %scan3A_134 : i32
    %scan3A_136 = arith.constant 1 : i32
    scf.for %scan3A_139 = %scan3A_133 to %scan3A_135 step %scan3A_136  : i32 {
      "tpu.region"() ({
        %run_scoped3A_140 = tpu.sem_alloc : memref<!tpu.dma_semaphore, #tpu.memory_space<semaphore_mem>>
        %dma_start3A = arith.constant 0 : i32
        %dma_start3A_141 = tpu.memref_slice %arg6[%scan3A_139, %dma_start3A] : memref<80x128xi32, #tpu.memory_space<vmem>> -> memref<1x128xi32, #tpu.memory_space<vmem>>
        %dma_start3A_142 = tpu.memref_squeeze %dma_start3A_141 : memref<1x128xi32, #tpu.memory_space<vmem>> -> memref<128xi32, #tpu.memory_space<vmem>>
        %dma_start3A_143 = arith.constant 0 : i32
        %dma_start3A_144 = arith.constant 0 : i32
        %dma_start3A_145 = tpu.memref_slice %arg8[%dma_start3A_143, %dma_start3A_144] : memref<10112x8xf32, #tpu.memory_space<vmem_shared>> -> memref<10112x8xf32, #tpu.memory_space<vmem_shared>>
        tpu.enqueue_indirect_dma source(%arg7 : memref<128x8xf32, #tpu.memory_space<vmem>>) target(%dma_start3A_145 : memref<10112x8xf32, #tpu.memory_space<vmem_shared>>) offsets(%dma_start3A_142 : memref<128xi32, #tpu.memory_space<vmem>>) semaphore(%run_scoped3A_140 : memref<!tpu.dma_semaphore, #tpu.memory_space<semaphore_mem>>) {add = true}
        %dma_wait3A = arith.constant 0 : i32
        %dma_wait3A_146 = tpu.memref_slice %arg6[%scan3A_139, %dma_wait3A] : memref<80x128xi32, #tpu.memory_space<vmem>> -> memref<1x128xi32, #tpu.memory_space<vmem>>
        %dma_wait3A_147 = tpu.memref_squeeze %dma_wait3A_146 : memref<1x128xi32, #tpu.memory_space<vmem>> -> memref<128xi32, #tpu.memory_space<vmem>>
        %dma_wait3A_148 = arith.constant 0 : i32
        %dma_wait3A_149 = arith.constant 0 : i32
        %dma_wait3A_150 = tpu.memref_slice %arg8[%dma_wait3A_148, %dma_wait3A_149] : memref<10112x8xf32, #tpu.memory_space<vmem_shared>> -> memref<10112x8xf32, #tpu.memory_space<vmem_shared>>
        tpu.wait_indirect_dma semaphore(%run_scoped3A_140 : memref<!tpu.dma_semaphore, #tpu.memory_space<semaphore_mem>>) src(%arg7 : memref<128x8xf32, #tpu.memory_space<vmem>>) dst(%dma_wait3A_150 : memref<10112x8xf32, #tpu.memory_space<vmem_shared>>)
        tpu.yield
      }) : () -> ()
    }
    %scan3A_137 = arith.constant 80 : i32
    %barrier3A_138 = arith.constant 0 : index
    tpu.barrier barrier_id(%barrier3A_138)
    "tpu.region"() ({
      %run_scoped3A_139 = tpu.sem_alloc : memref<!tpu.dma_semaphore, #tpu.memory_space<semaphore_mem>>
      %dma_start3A = arith.constant 0 : i32
      %dma_start3A_140 = arith.constant 0 : i32
      %dma_start3A_141 = tpu.memref_slice %arg5[%arg0, %dma_start3A, %dma_start3A_140] : memref<2x10112x8xf32, #tpu.memory_space<hbm>> -> memref<1x10112x8xf32, #tpu.memory_space<hbm>>
      %dma_start3A_142 = tpu.memref_squeeze %dma_start3A_141 : memref<1x10112x8xf32, #tpu.memory_space<hbm>> -> memref<10112x8xf32, #tpu.memory_space<hbm>>
      %dma_start3A_143 = arith.constant 0 : i32
      %dma_start3A_144 = tpu.memref_slice %dma_start3A_142[%mul3A_2, %dma_start3A_143] : memref<10112x8xf32, #tpu.memory_space<hbm>> -> memref<632x8xf32, #tpu.memory_space<hbm>>
      %dma_start3A_145 = arith.constant 0 : i32
      %dma_start3A_146 = tpu.memref_slice %arg8[%mul3A_2, %dma_start3A_145] : memref<10112x8xf32, #tpu.memory_space<vmem_shared>> -> memref<632x8xf32, #tpu.memory_space<vmem_shared>>
      tpu.enqueue_dma source(%dma_start3A_146 : memref<632x8xf32, #tpu.memory_space<vmem_shared>>) target(%dma_start3A_144 : memref<632x8xf32, #tpu.memory_space<hbm>>) target_semaphore(%run_scoped3A_139 : memref<!tpu.dma_semaphore, #tpu.memory_space<semaphore_mem>>)
      %dma_wait3A = arith.constant 0 : i32
      %dma_wait3A_147 = arith.constant 0 : i32
      %dma_wait3A_148 = tpu.memref_slice %arg5[%arg0, %dma_wait3A, %dma_wait3A_147] : memref<2x10112x8xf32, #tpu.memory_space<hbm>> -> memref<1x10112x8xf32, #tpu.memory_space<hbm>>
      %dma_wait3A_149 = tpu.memref_squeeze %dma_wait3A_148 : memref<1x10112x8xf32, #tpu.memory_space<hbm>> -> memref<10112x8xf32, #tpu.memory_space<hbm>>
      %dma_wait3A_150 = arith.constant 0 : i32
      %dma_wait3A_151 = tpu.memref_slice %dma_wait3A_149[%mul3A_2, %dma_wait3A_150] : memref<10112x8xf32, #tpu.memory_space<hbm>> -> memref<632x8xf32, #tpu.memory_space<hbm>>
      %dma_wait3A_152 = arith.constant 0 : i32
      %dma_wait3A_153 = tpu.memref_slice %arg8[%mul3A_2, %dma_wait3A_152] : memref<10112x8xf32, #tpu.memory_space<vmem_shared>> -> memref<632x8xf32, #tpu.memory_space<vmem_shared>>
      tpu.wait_dma2 semaphore(%run_scoped3A_139 : memref<!tpu.dma_semaphore, #tpu.memory_space<semaphore_mem>>) src(%dma_wait3A_153 : memref<632x8xf32, #tpu.memory_space<vmem_shared>>) dst(%dma_wait3A_151 : memref<632x8xf32, #tpu.memory_space<hbm>>)
      tpu.yield
    }) : () -> ()
    return
  }
}

#map = affine_map<(d0, d1) -> (0, 0, 0)>
#map1 = affine_map<(d0, d1) -> (0, 0)>
module attributes {stable_mosaic.version = 14 : i64} {
  func.func @agg_kernel(%arg0: i32, %arg1: i32, %arg2: memref<2x2500x128xi32, #tpu.memory_space<hbm>>, %arg3: memref<10112x24xf32, #tpu.memory_space<hbm>>, %arg4: memref<10112x24xf32, #tpu.memory_space<hbm>>, %arg5: memref<2x10112x24xf32, #tpu.memory_space<hbm>>, %arg6: memref<80x128xi32, #tpu.memory_space<vmem>>, %arg7: memref<80x128xi32, #tpu.memory_space<vmem>>, %arg8: memref<128x24xf32, #tpu.memory_space<vmem>>, %arg9: memref<128x24xf32, #tpu.memory_space<vmem>>, %arg10: memref<10112x24xf32, #tpu.memory_space<vmem_shared>>, %arg11: memref<10112x24xf32, #tpu.memory_space<vmem_shared>>, %arg12: memref<!tpu.dma_semaphore, #tpu.memory_space<semaphore_mem>>, %arg13: memref<!tpu.dma_semaphore, #tpu.memory_space<semaphore_mem>>) attributes {dimension_semantics = [#tpu.dimension_semantics<core_parallel>, #tpu.dimension_semantics<subcore_parallel>], iteration_bounds = array<i64: 2, 16>, scalar_prefetch = 0 : i64, scratch_operands = 8 : i64, tpu.core_type = #tpu.core_type<sc_vector_subcore>, window_params = [{transform_indices = #map}, {transform_indices = #map1}, {transform_indices = #map1}, {transform_indices = #map}]} {
    %mul3A = arith.constant 2 : i32
    %mul3A_0 = arith.muli %arg1, %mul3A : i32
    %add3A = arith.addi %mul3A_0, %arg0 : i32
    %mul3A_1 = arith.constant 632 : i32
    %mul3A_2 = arith.muli %arg1, %mul3A_1 : i32
    %mul3A_3 = arith.constant 78 : i32
    %mul3A_4 = arith.muli %add3A, %mul3A_3 : i32
    %run_scoped3A = arith.constant 0 : i32
    "tpu.region"() ({
      %run_scoped3A_307 = tpu.sem_alloc : memref<!tpu.dma_semaphore, #tpu.memory_space<semaphore_mem>>
      %dma_start3A = arith.constant 0 : i32
      %dma_start3A_308 = arith.constant 0 : i32
      %dma_start3A_309 = tpu.memref_slice %arg6[%dma_start3A, %dma_start3A_308] : memref<80x128xi32, #tpu.memory_space<vmem>> -> memref<78x128xi32, #tpu.memory_space<vmem>>
      %dma_start3A_310 = arith.constant 0 : i32
      %dma_start3A_311 = arith.constant 0 : i32
      %dma_start3A_312 = tpu.memref_slice %arg2[%run_scoped3A, %dma_start3A_310, %dma_start3A_311] : memref<2x2500x128xi32, #tpu.memory_space<hbm>> -> memref<1x2500x128xi32, #tpu.memory_space<hbm>>
      %dma_start3A_313 = tpu.memref_squeeze %dma_start3A_312 : memref<1x2500x128xi32, #tpu.memory_space<hbm>> -> memref<2500x128xi32, #tpu.memory_space<hbm>>
      %dma_start3A_314 = arith.constant 0 : i32
      %dma_start3A_315 = tpu.memref_slice %dma_start3A_313[%mul3A_4, %dma_start3A_314] : memref<2500x128xi32, #tpu.memory_space<hbm>> -> memref<78x128xi32, #tpu.memory_space<hbm>>
      %dma_start3A_316 = arith.constant 0 : i32
      %dma_start3A_317 = arith.constant 0 : i32
      %dma_start3A_318 = tpu.memref_slice %arg6[%dma_start3A_316, %dma_start3A_317] : memref<80x128xi32, #tpu.memory_space<vmem>> -> memref<78x128xi32, #tpu.memory_space<vmem>>
      %dma_start3A_319 = arith.constant 0 : i32
      %dma_start3A_320 = arith.constant 0 : i32
      %dma_start3A_321 = tpu.memref_slice %arg2[%run_scoped3A, %dma_start3A_319, %dma_start3A_320] : memref<2x2500x128xi32, #tpu.memory_space<hbm>> -> memref<1x2500x128xi32, #tpu.memory_space<hbm>>
      %dma_start3A_322 = tpu.memref_squeeze %dma_start3A_321 : memref<1x2500x128xi32, #tpu.memory_space<hbm>> -> memref<2500x128xi32, #tpu.memory_space<hbm>>
      %dma_start3A_323 = arith.constant 0 : i32
      %dma_start3A_324 = tpu.memref_slice %dma_start3A_322[%mul3A_4, %dma_start3A_323] : memref<2500x128xi32, #tpu.memory_space<hbm>> -> memref<78x128xi32, #tpu.memory_space<hbm>>
      tpu.enqueue_dma source(%dma_start3A_324 : memref<78x128xi32, #tpu.memory_space<hbm>>) target(%dma_start3A_318 : memref<78x128xi32, #tpu.memory_space<vmem>>) target_semaphore(%run_scoped3A_307 : memref<!tpu.dma_semaphore, #tpu.memory_space<semaphore_mem>>)
      %dma_wait3A_325 = arith.constant 0 : i32
      %dma_wait3A_326 = arith.constant 0 : i32
      %dma_wait3A_327 = tpu.memref_slice %arg6[%dma_wait3A_325, %dma_wait3A_326] : memref<80x128xi32, #tpu.memory_space<vmem>> -> memref<78x128xi32, #tpu.memory_space<vmem>>
      %dma_wait3A_328 = arith.constant 0 : i32
      %dma_wait3A_329 = arith.constant 0 : i32
      %dma_wait3A_330 = tpu.memref_slice %arg2[%run_scoped3A, %dma_wait3A_328, %dma_wait3A_329] : memref<2x2500x128xi32, #tpu.memory_space<hbm>> -> memref<1x2500x128xi32, #tpu.memory_space<hbm>>
      %dma_wait3A_331 = tpu.memref_squeeze %dma_wait3A_330 : memref<1x2500x128xi32, #tpu.memory_space<hbm>> -> memref<2500x128xi32, #tpu.memory_space<hbm>>
      %dma_wait3A_332 = arith.constant 0 : i32
      %dma_wait3A_333 = tpu.memref_slice %dma_wait3A_331[%mul3A_4, %dma_wait3A_332] : memref<2500x128xi32, #tpu.memory_space<hbm>> -> memref<78x128xi32, #tpu.memory_space<hbm>>
      %dma_wait3A_334 = arith.constant 0 : i32
      %dma_wait3A_335 = arith.constant 0 : i32
      %dma_wait3A_336 = tpu.memref_slice %arg6[%dma_wait3A_334, %dma_wait3A_335] : memref<80x128xi32, #tpu.memory_space<vmem>> -> memref<78x128xi32, #tpu.memory_space<vmem>>
      %dma_wait3A_337 = arith.constant 0 : i32
      %dma_wait3A_338 = arith.constant 0 : i32
      %dma_wait3A_339 = tpu.memref_slice %arg2[%run_scoped3A, %dma_wait3A_337, %dma_wait3A_338] : memref<2x2500x128xi32, #tpu.memory_space<hbm>> -> memref<1x2500x128xi32, #tpu.memory_space<hbm>>
      %dma_wait3A_340 = tpu.memref_squeeze %dma_wait3A_339 : memref<1x2500x128xi32, #tpu.memory_space<hbm>> -> memref<2500x128xi32, #tpu.memory_space<hbm>>
      %dma_wait3A_341 = arith.constant 0 : i32
      %dma_wait3A_342 = tpu.memref_slice %dma_wait3A_340[%mul3A_4, %dma_wait3A_341] : memref<2500x128xi32, #tpu.memory_space<hbm>> -> memref<78x128xi32, #tpu.memory_space<hbm>>
      tpu.wait_dma2 semaphore(%run_scoped3A_307 : memref<!tpu.dma_semaphore, #tpu.memory_space<semaphore_mem>>) src(%dma_wait3A_342 : memref<78x128xi32, #tpu.memory_space<hbm>>) dst(%dma_wait3A_336 : memref<78x128xi32, #tpu.memory_space<vmem>>)
      tpu.yield
    }) : () -> ()
    %broadcast_in_dim3A = arith.constant 0 : i32
    %broadcast_in_dim3A_5 = vector.broadcast %broadcast_in_dim3A : i32 to vector<16xi32>
    %swap3A = arith.constant 78 : i32
    %swap3A_6 = arith.index_cast %swap3A : i32 to index
    %swap3A_7 = arith.constant 0 : index
    %swap3A_8 = tpu.vector_load %arg6[%swap3A_6, %swap3A_7] {strides = array<i32>} : memref<80x128xi32, #tpu.memory_space<vmem>>, vector<1x16xi32>,
    %swap3A_9 = vector.shape_cast %swap3A_8 : vector<1x16xi32> to vector<16xi32>
    %swap3A_10 = vector.shape_cast %broadcast_in_dim3A_5 : vector<16xi32> to vector<1x16xi32>
    tpu.vector_store %arg6[%swap3A_6, %swap3A_7], %swap3A_10 {strides = array<i32>} : memref<80x128xi32, #tpu.memory_space<vmem>>, vector<1x16xi32>,
    %broadcast_in_dim3A_11 = arith.constant 0 : i32
    %broadcast_in_dim3A_12 = vector.broadcast %broadcast_in_dim3A_11 : i32 to vector<16xi32>
    %swap3A_13 = arith.constant 78 : i32
    %swap3A_14 = arith.index_cast %swap3A_13 : i32 to index
    %swap3A_15 = arith.constant 16 : index
    %swap3A_16 = tpu.vector_load %arg6[%swap3A_14, %swap3A_15] {strides = array<i32>} : memref<80x128xi32, #tpu.memory_space<vmem>>, vector<1x16xi32>,
    %swap3A_17 = vector.shape_cast %swap3A_16 : vector<1x16xi32> to vector<16xi32>
    %swap3A_18 = vector.shape_cast %broadcast_in_dim3A_12 : vector<16xi32> to vector<1x16xi32>
    tpu.vector_store %arg6[%swap3A_14, %swap3A_15], %swap3A_18 {strides = array<i32>} : memref<80x128xi32, #tpu.memory_space<vmem>>, vector<1x16xi32>,
    %broadcast_in_dim3A_19 = arith.constant 0 : i32
    %broadcast_in_dim3A_20 = vector.broadcast %broadcast_in_dim3A_19 : i32 to vector<16xi32>
    %swap3A_21 = arith.constant 78 : i32
    %swap3A_22 = arith.index_cast %swap3A_21 : i32 to index
    %swap3A_23 = arith.constant 32 : index
    %swap3A_24 = tpu.vector_load %arg6[%swap3A_22, %swap3A_23] {strides = array<i32>} : memref<80x128xi32, #tpu.memory_space<vmem>>, vector<1x16xi32>,
    %swap3A_25 = vector.shape_cast %swap3A_24 : vector<1x16xi32> to vector<16xi32>
    %swap3A_26 = vector.shape_cast %broadcast_in_dim3A_20 : vector<16xi32> to vector<1x16xi32>
    tpu.vector_store %arg6[%swap3A_22, %swap3A_23], %swap3A_26 {strides = array<i32>} : memref<80x128xi32, #tpu.memory_space<vmem>>, vector<1x16xi32>,
    %broadcast_in_dim3A_27 = arith.constant 0 : i32
    %broadcast_in_dim3A_28 = vector.broadcast %broadcast_in_dim3A_27 : i32 to vector<16xi32>
    %swap3A_29 = arith.constant 78 : i32
    %swap3A_30 = arith.index_cast %swap3A_29 : i32 to index
    %swap3A_31 = arith.constant 48 : index
    %swap3A_32 = tpu.vector_load %arg6[%swap3A_30, %swap3A_31] {strides = array<i32>} : memref<80x128xi32, #tpu.memory_space<vmem>>, vector<1x16xi32>,
    %swap3A_33 = vector.shape_cast %swap3A_32 : vector<1x16xi32> to vector<16xi32>
    %swap3A_34 = vector.shape_cast %broadcast_in_dim3A_28 : vector<16xi32> to vector<1x16xi32>
    tpu.vector_store %arg6[%swap3A_30, %swap3A_31], %swap3A_34 {strides = array<i32>} : memref<80x128xi32, #tpu.memory_space<vmem>>, vector<1x16xi32>,
    %broadcast_in_dim3A_35 = arith.constant 0 : i32
    %broadcast_in_dim3A_36 = vector.broadcast %broadcast_in_dim3A_35 : i32 to vector<16xi32>
    %swap3A_37 = arith.constant 78 : i32
    %swap3A_38 = arith.index_cast %swap3A_37 : i32 to index
    %swap3A_39 = arith.constant 64 : index
    %swap3A_40 = tpu.vector_load %arg6[%swap3A_38, %swap3A_39] {strides = array<i32>} : memref<80x128xi32, #tpu.memory_space<vmem>>, vector<1x16xi32>,
    %swap3A_41 = vector.shape_cast %swap3A_40 : vector<1x16xi32> to vector<16xi32>
    %swap3A_42 = vector.shape_cast %broadcast_in_dim3A_36 : vector<16xi32> to vector<1x16xi32>
    tpu.vector_store %arg6[%swap3A_38, %swap3A_39], %swap3A_42 {strides = array<i32>} : memref<80x128xi32, #tpu.memory_space<vmem>>, vector<1x16xi32>,
    %broadcast_in_dim3A_43 = arith.constant 0 : i32
    %broadcast_in_dim3A_44 = vector.broadcast %broadcast_in_dim3A_43 : i32 to vector<16xi32>
    %swap3A_45 = arith.constant 78 : i32
    %swap3A_46 = arith.index_cast %swap3A_45 : i32 to index
    %swap3A_47 = arith.constant 80 : index
    %swap3A_48 = tpu.vector_load %arg6[%swap3A_46, %swap3A_47] {strides = array<i32>} : memref<80x128xi32, #tpu.memory_space<vmem>>, vector<1x16xi32>,
    %swap3A_49 = vector.shape_cast %swap3A_48 : vector<1x16xi32> to vector<16xi32>
    %swap3A_50 = vector.shape_cast %broadcast_in_dim3A_44 : vector<16xi32> to vector<1x16xi32>
    tpu.vector_store %arg6[%swap3A_46, %swap3A_47], %swap3A_50 {strides = array<i32>} : memref<80x128xi32, #tpu.memory_space<vmem>>, vector<1x16xi32>,
    %broadcast_in_dim3A_51 = arith.constant 0 : i32
    %broadcast_in_dim3A_52 = vector.broadcast %broadcast_in_dim3A_51 : i32 to vector<16xi32>
    %swap3A_53 = arith.constant 78 : i32
    %swap3A_54 = arith.index_cast %swap3A_53 : i32 to index
    %swap3A_55 = arith.constant 96 : index
    %swap3A_56 = tpu.vector_load %arg6[%swap3A_54, %swap3A_55] {strides = array<i32>} : memref<80x128xi32, #tpu.memory_space<vmem>>, vector<1x16xi32>,
    %swap3A_57 = vector.shape_cast %swap3A_56 : vector<1x16xi32> to vector<16xi32>
    %swap3A_58 = vector.shape_cast %broadcast_in_dim3A_52 : vector<16xi32> to vector<1x16xi32>
    tpu.vector_store %arg6[%swap3A_54, %swap3A_55], %swap3A_58 {strides = array<i32>} : memref<80x128xi32, #tpu.memory_space<vmem>>, vector<1x16xi32>,
    %broadcast_in_dim3A_59 = arith.constant 0 : i32
    %broadcast_in_dim3A_60 = vector.broadcast %broadcast_in_dim3A_59 : i32 to vector<16xi32>
    %swap3A_61 = arith.constant 78 : i32
    %swap3A_62 = arith.index_cast %swap3A_61 : i32 to index
    %swap3A_63 = arith.constant 112 : index
    %swap3A_64 = tpu.vector_load %arg6[%swap3A_62, %swap3A_63] {strides = array<i32>} : memref<80x128xi32, #tpu.memory_space<vmem>>, vector<1x16xi32>,
    %swap3A_65 = vector.shape_cast %swap3A_64 : vector<1x16xi32> to vector<16xi32>
    %swap3A_66 = vector.shape_cast %broadcast_in_dim3A_60 : vector<16xi32> to vector<1x16xi32>
    tpu.vector_store %arg6[%swap3A_62, %swap3A_63], %swap3A_66 {strides = array<i32>} : memref<80x128xi32, #tpu.memory_space<vmem>>, vector<1x16xi32>,
    %broadcast_in_dim3A_67 = arith.constant 0 : i32
    %broadcast_in_dim3A_68 = vector.broadcast %broadcast_in_dim3A_67 : i32 to vector<16xi32>
    %swap3A_69 = arith.constant 79 : i32
    %swap3A_70 = arith.index_cast %swap3A_69 : i32 to index
    %swap3A_71 = arith.constant 0 : index
    %swap3A_72 = tpu.vector_load %arg6[%swap3A_70, %swap3A_71] {strides = array<i32>} : memref<80x128xi32, #tpu.memory_space<vmem>>, vector<1x16xi32>,
    %swap3A_73 = vector.shape_cast %swap3A_72 : vector<1x16xi32> to vector<16xi32>
    %swap3A_74 = vector.shape_cast %broadcast_in_dim3A_68 : vector<16xi32> to vector<1x16xi32>
    tpu.vector_store %arg6[%swap3A_70, %swap3A_71], %swap3A_74 {strides = array<i32>} : memref<80x128xi32, #tpu.memory_space<vmem>>, vector<1x16xi32>,
    %broadcast_in_dim3A_75 = arith.constant 0 : i32
    %broadcast_in_dim3A_76 = vector.broadcast %broadcast_in_dim3A_75 : i32 to vector<16xi32>
    %swap3A_77 = arith.constant 79 : i32
    %swap3A_78 = arith.index_cast %swap3A_77 : i32 to index
    %swap3A_79 = arith.constant 16 : index
    %swap3A_80 = tpu.vector_load %arg6[%swap3A_78, %swap3A_79] {strides = array<i32>} : memref<80x128xi32, #tpu.memory_space<vmem>>, vector<1x16xi32>,
    %swap3A_81 = vector.shape_cast %swap3A_80 : vector<1x16xi32> to vector<16xi32>
    %swap3A_82 = vector.shape_cast %broadcast_in_dim3A_76 : vector<16xi32> to vector<1x16xi32>
    tpu.vector_store %arg6[%swap3A_78, %swap3A_79], %swap3A_82 {strides = array<i32>} : memref<80x128xi32, #tpu.memory_space<vmem>>, vector<1x16xi32>,
    %broadcast_in_dim3A_83 = arith.constant 0 : i32
    %broadcast_in_dim3A_84 = vector.broadcast %broadcast_in_dim3A_83 : i32 to vector<16xi32>
    %swap3A_85 = arith.constant 79 : i32
    %swap3A_86 = arith.index_cast %swap3A_85 : i32 to index
    %swap3A_87 = arith.constant 32 : index
    %swap3A_88 = tpu.vector_load %arg6[%swap3A_86, %swap3A_87] {strides = array<i32>} : memref<80x128xi32, #tpu.memory_space<vmem>>, vector<1x16xi32>,
    %swap3A_89 = vector.shape_cast %swap3A_88 : vector<1x16xi32> to vector<16xi32>
    %swap3A_90 = vector.shape_cast %broadcast_in_dim3A_84 : vector<16xi32> to vector<1x16xi32>
    tpu.vector_store %arg6[%swap3A_86, %swap3A_87], %swap3A_90 {strides = array<i32>} : memref<80x128xi32, #tpu.memory_space<vmem>>, vector<1x16xi32>,
    %broadcast_in_dim3A_91 = arith.constant 0 : i32
    %broadcast_in_dim3A_92 = vector.broadcast %broadcast_in_dim3A_91 : i32 to vector<16xi32>
    %swap3A_93 = arith.constant 79 : i32
    %swap3A_94 = arith.index_cast %swap3A_93 : i32 to index
    %swap3A_95 = arith.constant 48 : index
    %swap3A_96 = tpu.vector_load %arg6[%swap3A_94, %swap3A_95] {strides = array<i32>} : memref<80x128xi32, #tpu.memory_space<vmem>>, vector<1x16xi32>,
    %swap3A_97 = vector.shape_cast %swap3A_96 : vector<1x16xi32> to vector<16xi32>
    %swap3A_98 = vector.shape_cast %broadcast_in_dim3A_92 : vector<16xi32> to vector<1x16xi32>
    tpu.vector_store %arg6[%swap3A_94, %swap3A_95], %swap3A_98 {strides = array<i32>} : memref<80x128xi32, #tpu.memory_space<vmem>>, vector<1x16xi32>,
    %broadcast_in_dim3A_99 = arith.constant 0 : i32
    %broadcast_in_dim3A_100 = vector.broadcast %broadcast_in_dim3A_99 : i32 to vector<16xi32>
    %swap3A_101 = arith.constant 79 : i32
    %swap3A_102 = arith.index_cast %swap3A_101 : i32 to index
    %swap3A_103 = arith.constant 64 : index
    %swap3A_104 = tpu.vector_load %arg6[%swap3A_102, %swap3A_103] {strides = array<i32>} : memref<80x128xi32, #tpu.memory_space<vmem>>, vector<1x16xi32>,
    %swap3A_105 = vector.shape_cast %swap3A_104 : vector<1x16xi32> to vector<16xi32>
    %swap3A_106 = vector.shape_cast %broadcast_in_dim3A_100 : vector<16xi32> to vector<1x16xi32>
    tpu.vector_store %arg6[%swap3A_102, %swap3A_103], %swap3A_106 {strides = array<i32>} : memref<80x128xi32, #tpu.memory_space<vmem>>, vector<1x16xi32>,
    %broadcast_in_dim3A_107 = arith.constant 0 : i32
    %broadcast_in_dim3A_108 = vector.broadcast %broadcast_in_dim3A_107 : i32 to vector<16xi32>
    %swap3A_109 = arith.constant 79 : i32
    %swap3A_110 = arith.index_cast %swap3A_109 : i32 to index
    %swap3A_111 = arith.constant 80 : index
    %swap3A_112 = tpu.vector_load %arg6[%swap3A_110, %swap3A_111] {strides = array<i32>} : memref<80x128xi32, #tpu.memory_space<vmem>>, vector<1x16xi32>,
    %swap3A_113 = vector.shape_cast %swap3A_112 : vector<1x16xi32> to vector<16xi32>
    %swap3A_114 = vector.shape_cast %broadcast_in_dim3A_108 : vector<16xi32> to vector<1x16xi32>
    tpu.vector_store %arg6[%swap3A_110, %swap3A_111], %swap3A_114 {strides = array<i32>} : memref<80x128xi32, #tpu.memory_space<vmem>>, vector<1x16xi32>,
    %broadcast_in_dim3A_115 = arith.constant 0 : i32
    %broadcast_in_dim3A_116 = vector.broadcast %broadcast_in_dim3A_115 : i32 to vector<16xi32>
    %swap3A_117 = arith.constant 79 : i32
    %swap3A_118 = arith.index_cast %swap3A_117 : i32 to index
    %swap3A_119 = arith.constant 96 : index
    %swap3A_120 = tpu.vector_load %arg6[%swap3A_118, %swap3A_119] {strides = array<i32>} : memref<80x128xi32, #tpu.memory_space<vmem>>, vector<1x16xi32>,
    %swap3A_121 = vector.shape_cast %swap3A_120 : vector<1x16xi32> to vector<16xi32>
    %swap3A_122 = vector.shape_cast %broadcast_in_dim3A_116 : vector<16xi32> to vector<1x16xi32>
    tpu.vector_store %arg6[%swap3A_118, %swap3A_119], %swap3A_122 {strides = array<i32>} : memref<80x128xi32, #tpu.memory_space<vmem>>, vector<1x16xi32>,
    %broadcast_in_dim3A_123 = arith.constant 0 : i32
    %broadcast_in_dim3A_124 = vector.broadcast %broadcast_in_dim3A_123 : i32 to vector<16xi32>
    %swap3A_125 = arith.constant 79 : i32
    %swap3A_126 = arith.index_cast %swap3A_125 : i32 to index
    %swap3A_127 = arith.constant 112 : index
    %swap3A_128 = tpu.vector_load %arg6[%swap3A_126, %swap3A_127] {strides = array<i32>} : memref<80x128xi32, #tpu.memory_space<vmem>>, vector<1x16xi32>,
    %swap3A_129 = vector.shape_cast %swap3A_128 : vector<1x16xi32> to vector<16xi32>
    %swap3A_130 = vector.shape_cast %broadcast_in_dim3A_124 : vector<16xi32> to vector<1x16xi32>
    tpu.vector_store %arg6[%swap3A_126, %swap3A_127], %swap3A_130 {strides = array<i32>} : memref<80x128xi32, #tpu.memory_space<vmem>>, vector<1x16xi32>,
    %lt3A = arith.constant 4 : i32
    %lt3A_131 = arith.cmpi slt, %add3A, %lt3A : i32
    %convert_element_type3A = arith.extui %lt3A_131 : i1 to i32
    %cond3A = arith.constant 0 : i32
    %cond3A_132 = arith.cmpi ne, %convert_element_type3A, %cond3A : i32
    scf.if %cond3A_132 {
      %add3A_307 = arith.constant 2496 : i32
      %add3A_308 = arith.addi %add3A_307, %add3A : i32
      %run_scoped3A_309 = arith.constant 0 : i32
      "tpu.region"() ({
        %run_scoped3A_310 = tpu.sem_alloc : memref<!tpu.dma_semaphore, #tpu.memory_space<semaphore_mem>>
        %dma_start3A = arith.constant 78 : i32
        %dma_start3A_311 = arith.constant 0 : i32
        %dma_start3A_312 = tpu.memref_slice %arg6[%dma_start3A, %dma_start3A_311] : memref<80x128xi32, #tpu.memory_space<vmem>> -> memref<1x128xi32, #tpu.memory_space<vmem>>
        %dma_start3A_313 = arith.constant 0 : i32
        %dma_start3A_314 = arith.constant 0 : i32
        %dma_start3A_315 = tpu.memref_slice %arg2[%run_scoped3A_309, %dma_start3A_313, %dma_start3A_314] : memref<2x2500x128xi32, #tpu.memory_space<hbm>> -> memref<1x2500x128xi32, #tpu.memory_space<hbm>>
        %dma_start3A_316 = tpu.memref_squeeze %dma_start3A_315 : memref<1x2500x128xi32, #tpu.memory_space<hbm>> -> memref<2500x128xi32, #tpu.memory_space<hbm>>
        %dma_start3A_317 = arith.constant 0 : i32
        %dma_start3A_318 = tpu.memref_slice %dma_start3A_316[%add3A_308, %dma_start3A_317] : memref<2500x128xi32, #tpu.memory_space<hbm>> -> memref<1x128xi32, #tpu.memory_space<hbm>>
        %dma_start3A_319 = arith.constant 78 : i32
        %dma_start3A_320 = arith.constant 0 : i32
        %dma_start3A_321 = tpu.memref_slice %arg6[%dma_start3A_319, %dma_start3A_320] : memref<80x128xi32, #tpu.memory_space<vmem>> -> memref<1x128xi32, #tpu.memory_space<vmem>>
        %dma_start3A_322 = arith.constant 0 : i32
        %dma_start3A_323 = arith.constant 0 : i32
        %dma_start3A_324 = tpu.memref_slice %arg2[%run_scoped3A_309, %dma_start3A_322, %dma_start3A_323] : memref<2x2500x128xi32, #tpu.memory_space<hbm>> -> memref<1x2500x128xi32, #tpu.memory_space<hbm>>
        %dma_start3A_325 = tpu.memref_squeeze %dma_start3A_324 : memref<1x2500x128xi32, #tpu.memory_space<hbm>> -> memref<2500x128xi32, #tpu.memory_space<hbm>>
        %dma_start3A_326 = arith.constant 0 : i32
        %dma_start3A_327 = tpu.memref_slice %dma_start3A_325[%add3A_308, %dma_start3A_326] : memref<2500x128xi32, #tpu.memory_space<hbm>> -> memref<1x128xi32, #tpu.memory_space<hbm>>
        tpu.enqueue_dma source(%dma_start3A_327 : memref<1x128xi32, #tpu.memory_space<hbm>>) target(%dma_start3A_321 : memref<1x128xi32, #tpu.memory_space<vmem>>) target_semaphore(%run_scoped3A_310 : memref<!tpu.dma_semaphore, #tpu.memory_space<semaphore_mem>>)
        %dma_wait3A_328 = arith.constant 78 : i32
        %dma_wait3A_329 = arith.constant 0 : i32
        %dma_wait3A_330 = tpu.memref_slice %arg6[%dma_wait3A_328, %dma_wait3A_329] : memref<80x128xi32, #tpu.memory_space<vmem>> -> memref<1x128xi32, #tpu.memory_space<vmem>>
        %dma_wait3A_331 = arith.constant 0 : i32
        %dma_wait3A_332 = arith.constant 0 : i32
        %dma_wait3A_333 = tpu.memref_slice %arg2[%run_scoped3A_309, %dma_wait3A_331, %dma_wait3A_332] : memref<2x2500x128xi32, #tpu.memory_space<hbm>> -> memref<1x2500x128xi32, #tpu.memory_space<hbm>>
        %dma_wait3A_334 = tpu.memref_squeeze %dma_wait3A_333 : memref<1x2500x128xi32, #tpu.memory_space<hbm>> -> memref<2500x128xi32, #tpu.memory_space<hbm>>
        %dma_wait3A_335 = arith.constant 0 : i32
        %dma_wait3A_336 = tpu.memref_slice %dma_wait3A_334[%add3A_308, %dma_wait3A_335] : memref<2500x128xi32, #tpu.memory_space<hbm>> -> memref<1x128xi32, #tpu.memory_space<hbm>>
        %dma_wait3A_337 = arith.constant 78 : i32
        %dma_wait3A_338 = arith.constant 0 : i32
        %dma_wait3A_339 = tpu.memref_slice %arg6[%dma_wait3A_337, %dma_wait3A_338] : memref<80x128xi32, #tpu.memory_space<vmem>> -> memref<1x128xi32, #tpu.memory_space<vmem>>
        %dma_wait3A_340 = arith.constant 0 : i32
        %dma_wait3A_341 = arith.constant 0 : i32
        %dma_wait3A_342 = tpu.memref_slice %arg2[%run_scoped3A_309, %dma_wait3A_340, %dma_wait3A_341] : memref<2x2500x128xi32, #tpu.memory_space<hbm>> -> memref<1x2500x128xi32, #tpu.memory_space<hbm>>
        %dma_wait3A_343 = tpu.memref_squeeze %dma_wait3A_342 : memref<1x2500x128xi32, #tpu.memory_space<hbm>> -> memref<2500x128xi32, #tpu.memory_space<hbm>>
        %dma_wait3A_344 = arith.constant 0 : i32
        %dma_wait3A_345 = tpu.memref_slice %dma_wait3A_343[%add3A_308, %dma_wait3A_344] : memref<2500x128xi32, #tpu.memory_space<hbm>> -> memref<1x128xi32, #tpu.memory_space<hbm>>
        tpu.wait_dma2 semaphore(%run_scoped3A_310 : memref<!tpu.dma_semaphore, #tpu.memory_space<semaphore_mem>>) src(%dma_wait3A_345 : memref<1x128xi32, #tpu.memory_space<hbm>>) dst(%dma_wait3A_339 : memref<1x128xi32, #tpu.memory_space<vmem>>)
        tpu.yield
      }) : () -> ()
    } else {
    }
    %mul3A_133 = arith.constant 78 : i32
    %mul3A_134 = arith.muli %add3A, %mul3A_133 : i32
    %run_scoped3A_135 = arith.constant 1 : i32
    "tpu.region"() ({
      %run_scoped3A_307 = tpu.sem_alloc : memref<!tpu.dma_semaphore, #tpu.memory_space<semaphore_mem>>
      %dma_start3A = arith.constant 0 : i32
      %dma_start3A_308 = arith.constant 0 : i32
      %dma_start3A_309 = tpu.memref_slice %arg7[%dma_start3A, %dma_start3A_308] : memref<80x128xi32, #tpu.memory_space<vmem>> -> memref<78x128xi32, #tpu.memory_space<vmem>>
      %dma_start3A_310 = arith.constant 0 : i32
      %dma_start3A_311 = arith.constant 0 : i32
      %dma_start3A_312 = tpu.memref_slice %arg2[%run_scoped3A_135, %dma_start3A_310, %dma_start3A_311] : memref<2x2500x128xi32, #tpu.memory_space<hbm>> -> memref<1x2500x128xi32, #tpu.memory_space<hbm>>
      %dma_start3A_313 = tpu.memref_squeeze %dma_start3A_312 : memref<1x2500x128xi32, #tpu.memory_space<hbm>> -> memref<2500x128xi32, #tpu.memory_space<hbm>>
      %dma_start3A_314 = arith.constant 0 : i32
      %dma_start3A_315 = tpu.memref_slice %dma_start3A_313[%mul3A_134, %dma_start3A_314] : memref<2500x128xi32, #tpu.memory_space<hbm>> -> memref<78x128xi32, #tpu.memory_space<hbm>>
      %dma_start3A_316 = arith.constant 0 : i32
      %dma_start3A_317 = arith.constant 0 : i32
      %dma_start3A_318 = tpu.memref_slice %arg7[%dma_start3A_316, %dma_start3A_317] : memref<80x128xi32, #tpu.memory_space<vmem>> -> memref<78x128xi32, #tpu.memory_space<vmem>>
      %dma_start3A_319 = arith.constant 0 : i32
      %dma_start3A_320 = arith.constant 0 : i32
      %dma_start3A_321 = tpu.memref_slice %arg2[%run_scoped3A_135, %dma_start3A_319, %dma_start3A_320] : memref<2x2500x128xi32, #tpu.memory_space<hbm>> -> memref<1x2500x128xi32, #tpu.memory_space<hbm>>
      %dma_start3A_322 = tpu.memref_squeeze %dma_start3A_321 : memref<1x2500x128xi32, #tpu.memory_space<hbm>> -> memref<2500x128xi32, #tpu.memory_space<hbm>>
      %dma_start3A_323 = arith.constant 0 : i32
      %dma_start3A_324 = tpu.memref_slice %dma_start3A_322[%mul3A_134, %dma_start3A_323] : memref<2500x128xi32, #tpu.memory_space<hbm>> -> memref<78x128xi32, #tpu.memory_space<hbm>>
      tpu.enqueue_dma source(%dma_start3A_324 : memref<78x128xi32, #tpu.memory_space<hbm>>) target(%dma_start3A_318 : memref<78x128xi32, #tpu.memory_space<vmem>>) target_semaphore(%run_scoped3A_307 : memref<!tpu.dma_semaphore, #tpu.memory_space<semaphore_mem>>)
      %dma_wait3A_325 = arith.constant 0 : i32
      %dma_wait3A_326 = arith.constant 0 : i32
      %dma_wait3A_327 = tpu.memref_slice %arg7[%dma_wait3A_325, %dma_wait3A_326] : memref<80x128xi32, #tpu.memory_space<vmem>> -> memref<78x128xi32, #tpu.memory_space<vmem>>
      %dma_wait3A_328 = arith.constant 0 : i32
      %dma_wait3A_329 = arith.constant 0 : i32
      %dma_wait3A_330 = tpu.memref_slice %arg2[%run_scoped3A_135, %dma_wait3A_328, %dma_wait3A_329] : memref<2x2500x128xi32, #tpu.memory_space<hbm>> -> memref<1x2500x128xi32, #tpu.memory_space<hbm>>
      %dma_wait3A_331 = tpu.memref_squeeze %dma_wait3A_330 : memref<1x2500x128xi32, #tpu.memory_space<hbm>> -> memref<2500x128xi32, #tpu.memory_space<hbm>>
      %dma_wait3A_332 = arith.constant 0 : i32
      %dma_wait3A_333 = tpu.memref_slice %dma_wait3A_331[%mul3A_134, %dma_wait3A_332] : memref<2500x128xi32, #tpu.memory_space<hbm>> -> memref<78x128xi32, #tpu.memory_space<hbm>>
      %dma_wait3A_334 = arith.constant 0 : i32
      %dma_wait3A_335 = arith.constant 0 : i32
      %dma_wait3A_336 = tpu.memref_slice %arg7[%dma_wait3A_334, %dma_wait3A_335] : memref<80x128xi32, #tpu.memory_space<vmem>> -> memref<78x128xi32, #tpu.memory_space<vmem>>
      %dma_wait3A_337 = arith.constant 0 : i32
      %dma_wait3A_338 = arith.constant 0 : i32
      %dma_wait3A_339 = tpu.memref_slice %arg2[%run_scoped3A_135, %dma_wait3A_337, %dma_wait3A_338] : memref<2x2500x128xi32, #tpu.memory_space<hbm>> -> memref<1x2500x128xi32, #tpu.memory_space<hbm>>
      %dma_wait3A_340 = tpu.memref_squeeze %dma_wait3A_339 : memref<1x2500x128xi32, #tpu.memory_space<hbm>> -> memref<2500x128xi32, #tpu.memory_space<hbm>>
      %dma_wait3A_341 = arith.constant 0 : i32
      %dma_wait3A_342 = tpu.memref_slice %dma_wait3A_340[%mul3A_134, %dma_wait3A_341] : memref<2500x128xi32, #tpu.memory_space<hbm>> -> memref<78x128xi32, #tpu.memory_space<hbm>>
      tpu.wait_dma2 semaphore(%run_scoped3A_307 : memref<!tpu.dma_semaphore, #tpu.memory_space<semaphore_mem>>) src(%dma_wait3A_342 : memref<78x128xi32, #tpu.memory_space<hbm>>) dst(%dma_wait3A_336 : memref<78x128xi32, #tpu.memory_space<vmem>>)
      tpu.yield
    }) : () -> ()
    %broadcast_in_dim3A_136 = arith.constant 10000 : i32
    %broadcast_in_dim3A_137 = vector.broadcast %broadcast_in_dim3A_136 : i32 to vector<16xi32>
    %swap3A_138 = arith.constant 78 : i32
    %swap3A_139 = arith.index_cast %swap3A_138 : i32 to index
    %swap3A_140 = arith.constant 0 : index
    %swap3A_141 = tpu.vector_load %arg7[%swap3A_139, %swap3A_140] {strides = array<i32>} : memref<80x128xi32, #tpu.memory_space<vmem>>, vector<1x16xi32>,
    %swap3A_142 = vector.shape_cast %swap3A_141 : vector<1x16xi32> to vector<16xi32>
    %swap3A_143 = vector.shape_cast %broadcast_in_dim3A_137 : vector<16xi32> to vector<1x16xi32>
    tpu.vector_store %arg7[%swap3A_139, %swap3A_140], %swap3A_143 {strides = array<i32>} : memref<80x128xi32, #tpu.memory_space<vmem>>, vector<1x16xi32>,
    %broadcast_in_dim3A_144 = arith.constant 10000 : i32
    %broadcast_in_dim3A_145 = vector.broadcast %broadcast_in_dim3A_144 : i32 to vector<16xi32>
    %swap3A_146 = arith.constant 78 : i32
    %swap3A_147 = arith.index_cast %swap3A_146 : i32 to index
    %swap3A_148 = arith.constant 16 : index
    %swap3A_149 = tpu.vector_load %arg7[%swap3A_147, %swap3A_148] {strides = array<i32>} : memref<80x128xi32, #tpu.memory_space<vmem>>, vector<1x16xi32>,
    %swap3A_150 = vector.shape_cast %swap3A_149 : vector<1x16xi32> to vector<16xi32>
    %swap3A_151 = vector.shape_cast %broadcast_in_dim3A_145 : vector<16xi32> to vector<1x16xi32>
    tpu.vector_store %arg7[%swap3A_147, %swap3A_148], %swap3A_151 {strides = array<i32>} : memref<80x128xi32, #tpu.memory_space<vmem>>, vector<1x16xi32>,
    %broadcast_in_dim3A_152 = arith.constant 10000 : i32
    %broadcast_in_dim3A_153 = vector.broadcast %broadcast_in_dim3A_152 : i32 to vector<16xi32>
    %swap3A_154 = arith.constant 78 : i32
    %swap3A_155 = arith.index_cast %swap3A_154 : i32 to index
    %swap3A_156 = arith.constant 32 : index
    %swap3A_157 = tpu.vector_load %arg7[%swap3A_155, %swap3A_156] {strides = array<i32>} : memref<80x128xi32, #tpu.memory_space<vmem>>, vector<1x16xi32>,
    %swap3A_158 = vector.shape_cast %swap3A_157 : vector<1x16xi32> to vector<16xi32>
    %swap3A_159 = vector.shape_cast %broadcast_in_dim3A_153 : vector<16xi32> to vector<1x16xi32>
    tpu.vector_store %arg7[%swap3A_155, %swap3A_156], %swap3A_159 {strides = array<i32>} : memref<80x128xi32, #tpu.memory_space<vmem>>, vector<1x16xi32>,
    %broadcast_in_dim3A_160 = arith.constant 10000 : i32
    %broadcast_in_dim3A_161 = vector.broadcast %broadcast_in_dim3A_160 : i32 to vector<16xi32>
    %swap3A_162 = arith.constant 78 : i32
    %swap3A_163 = arith.index_cast %swap3A_162 : i32 to index
    %swap3A_164 = arith.constant 48 : index
    %swap3A_165 = tpu.vector_load %arg7[%swap3A_163, %swap3A_164] {strides = array<i32>} : memref<80x128xi32, #tpu.memory_space<vmem>>, vector<1x16xi32>,
    %swap3A_166 = vector.shape_cast %swap3A_165 : vector<1x16xi32> to vector<16xi32>
    %swap3A_167 = vector.shape_cast %broadcast_in_dim3A_161 : vector<16xi32> to vector<1x16xi32>
    tpu.vector_store %arg7[%swap3A_163, %swap3A_164], %swap3A_167 {strides = array<i32>} : memref<80x128xi32, #tpu.memory_space<vmem>>, vector<1x16xi32>,
    %broadcast_in_dim3A_168 = arith.constant 10000 : i32
    %broadcast_in_dim3A_169 = vector.broadcast %broadcast_in_dim3A_168 : i32 to vector<16xi32>
    %swap3A_170 = arith.constant 78 : i32
    %swap3A_171 = arith.index_cast %swap3A_170 : i32 to index
    %swap3A_172 = arith.constant 64 : index
    %swap3A_173 = tpu.vector_load %arg7[%swap3A_171, %swap3A_172] {strides = array<i32>} : memref<80x128xi32, #tpu.memory_space<vmem>>, vector<1x16xi32>,
    %swap3A_174 = vector.shape_cast %swap3A_173 : vector<1x16xi32> to vector<16xi32>
    %swap3A_175 = vector.shape_cast %broadcast_in_dim3A_169 : vector<16xi32> to vector<1x16xi32>
    tpu.vector_store %arg7[%swap3A_171, %swap3A_172], %swap3A_175 {strides = array<i32>} : memref<80x128xi32, #tpu.memory_space<vmem>>, vector<1x16xi32>,
    %broadcast_in_dim3A_176 = arith.constant 10000 : i32
    %broadcast_in_dim3A_177 = vector.broadcast %broadcast_in_dim3A_176 : i32 to vector<16xi32>
    %swap3A_178 = arith.constant 78 : i32
    %swap3A_179 = arith.index_cast %swap3A_178 : i32 to index
    %swap3A_180 = arith.constant 80 : index
    %swap3A_181 = tpu.vector_load %arg7[%swap3A_179, %swap3A_180] {strides = array<i32>} : memref<80x128xi32, #tpu.memory_space<vmem>>, vector<1x16xi32>,
    %swap3A_182 = vector.shape_cast %swap3A_181 : vector<1x16xi32> to vector<16xi32>
    %swap3A_183 = vector.shape_cast %broadcast_in_dim3A_177 : vector<16xi32> to vector<1x16xi32>
    tpu.vector_store %arg7[%swap3A_179, %swap3A_180], %swap3A_183 {strides = array<i32>} : memref<80x128xi32, #tpu.memory_space<vmem>>, vector<1x16xi32>,
    %broadcast_in_dim3A_184 = arith.constant 10000 : i32
    %broadcast_in_dim3A_185 = vector.broadcast %broadcast_in_dim3A_184 : i32 to vector<16xi32>
    %swap3A_186 = arith.constant 78 : i32
    %swap3A_187 = arith.index_cast %swap3A_186 : i32 to index
    %swap3A_188 = arith.constant 96 : index
    %swap3A_189 = tpu.vector_load %arg7[%swap3A_187, %swap3A_188] {strides = array<i32>} : memref<80x128xi32, #tpu.memory_space<vmem>>, vector<1x16xi32>,
    %swap3A_190 = vector.shape_cast %swap3A_189 : vector<1x16xi32> to vector<16xi32>
    %swap3A_191 = vector.shape_cast %broadcast_in_dim3A_185 : vector<16xi32> to vector<1x16xi32>
    tpu.vector_store %arg7[%swap3A_187, %swap3A_188], %swap3A_191 {strides = array<i32>} : memref<80x128xi32, #tpu.memory_space<vmem>>, vector<1x16xi32>,
    %broadcast_in_dim3A_192 = arith.constant 10000 : i32
    %broadcast_in_dim3A_193 = vector.broadcast %broadcast_in_dim3A_192 : i32 to vector<16xi32>
    %swap3A_194 = arith.constant 78 : i32
    %swap3A_195 = arith.index_cast %swap3A_194 : i32 to index
    %swap3A_196 = arith.constant 112 : index
    %swap3A_197 = tpu.vector_load %arg7[%swap3A_195, %swap3A_196] {strides = array<i32>} : memref<80x128xi32, #tpu.memory_space<vmem>>, vector<1x16xi32>,
    %swap3A_198 = vector.shape_cast %swap3A_197 : vector<1x16xi32> to vector<16xi32>
    %swap3A_199 = vector.shape_cast %broadcast_in_dim3A_193 : vector<16xi32> to vector<1x16xi32>
    tpu.vector_store %arg7[%swap3A_195, %swap3A_196], %swap3A_199 {strides = array<i32>} : memref<80x128xi32, #tpu.memory_space<vmem>>, vector<1x16xi32>,
    %broadcast_in_dim3A_200 = arith.constant 10000 : i32
    %broadcast_in_dim3A_201 = vector.broadcast %broadcast_in_dim3A_200 : i32 to vector<16xi32>
    %swap3A_202 = arith.constant 79 : i32
    %swap3A_203 = arith.index_cast %swap3A_202 : i32 to index
    %swap3A_204 = arith.constant 0 : index
    %swap3A_205 = tpu.vector_load %arg7[%swap3A_203, %swap3A_204] {strides = array<i32>} : memref<80x128xi32, #tpu.memory_space<vmem>>, vector<1x16xi32>,
    %swap3A_206 = vector.shape_cast %swap3A_205 : vector<1x16xi32> to vector<16xi32>
    %swap3A_207 = vector.shape_cast %broadcast_in_dim3A_201 : vector<16xi32> to vector<1x16xi32>
    tpu.vector_store %arg7[%swap3A_203, %swap3A_204], %swap3A_207 {strides = array<i32>} : memref<80x128xi32, #tpu.memory_space<vmem>>, vector<1x16xi32>,
    %broadcast_in_dim3A_208 = arith.constant 10000 : i32
    %broadcast_in_dim3A_209 = vector.broadcast %broadcast_in_dim3A_208 : i32 to vector<16xi32>
    %swap3A_210 = arith.constant 79 : i32
    %swap3A_211 = arith.index_cast %swap3A_210 : i32 to index
    %swap3A_212 = arith.constant 16 : index
    %swap3A_213 = tpu.vector_load %arg7[%swap3A_211, %swap3A_212] {strides = array<i32>} : memref<80x128xi32, #tpu.memory_space<vmem>>, vector<1x16xi32>,
    %swap3A_214 = vector.shape_cast %swap3A_213 : vector<1x16xi32> to vector<16xi32>
    %swap3A_215 = vector.shape_cast %broadcast_in_dim3A_209 : vector<16xi32> to vector<1x16xi32>
    tpu.vector_store %arg7[%swap3A_211, %swap3A_212], %swap3A_215 {strides = array<i32>} : memref<80x128xi32, #tpu.memory_space<vmem>>, vector<1x16xi32>,
    %broadcast_in_dim3A_216 = arith.constant 10000 : i32
    %broadcast_in_dim3A_217 = vector.broadcast %broadcast_in_dim3A_216 : i32 to vector<16xi32>
    %swap3A_218 = arith.constant 79 : i32
    %swap3A_219 = arith.index_cast %swap3A_218 : i32 to index
    %swap3A_220 = arith.constant 32 : index
    %swap3A_221 = tpu.vector_load %arg7[%swap3A_219, %swap3A_220] {strides = array<i32>} : memref<80x128xi32, #tpu.memory_space<vmem>>, vector<1x16xi32>,
    %swap3A_222 = vector.shape_cast %swap3A_221 : vector<1x16xi32> to vector<16xi32>
    %swap3A_223 = vector.shape_cast %broadcast_in_dim3A_217 : vector<16xi32> to vector<1x16xi32>
    tpu.vector_store %arg7[%swap3A_219, %swap3A_220], %swap3A_223 {strides = array<i32>} : memref<80x128xi32, #tpu.memory_space<vmem>>, vector<1x16xi32>,
    %broadcast_in_dim3A_224 = arith.constant 10000 : i32
    %broadcast_in_dim3A_225 = vector.broadcast %broadcast_in_dim3A_224 : i32 to vector<16xi32>
    %swap3A_226 = arith.constant 79 : i32
    %swap3A_227 = arith.index_cast %swap3A_226 : i32 to index
    %swap3A_228 = arith.constant 48 : index
    %swap3A_229 = tpu.vector_load %arg7[%swap3A_227, %swap3A_228] {strides = array<i32>} : memref<80x128xi32, #tpu.memory_space<vmem>>, vector<1x16xi32>,
    %swap3A_230 = vector.shape_cast %swap3A_229 : vector<1x16xi32> to vector<16xi32>
    %swap3A_231 = vector.shape_cast %broadcast_in_dim3A_225 : vector<16xi32> to vector<1x16xi32>
    tpu.vector_store %arg7[%swap3A_227, %swap3A_228], %swap3A_231 {strides = array<i32>} : memref<80x128xi32, #tpu.memory_space<vmem>>, vector<1x16xi32>,
    %broadcast_in_dim3A_232 = arith.constant 10000 : i32
    %broadcast_in_dim3A_233 = vector.broadcast %broadcast_in_dim3A_232 : i32 to vector<16xi32>
    %swap3A_234 = arith.constant 79 : i32
    %swap3A_235 = arith.index_cast %swap3A_234 : i32 to index
    %swap3A_236 = arith.constant 64 : index
    %swap3A_237 = tpu.vector_load %arg7[%swap3A_235, %swap3A_236] {strides = array<i32>} : memref<80x128xi32, #tpu.memory_space<vmem>>, vector<1x16xi32>,
    %swap3A_238 = vector.shape_cast %swap3A_237 : vector<1x16xi32> to vector<16xi32>
    %swap3A_239 = vector.shape_cast %broadcast_in_dim3A_233 : vector<16xi32> to vector<1x16xi32>
    tpu.vector_store %arg7[%swap3A_235, %swap3A_236], %swap3A_239 {strides = array<i32>} : memref<80x128xi32, #tpu.memory_space<vmem>>, vector<1x16xi32>,
    %broadcast_in_dim3A_240 = arith.constant 10000 : i32
    %broadcast_in_dim3A_241 = vector.broadcast %broadcast_in_dim3A_240 : i32 to vector<16xi32>
    %swap3A_242 = arith.constant 79 : i32
    %swap3A_243 = arith.index_cast %swap3A_242 : i32 to index
    %swap3A_244 = arith.constant 80 : index
    %swap3A_245 = tpu.vector_load %arg7[%swap3A_243, %swap3A_244] {strides = array<i32>} : memref<80x128xi32, #tpu.memory_space<vmem>>, vector<1x16xi32>,
    %swap3A_246 = vector.shape_cast %swap3A_245 : vector<1x16xi32> to vector<16xi32>
    %swap3A_247 = vector.shape_cast %broadcast_in_dim3A_241 : vector<16xi32> to vector<1x16xi32>
    tpu.vector_store %arg7[%swap3A_243, %swap3A_244], %swap3A_247 {strides = array<i32>} : memref<80x128xi32, #tpu.memory_space<vmem>>, vector<1x16xi32>,
    %broadcast_in_dim3A_248 = arith.constant 10000 : i32
    %broadcast_in_dim3A_249 = vector.broadcast %broadcast_in_dim3A_248 : i32 to vector<16xi32>
    %swap3A_250 = arith.constant 79 : i32
    %swap3A_251 = arith.index_cast %swap3A_250 : i32 to index
    %swap3A_252 = arith.constant 96 : index
    %swap3A_253 = tpu.vector_load %arg7[%swap3A_251, %swap3A_252] {strides = array<i32>} : memref<80x128xi32, #tpu.memory_space<vmem>>, vector<1x16xi32>,
    %swap3A_254 = vector.shape_cast %swap3A_253 : vector<1x16xi32> to vector<16xi32>
    %swap3A_255 = vector.shape_cast %broadcast_in_dim3A_249 : vector<16xi32> to vector<1x16xi32>
    tpu.vector_store %arg7[%swap3A_251, %swap3A_252], %swap3A_255 {strides = array<i32>} : memref<80x128xi32, #tpu.memory_space<vmem>>, vector<1x16xi32>,
    %broadcast_in_dim3A_256 = arith.constant 10000 : i32
    %broadcast_in_dim3A_257 = vector.broadcast %broadcast_in_dim3A_256 : i32 to vector<16xi32>
    %swap3A_258 = arith.constant 79 : i32
    %swap3A_259 = arith.index_cast %swap3A_258 : i32 to index
    %swap3A_260 = arith.constant 112 : index
    %swap3A_261 = tpu.vector_load %arg7[%swap3A_259, %swap3A_260] {strides = array<i32>} : memref<80x128xi32, #tpu.memory_space<vmem>>, vector<1x16xi32>,
    %swap3A_262 = vector.shape_cast %swap3A_261 : vector<1x16xi32> to vector<16xi32>
    %swap3A_263 = vector.shape_cast %broadcast_in_dim3A_257 : vector<16xi32> to vector<1x16xi32>
    tpu.vector_store %arg7[%swap3A_259, %swap3A_260], %swap3A_263 {strides = array<i32>} : memref<80x128xi32, #tpu.memory_space<vmem>>, vector<1x16xi32>,
    %lt3A_264 = arith.constant 4 : i32
    %lt3A_265 = arith.cmpi slt, %add3A, %lt3A_264 : i32
    %convert_element_type3A_266 = arith.extui %lt3A_265 : i1 to i32
    %cond3A_267 = arith.constant 0 : i32
    %cond3A_268 = arith.cmpi ne, %convert_element_type3A_266, %cond3A_267 : i32
    scf.if %cond3A_268 {
      %add3A_307 = arith.constant 2496 : i32
      %add3A_308 = arith.addi %add3A_307, %add3A : i32
      %run_scoped3A_309 = arith.constant 1 : i32
      "tpu.region"() ({
        %run_scoped3A_310 = tpu.sem_alloc : memref<!tpu.dma_semaphore, #tpu.memory_space<semaphore_mem>>
        %dma_start3A = arith.constant 78 : i32
        %dma_start3A_311 = arith.constant 0 : i32
        %dma_start3A_312 = tpu.memref_slice %arg7[%dma_start3A, %dma_start3A_311] : memref<80x128xi32, #tpu.memory_space<vmem>> -> memref<1x128xi32, #tpu.memory_space<vmem>>
        %dma_start3A_313 = arith.constant 0 : i32
        %dma_start3A_314 = arith.constant 0 : i32
        %dma_start3A_315 = tpu.memref_slice %arg2[%run_scoped3A_309, %dma_start3A_313, %dma_start3A_314] : memref<2x2500x128xi32, #tpu.memory_space<hbm>> -> memref<1x2500x128xi32, #tpu.memory_space<hbm>>
        %dma_start3A_316 = tpu.memref_squeeze %dma_start3A_315 : memref<1x2500x128xi32, #tpu.memory_space<hbm>> -> memref<2500x128xi32, #tpu.memory_space<hbm>>
        %dma_start3A_317 = arith.constant 0 : i32
        %dma_start3A_318 = tpu.memref_slice %dma_start3A_316[%add3A_308, %dma_start3A_317] : memref<2500x128xi32, #tpu.memory_space<hbm>> -> memref<1x128xi32, #tpu.memory_space<hbm>>
        %dma_start3A_319 = arith.constant 78 : i32
        %dma_start3A_320 = arith.constant 0 : i32
        %dma_start3A_321 = tpu.memref_slice %arg7[%dma_start3A_319, %dma_start3A_320] : memref<80x128xi32, #tpu.memory_space<vmem>> -> memref<1x128xi32, #tpu.memory_space<vmem>>
        %dma_start3A_322 = arith.constant 0 : i32
        %dma_start3A_323 = arith.constant 0 : i32
        %dma_start3A_324 = tpu.memref_slice %arg2[%run_scoped3A_309, %dma_start3A_322, %dma_start3A_323] : memref<2x2500x128xi32, #tpu.memory_space<hbm>> -> memref<1x2500x128xi32, #tpu.memory_space<hbm>>
        %dma_start3A_325 = tpu.memref_squeeze %dma_start3A_324 : memref<1x2500x128xi32, #tpu.memory_space<hbm>> -> memref<2500x128xi32, #tpu.memory_space<hbm>>
        %dma_start3A_326 = arith.constant 0 : i32
        %dma_start3A_327 = tpu.memref_slice %dma_start3A_325[%add3A_308, %dma_start3A_326] : memref<2500x128xi32, #tpu.memory_space<hbm>> -> memref<1x128xi32, #tpu.memory_space<hbm>>
        tpu.enqueue_dma source(%dma_start3A_327 : memref<1x128xi32, #tpu.memory_space<hbm>>) target(%dma_start3A_321 : memref<1x128xi32, #tpu.memory_space<vmem>>) target_semaphore(%run_scoped3A_310 : memref<!tpu.dma_semaphore, #tpu.memory_space<semaphore_mem>>)
        %dma_wait3A_328 = arith.constant 78 : i32
        %dma_wait3A_329 = arith.constant 0 : i32
        %dma_wait3A_330 = tpu.memref_slice %arg7[%dma_wait3A_328, %dma_wait3A_329] : memref<80x128xi32, #tpu.memory_space<vmem>> -> memref<1x128xi32, #tpu.memory_space<vmem>>
        %dma_wait3A_331 = arith.constant 0 : i32
        %dma_wait3A_332 = arith.constant 0 : i32
        %dma_wait3A_333 = tpu.memref_slice %arg2[%run_scoped3A_309, %dma_wait3A_331, %dma_wait3A_332] : memref<2x2500x128xi32, #tpu.memory_space<hbm>> -> memref<1x2500x128xi32, #tpu.memory_space<hbm>>
        %dma_wait3A_334 = tpu.memref_squeeze %dma_wait3A_333 : memref<1x2500x128xi32, #tpu.memory_space<hbm>> -> memref<2500x128xi32, #tpu.memory_space<hbm>>
        %dma_wait3A_335 = arith.constant 0 : i32
        %dma_wait3A_336 = tpu.memref_slice %dma_wait3A_334[%add3A_308, %dma_wait3A_335] : memref<2500x128xi32, #tpu.memory_space<hbm>> -> memref<1x128xi32, #tpu.memory_space<hbm>>
        %dma_wait3A_337 = arith.constant 78 : i32
        %dma_wait3A_338 = arith.constant 0 : i32
        %dma_wait3A_339 = tpu.memref_slice %arg7[%dma_wait3A_337, %dma_wait3A_338] : memref<80x128xi32, #tpu.memory_space<vmem>> -> memref<1x128xi32, #tpu.memory_space<vmem>>
        %dma_wait3A_340 = arith.constant 0 : i32
        %dma_wait3A_341 = arith.constant 0 : i32
        %dma_wait3A_342 = tpu.memref_slice %arg2[%run_scoped3A_309, %dma_wait3A_340, %dma_wait3A_341] : memref<2x2500x128xi32, #tpu.memory_space<hbm>> -> memref<1x2500x128xi32, #tpu.memory_space<hbm>>
        %dma_wait3A_343 = tpu.memref_squeeze %dma_wait3A_342 : memref<1x2500x128xi32, #tpu.memory_space<hbm>> -> memref<2500x128xi32, #tpu.memory_space<hbm>>
        %dma_wait3A_344 = arith.constant 0 : i32
        %dma_wait3A_345 = tpu.memref_slice %dma_wait3A_343[%add3A_308, %dma_wait3A_344] : memref<2500x128xi32, #tpu.memory_space<hbm>> -> memref<1x128xi32, #tpu.memory_space<hbm>>
        tpu.wait_dma2 semaphore(%run_scoped3A_310 : memref<!tpu.dma_semaphore, #tpu.memory_space<semaphore_mem>>) src(%dma_wait3A_345 : memref<1x128xi32, #tpu.memory_space<hbm>>) dst(%dma_wait3A_339 : memref<1x128xi32, #tpu.memory_space<vmem>>)
        tpu.yield
      }) : () -> ()
    } else {
    }
    "tpu.region"() ({
      %run_scoped3A_307 = tpu.sem_alloc : memref<!tpu.dma_semaphore, #tpu.memory_space<semaphore_mem>>
      %dma_start3A = arith.constant 0 : i32
      %dma_start3A_308 = tpu.memref_slice %arg10[%mul3A_2, %dma_start3A] : memref<10112x24xf32, #tpu.memory_space<vmem_shared>> -> memref<632x24xf32, #tpu.memory_space<vmem_shared>>
      %dma_start3A_309 = arith.constant 0 : i32
      %dma_start3A_310 = tpu.memref_slice %arg4[%mul3A_2, %dma_start3A_309] : memref<10112x24xf32, #tpu.memory_space<hbm>> -> memref<632x24xf32, #tpu.memory_space<hbm>>
      tpu.enqueue_dma source(%dma_start3A_310 : memref<632x24xf32, #tpu.memory_space<hbm>>) target(%dma_start3A_308 : memref<632x24xf32, #tpu.memory_space<vmem_shared>>) target_semaphore(%run_scoped3A_307 : memref<!tpu.dma_semaphore, #tpu.memory_space<semaphore_mem>>)
      %dma_wait3A_311 = arith.constant 0 : i32
      %dma_wait3A_312 = tpu.memref_slice %arg10[%mul3A_2, %dma_wait3A_311] : memref<10112x24xf32, #tpu.memory_space<vmem_shared>> -> memref<632x24xf32, #tpu.memory_space<vmem_shared>>
      %dma_wait3A_313 = arith.constant 0 : i32
      %dma_wait3A_314 = tpu.memref_slice %arg4[%mul3A_2, %dma_wait3A_313] : memref<10112x24xf32, #tpu.memory_space<hbm>> -> memref<632x24xf32, #tpu.memory_space<hbm>>
      tpu.wait_dma2 semaphore(%run_scoped3A_307 : memref<!tpu.dma_semaphore, #tpu.memory_space<semaphore_mem>>) src(%dma_wait3A_314 : memref<632x24xf32, #tpu.memory_space<hbm>>) dst(%dma_wait3A_312 : memref<632x24xf32, #tpu.memory_space<vmem_shared>>)
      tpu.yield
    }) : () -> ()
    "tpu.region"() ({
      %run_scoped3A_307 = tpu.sem_alloc : memref<!tpu.dma_semaphore, #tpu.memory_space<semaphore_mem>>
      %dma_start3A = arith.constant 0 : i32
      %dma_start3A_308 = tpu.memref_slice %arg11[%mul3A_2, %dma_start3A] : memref<10112x24xf32, #tpu.memory_space<vmem_shared>> -> memref<632x24xf32, #tpu.memory_space<vmem_shared>>
      %dma_start3A_309 = arith.constant 0 : i32
      %dma_start3A_310 = tpu.memref_slice %arg3[%mul3A_2, %dma_start3A_309] : memref<10112x24xf32, #tpu.memory_space<hbm>> -> memref<632x24xf32, #tpu.memory_space<hbm>>
      tpu.enqueue_dma source(%dma_start3A_310 : memref<632x24xf32, #tpu.memory_space<hbm>>) target(%dma_start3A_308 : memref<632x24xf32, #tpu.memory_space<vmem_shared>>) target_semaphore(%run_scoped3A_307 : memref<!tpu.dma_semaphore, #tpu.memory_space<semaphore_mem>>)
      %dma_wait3A_311 = arith.constant 0 : i32
      %dma_wait3A_312 = tpu.memref_slice %arg11[%mul3A_2, %dma_wait3A_311] : memref<10112x24xf32, #tpu.memory_space<vmem_shared>> -> memref<632x24xf32, #tpu.memory_space<vmem_shared>>
      %dma_wait3A_313 = arith.constant 0 : i32
      %dma_wait3A_314 = tpu.memref_slice %arg3[%mul3A_2, %dma_wait3A_313] : memref<10112x24xf32, #tpu.memory_space<hbm>> -> memref<632x24xf32, #tpu.memory_space<hbm>>
      tpu.wait_dma2 semaphore(%run_scoped3A_307 : memref<!tpu.dma_semaphore, #tpu.memory_space<semaphore_mem>>) src(%dma_wait3A_314 : memref<632x24xf32, #tpu.memory_space<hbm>>) dst(%dma_wait3A_312 : memref<632x24xf32, #tpu.memory_space<vmem_shared>>)
      tpu.yield
    }) : () -> ()
    %barrier3A = arith.constant 0 : index
    tpu.barrier barrier_id(%barrier3A)
    %lt3A_269 = arith.constant 4 : i32
    %lt3A_270 = arith.cmpi slt, %arg1, %lt3A_269 : i32
    %convert_element_type3A_271 = arith.extui %lt3A_270 : i1 to i32
    %cond3A_272 = arith.constant 0 : i32
    %cond3A_273 = arith.cmpi ne, %convert_element_type3A_271, %cond3A_272 : i32
    scf.if %cond3A_273 {
      %dma_start3A = arith.constant 0 : i32
      %dma_start3A_307 = arith.constant 0 : i32
      %dma_start3A_308 = tpu.memref_slice %arg6[%dma_start3A, %dma_start3A_307] : memref<80x128xi32, #tpu.memory_space<vmem>> -> memref<1x128xi32, #tpu.memory_space<vmem>>
      %dma_start3A_309 = tpu.memref_squeeze %dma_start3A_308 : memref<1x128xi32, #tpu.memory_space<vmem>> -> memref<128xi32, #tpu.memory_space<vmem>>
      %dma_start3A_310 = arith.constant 0 : i32
      %dma_start3A_311 = arith.constant 0 : i32
      %dma_start3A_312 = tpu.memref_slice %arg3[%dma_start3A_310, %dma_start3A_311] : memref<10112x24xf32, #tpu.memory_space<hbm>> -> memref<10112x24xf32, #tpu.memory_space<hbm>>
      tpu.enqueue_indirect_dma source(%dma_start3A_312 : memref<10112x24xf32, #tpu.memory_space<hbm>>) target(%arg8 : memref<128x24xf32, #tpu.memory_space<vmem>>) offsets(%dma_start3A_309 : memref<128xi32, #tpu.memory_space<vmem>>) semaphore(%arg12 : memref<!tpu.dma_semaphore, #tpu.memory_space<semaphore_mem>>)
    } else {
    }
    %not3A = arith.constant true
    %not3A_274 = arith.xori %lt3A_270, %not3A : i1
    %convert_element_type3A_275 = arith.extui %not3A_274 : i1 to i32
    %cond3A_276 = arith.constant 0 : i32
    %cond3A_277 = arith.cmpi ne, %convert_element_type3A_275, %cond3A_276 : i32
    scf.if %cond3A_277 {
      %dma_start3A = arith.constant 0 : i32
      %dma_start3A_307 = arith.constant 0 : i32
      %dma_start3A_308 = tpu.memref_slice %arg6[%dma_start3A, %dma_start3A_307] : memref<80x128xi32, #tpu.memory_space<vmem>> -> memref<1x128xi32, #tpu.memory_space<vmem>>
      %dma_start3A_309 = tpu.memref_squeeze %dma_start3A_308 : memref<1x128xi32, #tpu.memory_space<vmem>> -> memref<128xi32, #tpu.memory_space<vmem>>
      %dma_start3A_310 = arith.constant 0 : i32
      %dma_start3A_311 = arith.constant 0 : i32
      %dma_start3A_312 = tpu.memref_slice %arg11[%dma_start3A_310, %dma_start3A_311] : memref<10112x24xf32, #tpu.memory_space<vmem_shared>> -> memref<10112x24xf32, #tpu.memory_space<vmem_shared>>
      tpu.enqueue_indirect_dma source(%dma_start3A_312 : memref<10112x24xf32, #tpu.memory_space<vmem_shared>>) target(%arg8 : memref<128x24xf32, #tpu.memory_space<vmem>>) offsets(%dma_start3A_309 : memref<128xi32, #tpu.memory_space<vmem>>) semaphore(%arg12 : memref<!tpu.dma_semaphore, #tpu.memory_space<semaphore_mem>>)
    } else {
    }
    %convert_element_type3A_278 = arith.extui %lt3A_270 : i1 to i32
    %cond3A_279 = arith.constant 0 : i32
    %cond3A_280 = arith.cmpi ne, %convert_element_type3A_278, %cond3A_279 : i32
    scf.if %cond3A_280 {
      %dma_start3A = arith.constant 1 : i32
      %dma_start3A_307 = arith.constant 0 : i32
      %dma_start3A_308 = tpu.memref_slice %arg6[%dma_start3A, %dma_start3A_307] : memref<80x128xi32, #tpu.memory_space<vmem>> -> memref<1x128xi32, #tpu.memory_space<vmem>>
      %dma_start3A_309 = tpu.memref_squeeze %dma_start3A_308 : memref<1x128xi32, #tpu.memory_space<vmem>> -> memref<128xi32, #tpu.memory_space<vmem>>
      %dma_start3A_310 = arith.constant 0 : i32
      %dma_start3A_311 = arith.constant 0 : i32
      %dma_start3A_312 = tpu.memref_slice %arg3[%dma_start3A_310, %dma_start3A_311] : memref<10112x24xf32, #tpu.memory_space<hbm>> -> memref<10112x24xf32, #tpu.memory_space<hbm>>
      tpu.enqueue_indirect_dma source(%dma_start3A_312 : memref<10112x24xf32, #tpu.memory_space<hbm>>) target(%arg9 : memref<128x24xf32, #tpu.memory_space<vmem>>) offsets(%dma_start3A_309 : memref<128xi32, #tpu.memory_space<vmem>>) semaphore(%arg13 : memref<!tpu.dma_semaphore, #tpu.memory_space<semaphore_mem>>)
    } else {
    }
    %not3A_281 = arith.constant true
    %not3A_282 = arith.xori %lt3A_270, %not3A_281 : i1
    %convert_element_type3A_283 = arith.extui %not3A_282 : i1 to i32
    %cond3A_284 = arith.constant 0 : i32
    %cond3A_285 = arith.cmpi ne, %convert_element_type3A_283, %cond3A_284 : i32
    scf.if %cond3A_285 {
      %dma_start3A = arith.constant 1 : i32
      %dma_start3A_307 = arith.constant 0 : i32
      %dma_start3A_308 = tpu.memref_slice %arg6[%dma_start3A, %dma_start3A_307] : memref<80x128xi32, #tpu.memory_space<vmem>> -> memref<1x128xi32, #tpu.memory_space<vmem>>
      %dma_start3A_309 = tpu.memref_squeeze %dma_start3A_308 : memref<1x128xi32, #tpu.memory_space<vmem>> -> memref<128xi32, #tpu.memory_space<vmem>>
      %dma_start3A_310 = arith.constant 0 : i32
      %dma_start3A_311 = arith.constant 0 : i32
      %dma_start3A_312 = tpu.memref_slice %arg11[%dma_start3A_310, %dma_start3A_311] : memref<10112x24xf32, #tpu.memory_space<vmem_shared>> -> memref<10112x24xf32, #tpu.memory_space<vmem_shared>>
      tpu.enqueue_indirect_dma source(%dma_start3A_312 : memref<10112x24xf32, #tpu.memory_space<vmem_shared>>) target(%arg9 : memref<128x24xf32, #tpu.memory_space<vmem>>) offsets(%dma_start3A_309 : memref<128xi32, #tpu.memory_space<vmem>>) semaphore(%arg13 : memref<!tpu.dma_semaphore, #tpu.memory_space<semaphore_mem>>)
    } else {
    }
    %scan3A = arith.constant 0 : i32
    %scan3A_286 = arith.constant 0 : i32
    %scan3A_287 = arith.constant 39 : i32
    %scan3A_288 = arith.addi %scan3A_286, %scan3A_287 : i32
    %scan3A_289 = arith.constant 1 : i32
    scf.for %scan3A_307 = %scan3A_286 to %scan3A_288 step %scan3A_289  : i32 {
      %mul3A_308 = arith.constant 2 : i32
      %mul3A_309 = arith.muli %mul3A_308, %scan3A_307 : i32
      %dma_wait3A_310 = arith.constant 0 : i32
      %dma_wait3A_311 = arith.constant 0 : i32
      %dma_wait3A_312 = tpu.memref_slice %arg6[%dma_wait3A_310, %dma_wait3A_311] : memref<80x128xi32, #tpu.memory_space<vmem>> -> memref<1x128xi32, #tpu.memory_space<vmem>>
      %dma_wait3A_313 = tpu.memref_squeeze %dma_wait3A_312 : memref<1x128xi32, #tpu.memory_space<vmem>> -> memref<128xi32, #tpu.memory_space<vmem>>
      %dma_wait3A_314 = arith.constant 0 : i32
      %dma_wait3A_315 = arith.constant 0 : i32
      %dma_wait3A_316 = tpu.memref_slice %arg3[%dma_wait3A_314, %dma_wait3A_315] : memref<10112x24xf32, #tpu.memory_space<hbm>> -> memref<10112x24xf32, #tpu.memory_space<hbm>>
      tpu.wait_indirect_dma semaphore(%arg12 : memref<!tpu.dma_semaphore, #tpu.memory_space<semaphore_mem>>) src(%dma_wait3A_316 : memref<10112x24xf32, #tpu.memory_space<hbm>>) dst(%arg8 : memref<128x24xf32, #tpu.memory_space<vmem>>)
      "tpu.region"() ({
        %run_scoped3A_346 = tpu.sem_alloc : memref<!tpu.dma_semaphore, #tpu.memory_space<semaphore_mem>>
        %dma_start3A = arith.constant 0 : i32
        %dma_start3A_347 = tpu.memref_slice %arg7[%mul3A_309, %dma_start3A] : memref<80x128xi32, #tpu.memory_space<vmem>> -> memref<1x128xi32, #tpu.memory_space<vmem>>
        %dma_start3A_348 = tpu.memref_squeeze %dma_start3A_347 : memref<1x128xi32, #tpu.memory_space<vmem>> -> memref<128xi32, #tpu.memory_space<vmem>>
        %dma_start3A_349 = arith.constant 0 : i32
        %dma_start3A_350 = arith.constant 0 : i32
        %dma_start3A_351 = tpu.memref_slice %arg10[%dma_start3A_349, %dma_start3A_350] : memref<10112x24xf32, #tpu.memory_space<vmem_shared>> -> memref<10112x24xf32, #tpu.memory_space<vmem_shared>>
        tpu.enqueue_indirect_dma source(%arg8 : memref<128x24xf32, #tpu.memory_space<vmem>>) target(%dma_start3A_351 : memref<10112x24xf32, #tpu.memory_space<vmem_shared>>) offsets(%dma_start3A_348 : memref<128xi32, #tpu.memory_space<vmem>>) semaphore(%run_scoped3A_346 : memref<!tpu.dma_semaphore, #tpu.memory_space<semaphore_mem>>) {add = true}
        %dma_wait3A_352 = arith.constant 0 : i32
        %dma_wait3A_353 = tpu.memref_slice %arg7[%mul3A_309, %dma_wait3A_352] : memref<80x128xi32, #tpu.memory_space<vmem>> -> memref<1x128xi32, #tpu.memory_space<vmem>>
        %dma_wait3A_354 = tpu.memref_squeeze %dma_wait3A_353 : memref<1x128xi32, #tpu.memory_space<vmem>> -> memref<128xi32, #tpu.memory_space<vmem>>
        %dma_wait3A_355 = arith.constant 0 : i32
        %dma_wait3A_356 = arith.constant 0 : i32
        %dma_wait3A_357 = tpu.memref_slice %arg10[%dma_wait3A_355, %dma_wait3A_356] : memref<10112x24xf32, #tpu.memory_space<vmem_shared>> -> memref<10112x24xf32, #tpu.memory_space<vmem_shared>>
        tpu.wait_indirect_dma semaphore(%run_scoped3A_346 : memref<!tpu.dma_semaphore, #tpu.memory_space<semaphore_mem>>) src(%arg8 : memref<128x24xf32, #tpu.memory_space<vmem>>) dst(%dma_wait3A_357 : memref<10112x24xf32, #tpu.memory_space<vmem_shared>>)
        tpu.yield
      }) : () -> ()
      %add3A_317 = arith.constant 2 : i32
      %add3A_318 = arith.addi %mul3A_309, %add3A_317 : i32
      %convert_element_type3A_319 = arith.extui %lt3A_270 : i1 to i32
      %cond3A_320 = arith.constant 0 : i32
      %cond3A_321 = arith.cmpi ne, %convert_element_type3A_319, %cond3A_320 : i32
      scf.if %cond3A_321 {
        %dma_start3A = arith.constant 0 : i32
        %dma_start3A_346 = tpu.memref_slice %arg6[%add3A_318, %dma_start3A] : memref<80x128xi32, #tpu.memory_space<vmem>> -> memref<1x128xi32, #tpu.memory_space<vmem>>
        %dma_start3A_347 = tpu.memref_squeeze %dma_start3A_346 : memref<1x128xi32, #tpu.memory_space<vmem>> -> memref<128xi32, #tpu.memory_space<vmem>>
        %dma_start3A_348 = arith.constant 0 : i32
        %dma_start3A_349 = arith.constant 0 : i32
        %dma_start3A_350 = tpu.memref_slice %arg3[%dma_start3A_348, %dma_start3A_349] : memref<10112x24xf32, #tpu.memory_space<hbm>> -> memref<10112x24xf32, #tpu.memory_space<hbm>>
        tpu.enqueue_indirect_dma source(%dma_start3A_350 : memref<10112x24xf32, #tpu.memory_space<hbm>>) target(%arg8 : memref<128x24xf32, #tpu.memory_space<vmem>>) offsets(%dma_start3A_347 : memref<128xi32, #tpu.memory_space<vmem>>) semaphore(%arg12 : memref<!tpu.dma_semaphore, #tpu.memory_space<semaphore_mem>>)
      } else {
      }
      %not3A_322 = arith.constant true
      %not3A_323 = arith.xori %lt3A_270, %not3A_322 : i1
      %convert_element_type3A_324 = arith.extui %not3A_323 : i1 to i32
      %cond3A_325 = arith.constant 0 : i32
      %cond3A_326 = arith.cmpi ne, %convert_element_type3A_324, %cond3A_325 : i32
      scf.if %cond3A_326 {
        %dma_start3A = arith.constant 0 : i32
        %dma_start3A_346 = tpu.memref_slice %arg6[%add3A_318, %dma_start3A] : memref<80x128xi32, #tpu.memory_space<vmem>> -> memref<1x128xi32, #tpu.memory_space<vmem>>
        %dma_start3A_347 = tpu.memref_squeeze %dma_start3A_346 : memref<1x128xi32, #tpu.memory_space<vmem>> -> memref<128xi32, #tpu.memory_space<vmem>>
        %dma_start3A_348 = arith.constant 0 : i32
        %dma_start3A_349 = arith.constant 0 : i32
        %dma_start3A_350 = tpu.memref_slice %arg11[%dma_start3A_348, %dma_start3A_349] : memref<10112x24xf32, #tpu.memory_space<vmem_shared>> -> memref<10112x24xf32, #tpu.memory_space<vmem_shared>>
        tpu.enqueue_indirect_dma source(%dma_start3A_350 : memref<10112x24xf32, #tpu.memory_space<vmem_shared>>) target(%arg8 : memref<128x24xf32, #tpu.memory_space<vmem>>) offsets(%dma_start3A_347 : memref<128xi32, #tpu.memory_space<vmem>>) semaphore(%arg12 : memref<!tpu.dma_semaphore, #tpu.memory_space<semaphore_mem>>)
      } else {
      }
      %dma_wait3A_327 = arith.constant 0 : i32
      %dma_wait3A_328 = arith.constant 0 : i32
      %dma_wait3A_329 = tpu.memref_slice %arg6[%dma_wait3A_327, %dma_wait3A_328] : memref<80x128xi32, #tpu.memory_space<vmem>> -> memref<1x128xi32, #tpu.memory_space<vmem>>
      %dma_wait3A_330 = tpu.memref_squeeze %dma_wait3A_329 : memref<1x128xi32, #tpu.memory_space<vmem>> -> memref<128xi32, #tpu.memory_space<vmem>>
      %dma_wait3A_331 = arith.constant 0 : i32
      %dma_wait3A_332 = arith.constant 0 : i32
      %dma_wait3A_333 = tpu.memref_slice %arg3[%dma_wait3A_331, %dma_wait3A_332] : memref<10112x24xf32, #tpu.memory_space<hbm>> -> memref<10112x24xf32, #tpu.memory_space<hbm>>
      tpu.wait_indirect_dma semaphore(%arg13 : memref<!tpu.dma_semaphore, #tpu.memory_space<semaphore_mem>>) src(%dma_wait3A_333 : memref<10112x24xf32, #tpu.memory_space<hbm>>) dst(%arg9 : memref<128x24xf32, #tpu.memory_space<vmem>>)
      %add3A_334 = arith.constant 1 : i32
      %add3A_335 = arith.addi %mul3A_309, %add3A_334 : i32
      "tpu.region"() ({
        %run_scoped3A_346 = tpu.sem_alloc : memref<!tpu.dma_semaphore, #tpu.memory_space<semaphore_mem>>
        %dma_start3A = arith.constant 0 : i32
        %dma_start3A_347 = tpu.memref_slice %arg7[%add3A_335, %dma_start3A] : memref<80x128xi32, #tpu.memory_space<vmem>> -> memref<1x128xi32, #tpu.memory_space<vmem>>
        %dma_start3A_348 = tpu.memref_squeeze %dma_start3A_347 : memref<1x128xi32, #tpu.memory_space<vmem>> -> memref<128xi32, #tpu.memory_space<vmem>>
        %dma_start3A_349 = arith.constant 0 : i32
        %dma_start3A_350 = arith.constant 0 : i32
        %dma_start3A_351 = tpu.memref_slice %arg10[%dma_start3A_349, %dma_start3A_350] : memref<10112x24xf32, #tpu.memory_space<vmem_shared>> -> memref<10112x24xf32, #tpu.memory_space<vmem_shared>>
        tpu.enqueue_indirect_dma source(%arg9 : memref<128x24xf32, #tpu.memory_space<vmem>>) target(%dma_start3A_351 : memref<10112x24xf32, #tpu.memory_space<vmem_shared>>) offsets(%dma_start3A_348 : memref<128xi32, #tpu.memory_space<vmem>>) semaphore(%run_scoped3A_346 : memref<!tpu.dma_semaphore, #tpu.memory_space<semaphore_mem>>) {add = true}
        %dma_wait3A_352 = arith.constant 0 : i32
        %dma_wait3A_353 = tpu.memref_slice %arg7[%add3A_335, %dma_wait3A_352] : memref<80x128xi32, #tpu.memory_space<vmem>> -> memref<1x128xi32, #tpu.memory_space<vmem>>
        %dma_wait3A_354 = tpu.memref_squeeze %dma_wait3A_353 : memref<1x128xi32, #tpu.memory_space<vmem>> -> memref<128xi32, #tpu.memory_space<vmem>>
        %dma_wait3A_355 = arith.constant 0 : i32
        %dma_wait3A_356 = arith.constant 0 : i32
        %dma_wait3A_357 = tpu.memref_slice %arg10[%dma_wait3A_355, %dma_wait3A_356] : memref<10112x24xf32, #tpu.memory_space<vmem_shared>> -> memref<10112x24xf32, #tpu.memory_space<vmem_shared>>
        tpu.wait_indirect_dma semaphore(%run_scoped3A_346 : memref<!tpu.dma_semaphore, #tpu.memory_space<semaphore_mem>>) src(%arg9 : memref<128x24xf32, #tpu.memory_space<vmem>>) dst(%dma_wait3A_357 : memref<10112x24xf32, #tpu.memory_space<vmem_shared>>)
        tpu.yield
      }) : () -> ()
      %add3A_336 = arith.constant 3 : i32
      %add3A_337 = arith.addi %mul3A_309, %add3A_336 : i32
      %convert_element_type3A_338 = arith.extui %lt3A_270 : i1 to i32
      %cond3A_339 = arith.constant 0 : i32
      %cond3A_340 = arith.cmpi ne, %convert_element_type3A_338, %cond3A_339 : i32
      scf.if %cond3A_340 {
        %dma_start3A = arith.constant 0 : i32
        %dma_start3A_346 = tpu.memref_slice %arg6[%add3A_337, %dma_start3A] : memref<80x128xi32, #tpu.memory_space<vmem>> -> memref<1x128xi32, #tpu.memory_space<vmem>>
        %dma_start3A_347 = tpu.memref_squeeze %dma_start3A_346 : memref<1x128xi32, #tpu.memory_space<vmem>> -> memref<128xi32, #tpu.memory_space<vmem>>
        %dma_start3A_348 = arith.constant 0 : i32
        %dma_start3A_349 = arith.constant 0 : i32
        %dma_start3A_350 = tpu.memref_slice %arg3[%dma_start3A_348, %dma_start3A_349] : memref<10112x24xf32, #tpu.memory_space<hbm>> -> memref<10112x24xf32, #tpu.memory_space<hbm>>
        tpu.enqueue_indirect_dma source(%dma_start3A_350 : memref<10112x24xf32, #tpu.memory_space<hbm>>) target(%arg9 : memref<128x24xf32, #tpu.memory_space<vmem>>) offsets(%dma_start3A_347 : memref<128xi32, #tpu.memory_space<vmem>>) semaphore(%arg13 : memref<!tpu.dma_semaphore, #tpu.memory_space<semaphore_mem>>)
      } else {
      }
      %not3A_341 = arith.constant true
      %not3A_342 = arith.xori %lt3A_270, %not3A_341 : i1
      %convert_element_type3A_343 = arith.extui %not3A_342 : i1 to i32
      %cond3A_344 = arith.constant 0 : i32
      %cond3A_345 = arith.cmpi ne, %convert_element_type3A_343, %cond3A_344 : i32
      scf.if %cond3A_345 {
        %dma_start3A = arith.constant 0 : i32
        %dma_start3A_346 = tpu.memref_slice %arg6[%add3A_337, %dma_start3A] : memref<80x128xi32, #tpu.memory_space<vmem>> -> memref<1x128xi32, #tpu.memory_space<vmem>>
        %dma_start3A_347 = tpu.memref_squeeze %dma_start3A_346 : memref<1x128xi32, #tpu.memory_space<vmem>> -> memref<128xi32, #tpu.memory_space<vmem>>
        %dma_start3A_348 = arith.constant 0 : i32
        %dma_start3A_349 = arith.constant 0 : i32
        %dma_start3A_350 = tpu.memref_slice %arg11[%dma_start3A_348, %dma_start3A_349] : memref<10112x24xf32, #tpu.memory_space<vmem_shared>> -> memref<10112x24xf32, #tpu.memory_space<vmem_shared>>
        tpu.enqueue_indirect_dma source(%dma_start3A_350 : memref<10112x24xf32, #tpu.memory_space<vmem_shared>>) target(%arg9 : memref<128x24xf32, #tpu.memory_space<vmem>>) offsets(%dma_start3A_347 : memref<128xi32, #tpu.memory_space<vmem>>) semaphore(%arg13 : memref<!tpu.dma_semaphore, #tpu.memory_space<semaphore_mem>>)
      } else {
      }
    }
    %scan3A_290 = arith.constant 39 : i32
    %dma_wait3A = arith.constant 0 : i32
    %dma_wait3A_291 = arith.constant 0 : i32
    %dma_wait3A_292 = tpu.memref_slice %arg6[%dma_wait3A, %dma_wait3A_291] : memref<80x128xi32, #tpu.memory_space<vmem>> -> memref<1x128xi32, #tpu.memory_space<vmem>>
    %dma_wait3A_293 = tpu.memref_squeeze %dma_wait3A_292 : memref<1x128xi32, #tpu.memory_space<vmem>> -> memref<128xi32, #tpu.memory_space<vmem>>
    %dma_wait3A_294 = arith.constant 0 : i32
    %dma_wait3A_295 = arith.constant 0 : i32
    %dma_wait3A_296 = tpu.memref_slice %arg3[%dma_wait3A_294, %dma_wait3A_295] : memref<10112x24xf32, #tpu.memory_space<hbm>> -> memref<10112x24xf32, #tpu.memory_space<hbm>>
    tpu.wait_indirect_dma semaphore(%arg12 : memref<!tpu.dma_semaphore, #tpu.memory_space<semaphore_mem>>) src(%dma_wait3A_296 : memref<10112x24xf32, #tpu.memory_space<hbm>>) dst(%arg8 : memref<128x24xf32, #tpu.memory_space<vmem>>)
    %run_scoped3A_297 = arith.constant 78 : i32
    "tpu.region"() ({
      %run_scoped3A_307 = tpu.sem_alloc : memref<!tpu.dma_semaphore, #tpu.memory_space<semaphore_mem>>
      %dma_start3A = arith.constant 0 : i32
      %dma_start3A_308 = tpu.memref_slice %arg7[%run_scoped3A_297, %dma_start3A] : memref<80x128xi32, #tpu.memory_space<vmem>> -> memref<1x128xi32, #tpu.memory_space<vmem>>
      %dma_start3A_309 = tpu.memref_squeeze %dma_start3A_308 : memref<1x128xi32, #tpu.memory_space<vmem>> -> memref<128xi32, #tpu.memory_space<vmem>>
      %dma_start3A_310 = arith.constant 0 : i32
      %dma_start3A_311 = arith.constant 0 : i32
      %dma_start3A_312 = tpu.memref_slice %arg10[%dma_start3A_310, %dma_start3A_311] : memref<10112x24xf32, #tpu.memory_space<vmem_shared>> -> memref<10112x24xf32, #tpu.memory_space<vmem_shared>>
      tpu.enqueue_indirect_dma source(%arg8 : memref<128x24xf32, #tpu.memory_space<vmem>>) target(%dma_start3A_312 : memref<10112x24xf32, #tpu.memory_space<vmem_shared>>) offsets(%dma_start3A_309 : memref<128xi32, #tpu.memory_space<vmem>>) semaphore(%run_scoped3A_307 : memref<!tpu.dma_semaphore, #tpu.memory_space<semaphore_mem>>) {add = true}
      %dma_wait3A_313 = arith.constant 0 : i32
      %dma_wait3A_314 = tpu.memref_slice %arg7[%run_scoped3A_297, %dma_wait3A_313] : memref<80x128xi32, #tpu.memory_space<vmem>> -> memref<1x128xi32, #tpu.memory_space<vmem>>
      %dma_wait3A_315 = tpu.memref_squeeze %dma_wait3A_314 : memref<1x128xi32, #tpu.memory_space<vmem>> -> memref<128xi32, #tpu.memory_space<vmem>>
      %dma_wait3A_316 = arith.constant 0 : i32
      %dma_wait3A_317 = arith.constant 0 : i32
      %dma_wait3A_318 = tpu.memref_slice %arg10[%dma_wait3A_316, %dma_wait3A_317] : memref<10112x24xf32, #tpu.memory_space<vmem_shared>> -> memref<10112x24xf32, #tpu.memory_space<vmem_shared>>
      tpu.wait_indirect_dma semaphore(%run_scoped3A_307 : memref<!tpu.dma_semaphore, #tpu.memory_space<semaphore_mem>>) src(%arg8 : memref<128x24xf32, #tpu.memory_space<vmem>>) dst(%dma_wait3A_318 : memref<10112x24xf32, #tpu.memory_space<vmem_shared>>)
      tpu.yield
    }) : () -> ()
    %dma_wait3A_298 = arith.constant 0 : i32
    %dma_wait3A_299 = arith.constant 0 : i32
    %dma_wait3A_300 = tpu.memref_slice %arg6[%dma_wait3A_298, %dma_wait3A_299] : memref<80x128xi32, #tpu.memory_space<vmem>> -> memref<1x128xi32, #tpu.memory_space<vmem>>
    %dma_wait3A_301 = tpu.memref_squeeze %dma_wait3A_300 : memref<1x128xi32, #tpu.memory_space<vmem>> -> memref<128xi32, #tpu.memory_space<vmem>>
    %dma_wait3A_302 = arith.constant 0 : i32
    %dma_wait3A_303 = arith.constant 0 : i32
    %dma_wait3A_304 = tpu.memref_slice %arg3[%dma_wait3A_302, %dma_wait3A_303] : memref<10112x24xf32, #tpu.memory_space<hbm>> -> memref<10112x24xf32, #tpu.memory_space<hbm>>
    tpu.wait_indirect_dma semaphore(%arg13 : memref<!tpu.dma_semaphore, #tpu.memory_space<semaphore_mem>>) src(%dma_wait3A_304 : memref<10112x24xf32, #tpu.memory_space<hbm>>) dst(%arg9 : memref<128x24xf32, #tpu.memory_space<vmem>>)
    %run_scoped3A_305 = arith.constant 79 : i32
    "tpu.region"() ({
      %run_scoped3A_307 = tpu.sem_alloc : memref<!tpu.dma_semaphore, #tpu.memory_space<semaphore_mem>>
      %dma_start3A = arith.constant 0 : i32
      %dma_start3A_308 = tpu.memref_slice %arg7[%run_scoped3A_305, %dma_start3A] : memref<80x128xi32, #tpu.memory_space<vmem>> -> memref<1x128xi32, #tpu.memory_space<vmem>>
      %dma_start3A_309 = tpu.memref_squeeze %dma_start3A_308 : memref<1x128xi32, #tpu.memory_space<vmem>> -> memref<128xi32, #tpu.memory_space<vmem>>
      %dma_start3A_310 = arith.constant 0 : i32
      %dma_start3A_311 = arith.constant 0 : i32
      %dma_start3A_312 = tpu.memref_slice %arg10[%dma_start3A_310, %dma_start3A_311] : memref<10112x24xf32, #tpu.memory_space<vmem_shared>> -> memref<10112x24xf32, #tpu.memory_space<vmem_shared>>
      tpu.enqueue_indirect_dma source(%arg9 : memref<128x24xf32, #tpu.memory_space<vmem>>) target(%dma_start3A_312 : memref<10112x24xf32, #tpu.memory_space<vmem_shared>>) offsets(%dma_start3A_309 : memref<128xi32, #tpu.memory_space<vmem>>) semaphore(%run_scoped3A_307 : memref<!tpu.dma_semaphore, #tpu.memory_space<semaphore_mem>>) {add = true}
      %dma_wait3A_313 = arith.constant 0 : i32
      %dma_wait3A_314 = tpu.memref_slice %arg7[%run_scoped3A_305, %dma_wait3A_313] : memref<80x128xi32, #tpu.memory_space<vmem>> -> memref<1x128xi32, #tpu.memory_space<vmem>>
      %dma_wait3A_315 = tpu.memref_squeeze %dma_wait3A_314 : memref<1x128xi32, #tpu.memory_space<vmem>> -> memref<128xi32, #tpu.memory_space<vmem>>
      %dma_wait3A_316 = arith.constant 0 : i32
      %dma_wait3A_317 = arith.constant 0 : i32
      %dma_wait3A_318 = tpu.memref_slice %arg10[%dma_wait3A_316, %dma_wait3A_317] : memref<10112x24xf32, #tpu.memory_space<vmem_shared>> -> memref<10112x24xf32, #tpu.memory_space<vmem_shared>>
      tpu.wait_indirect_dma semaphore(%run_scoped3A_307 : memref<!tpu.dma_semaphore, #tpu.memory_space<semaphore_mem>>) src(%arg9 : memref<128x24xf32, #tpu.memory_space<vmem>>) dst(%dma_wait3A_318 : memref<10112x24xf32, #tpu.memory_space<vmem_shared>>)
      tpu.yield
    }) : () -> ()
    %barrier3A_306 = arith.constant 0 : index
    tpu.barrier barrier_id(%barrier3A_306)
    "tpu.region"() ({
      %run_scoped3A_307 = tpu.sem_alloc : memref<!tpu.dma_semaphore, #tpu.memory_space<semaphore_mem>>
      %dma_start3A = arith.constant 0 : i32
      %dma_start3A_308 = arith.constant 0 : i32
      %dma_start3A_309 = tpu.memref_slice %arg5[%arg0, %dma_start3A, %dma_start3A_308] : memref<2x10112x24xf32, #tpu.memory_space<hbm>> -> memref<1x10112x24xf32, #tpu.memory_space<hbm>>
      %dma_start3A_310 = tpu.memref_squeeze %dma_start3A_309 : memref<1x10112x24xf32, #tpu.memory_space<hbm>> -> memref<10112x24xf32, #tpu.memory_space<hbm>>
      %dma_start3A_311 = arith.constant 0 : i32
      %dma_start3A_312 = tpu.memref_slice %dma_start3A_310[%mul3A_2, %dma_start3A_311] : memref<10112x24xf32, #tpu.memory_space<hbm>> -> memref<632x24xf32, #tpu.memory_space<hbm>>
      %dma_start3A_313 = arith.constant 0 : i32
      %dma_start3A_314 = tpu.memref_slice %arg10[%mul3A_2, %dma_start3A_313] : memref<10112x24xf32, #tpu.memory_space<vmem_shared>> -> memref<632x24xf32, #tpu.memory_space<vmem_shared>>
      tpu.enqueue_dma source(%dma_start3A_314 : memref<632x24xf32, #tpu.memory_space<vmem_shared>>) target(%dma_start3A_312 : memref<632x24xf32, #tpu.memory_space<hbm>>) target_semaphore(%run_scoped3A_307 : memref<!tpu.dma_semaphore, #tpu.memory_space<semaphore_mem>>)
      %dma_wait3A_315 = arith.constant 0 : i32
      %dma_wait3A_316 = arith.constant 0 : i32
      %dma_wait3A_317 = tpu.memref_slice %arg5[%arg0, %dma_wait3A_315, %dma_wait3A_316] : memref<2x10112x24xf32, #tpu.memory_space<hbm>> -> memref<1x10112x24xf32, #tpu.memory_space<hbm>>
      %dma_wait3A_318 = tpu.memref_squeeze %dma_wait3A_317 : memref<1x10112x24xf32, #tpu.memory_space<hbm>> -> memref<10112x24xf32, #tpu.memory_space<hbm>>
      %dma_wait3A_319 = arith.constant 0 : i32
      %dma_wait3A_320 = tpu.memref_slice %dma_wait3A_318[%mul3A_2, %dma_wait3A_319] : memref<10112x24xf32, #tpu.memory_space<hbm>> -> memref<632x24xf32, #tpu.memory_space<hbm>>
      %dma_wait3A_321 = arith.constant 0 : i32
      %dma_wait3A_322 = tpu.memref_slice %arg10[%mul3A_2, %dma_wait3A_321] : memref<10112x24xf32, #tpu.memory_space<vmem_shared>> -> memref<632x24xf32, #tpu.memory_space<vmem_shared>>
      tpu.wait_dma2 semaphore(%run_scoped3A_307 : memref<!tpu.dma_semaphore, #tpu.memory_space<semaphore_mem>>) src(%dma_wait3A_322 : memref<632x24xf32, #tpu.memory_space<vmem_shared>>) dst(%dma_wait3A_320 : memref<632x24xf32, #tpu.memory_space<hbm>>)
      tpu.yield
    }) : () -> ()
    return
  }
}

module attributes {stable_mosaic.version = 14 : i64} {
  func.func @_tc1a_body(%arg0: memref<10000x128xf32, #tpu.memory_space<vmem>>, %arg1: memref<128x20xf32, #tpu.memory_space<vmem>>, %arg2: memref<10000x20xf32, #tpu.memory_space<vmem>>) attributes {dimension_semantics = [], scalar_prefetch = 0 : i64, scratch_operands = 0 : i64, tpu.core_type = #tpu.core_type<tc>} {
    %get3A = arith.constant 0 : index
    %get3A_0 = arith.constant 0 : index
    %get3A_1 = vector.load %arg0[%get3A, %get3A_0] : memref<10000x128xf32, #tpu.memory_space<vmem>>, vector<10000x128xf32>
    %get3A_2 = arith.constant 0 : index
    %get3A_3 = arith.constant 0 : index
    %get3A_4 = vector.load %arg1[%get3A_2, %get3A_3] : memref<128x20xf32, #tpu.memory_space<vmem>>, vector<128x20xf32>
    %dot_general3A = arith.constant dense<0.000000e+00> : vector<10000x20xf32>
    %dot_general3A_5 = tpu.matmul %get3A_1, %get3A_4, %dot_general3A {dimension_numbers = #tpu.dot_dimension_numbers<[1], [0], [0], [1], [0, 0, 1, 1], [], []>, transpose_lhs_hint = false} : vector<10000x128xf32>, vector<128x20xf32>, vector<10000x20xf32> -> vector<10000x20xf32>
    %swap3A = arith.constant 0 : index
    %swap3A_6 = arith.constant 0 : index
    %swap3A_7 = vector.load %arg2[%swap3A, %swap3A_6] : memref<10000x20xf32, #tpu.memory_space<vmem>>, vector<10000x20xf32>
    tpu.vector_store %arg2[%swap3A, %swap3A_6], %dot_general3A_5 {strides = array<i32>} : memref<10000x20xf32, #tpu.memory_space<vmem>>, vector<10000x20xf32>,
    return
  }
}

module attributes {stable_mosaic.version = 14 : i64} {
  func.func @body(%arg0: memref<10000x20xf32, #tpu.memory_space<vmem>>, %arg1: memref<2x10112x8xf32, #tpu.memory_space<vmem>>, %arg2: memref<10112x24xf32, #tpu.memory_space<vmem>>, %arg3: memref<10000x1xf32, #tpu.memory_space<vmem>>) attributes {dimension_semantics = [], scalar_prefetch = 0 : i64, scratch_operands = 0 : i64, tpu.core_type = #tpu.core_type<tc>} {
    %get3A = arith.constant 0 : index
    %get3A_0 = arith.constant 0 : index
    %get3A_1 = arith.constant 0 : index
    %get3A_2 = vector.load %arg1[%get3A, %get3A_0, %get3A_1] : memref<2x10112x8xf32, #tpu.memory_space<vmem>>, vector<1x10000x1xf32>
    %get3A_3 = vector.shape_cast %get3A_2 : vector<1x10000x1xf32> to vector<10000x1xf32>
    %get3A_4 = arith.constant 1 : index
    %get3A_5 = arith.constant 0 : index
    %get3A_6 = arith.constant 0 : index
    %get3A_7 = vector.load %arg1[%get3A_4, %get3A_5, %get3A_6] : memref<2x10112x8xf32, #tpu.memory_space<vmem>>, vector<1x10000x1xf32>
    %get3A_8 = vector.shape_cast %get3A_7 : vector<1x10000x1xf32> to vector<10000x1xf32>
    %add3A = arith.addf %get3A_3, %get3A_8 : vector<10000x1xf32>
    %add3A_9 = arith.constant 1.000000e+00 : f32
    %add3A_10 = vector.broadcast %add3A_9 : f32 to vector<10000x1xf32>
    %add3A_11 = arith.addf %add3A, %add3A_10 : vector<10000x1xf32>
    %rsqrt3A = math.rsqrt %add3A_11 : vector<10000x1xf32>
    %swap3A = arith.constant 0 : index
    %swap3A_12 = arith.constant 0 : index
    %swap3A_13 = vector.load %arg3[%swap3A, %swap3A_12] : memref<10000x1xf32, #tpu.memory_space<vmem>>, vector<10000x1xf32>
    tpu.vector_store %arg3[%swap3A, %swap3A_12], %rsqrt3A {strides = array<i32>} : memref<10000x1xf32, #tpu.memory_space<vmem>>, vector<10000x1xf32>,
    %get3A_14 = arith.constant 0 : index
    %get3A_15 = arith.constant 0 : index
    %get3A_16 = vector.load %arg0[%get3A_14, %get3A_15] : memref<10000x20xf32, #tpu.memory_space<vmem>>, vector<10000x20xf32>
    %mul3A = vector.broadcast %rsqrt3A : vector<10000x1xf32> to vector<10000x20xf32>
    %mul3A_17 = arith.mulf %get3A_16, %mul3A : vector<10000x20xf32>
    %swap3A_18 = arith.constant 0 : index
    %swap3A_19 = arith.constant 0 : index
    %swap3A_20 = vector.load %arg2[%swap3A_18, %swap3A_19] : memref<10112x24xf32, #tpu.memory_space<vmem>>, vector<10000x20xf32>
    tpu.vector_store %arg2[%swap3A_18, %swap3A_19], %mul3A_17 {strides = array<i32>} : memref<10112x24xf32, #tpu.memory_space<vmem>>, vector<10000x20xf32>,
    %broadcast_in_dim3A = arith.constant 0.000000e+00 : f32
    %broadcast_in_dim3A_21 = vector.broadcast %broadcast_in_dim3A : f32 to vector<10000x4xf32>
    %swap3A_22 = arith.constant 0 : index
    %swap3A_23 = arith.constant 20 : index
    %swap3A_24 = vector.load %arg2[%swap3A_22, %swap3A_23] : memref<10112x24xf32, #tpu.memory_space<vmem>>, vector<10000x4xf32>
    tpu.vector_store %arg2[%swap3A_22, %swap3A_23], %broadcast_in_dim3A_21 {strides = array<i32>} : memref<10112x24xf32, #tpu.memory_space<vmem>>, vector<10000x4xf32>,
    return
  }
}

module attributes {stable_mosaic.version = 14 : i64} {
  func.func @body(%arg0: memref<2x10112x24xf32, #tpu.memory_space<vmem>>, %arg1: memref<10000x1xf32, #tpu.memory_space<vmem>>, %arg2: memref<20x2xf32, #tpu.memory_space<vmem>>, %arg3: memref<10112x8xf32, #tpu.memory_space<vmem>>) attributes {dimension_semantics = [], scalar_prefetch = 0 : i64, scratch_operands = 0 : i64, tpu.core_type = #tpu.core_type<tc>} {
    %get3A = arith.constant 0 : index
    %get3A_0 = arith.constant 0 : index
    %get3A_1 = vector.load %arg1[%get3A, %get3A_0] : memref<10000x1xf32, #tpu.memory_space<vmem>>, vector<10000x1xf32>
    %get3A_2 = arith.constant 0 : index
    %get3A_3 = arith.constant 0 : index
    %get3A_4 = arith.constant 0 : index
    %get3A_5 = vector.load %arg0[%get3A_2, %get3A_3, %get3A_4] : memref<2x10112x24xf32, #tpu.memory_space<vmem>>, vector<1x10000x20xf32>
    %get3A_6 = vector.shape_cast %get3A_5 : vector<1x10000x20xf32> to vector<10000x20xf32>
    %get3A_7 = arith.constant 1 : index
    %get3A_8 = arith.constant 0 : index
    %get3A_9 = arith.constant 0 : index
    %get3A_10 = vector.load %arg0[%get3A_7, %get3A_8, %get3A_9] : memref<2x10112x24xf32, #tpu.memory_space<vmem>>, vector<1x10000x20xf32>
    %get3A_11 = vector.shape_cast %get3A_10 : vector<1x10000x20xf32> to vector<10000x20xf32>
    %add3A = arith.addf %get3A_6, %get3A_11 : vector<10000x20xf32>
    %mul3A = vector.broadcast %get3A_1 : vector<10000x1xf32> to vector<10000x20xf32>
    %mul3A_12 = arith.mulf %add3A, %mul3A : vector<10000x20xf32>
    %max3A = arith.constant 0.000000e+00 : f32
    %max3A_13 = vector.broadcast %max3A : f32 to vector<10000x20xf32>
    %max3A_14 = arith.maximumf %mul3A_12, %max3A_13 : vector<10000x20xf32>
    %get3A_15 = arith.constant 0 : index
    %get3A_16 = arith.constant 0 : index
    %get3A_17 = vector.load %arg2[%get3A_15, %get3A_16] : memref<20x2xf32, #tpu.memory_space<vmem>>, vector<20x2xf32>
    %dot_general3A = arith.constant dense<0.000000e+00> : vector<10000x2xf32>
    %dot_general3A_18 = tpu.matmul %max3A_14, %get3A_17, %dot_general3A {dimension_numbers = #tpu.dot_dimension_numbers<[1], [0], [0], [1], [0, 0, 1, 1], [], []>, transpose_lhs_hint = false} : vector<10000x20xf32>, vector<20x2xf32>, vector<10000x2xf32> -> vector<10000x2xf32>
    %mul3A_19 = vector.broadcast %get3A_1 : vector<10000x1xf32> to vector<10000x2xf32>
    %mul3A_20 = arith.mulf %dot_general3A_18, %mul3A_19 : vector<10000x2xf32>
    %swap3A = arith.constant 0 : index
    %swap3A_21 = arith.constant 0 : index
    %swap3A_22 = vector.load %arg3[%swap3A, %swap3A_21] : memref<10112x8xf32, #tpu.memory_space<vmem>>, vector<10000x2xf32>
    tpu.vector_store %arg3[%swap3A, %swap3A_21], %mul3A_20 {strides = array<i32>} : memref<10112x8xf32, #tpu.memory_space<vmem>>, vector<10000x2xf32>,
    %broadcast_in_dim3A = arith.constant 0.000000e+00 : f32
    %broadcast_in_dim3A_23 = vector.broadcast %broadcast_in_dim3A : f32 to vector<10000x6xf32>
    %swap3A_24 = arith.constant 0 : index
    %swap3A_25 = arith.constant 2 : index
    %swap3A_26 = vector.load %arg3[%swap3A_24, %swap3A_25] : memref<10112x8xf32, #tpu.memory_space<vmem>>, vector<10000x6xf32>
    tpu.vector_store %arg3[%swap3A_24, %swap3A_25], %broadcast_in_dim3A_23 {strides = array<i32>} : memref<10112x8xf32, #tpu.memory_space<vmem>>, vector<10000x6xf32>,
    return
  }
}

module attributes {stable_mosaic.version = 14 : i64} {
  func.func @body(%arg0: memref<2x10112x8xf32, #tpu.memory_space<vmem>>, %arg1: memref<10000x1xf32, #tpu.memory_space<vmem>>, %arg2: memref<10000x2xf32, #tpu.memory_space<vmem>>) attributes {dimension_semantics = [], scalar_prefetch = 0 : i64, scratch_operands = 0 : i64, tpu.core_type = #tpu.core_type<tc>} {
    %get3A = arith.constant 0 : index
    %get3A_0 = arith.constant 0 : index
    %get3A_1 = arith.constant 0 : index
    %get3A_2 = vector.load %arg0[%get3A, %get3A_0, %get3A_1] : memref<2x10112x8xf32, #tpu.memory_space<vmem>>, vector<1x10000x2xf32>
    %get3A_3 = vector.shape_cast %get3A_2 : vector<1x10000x2xf32> to vector<10000x2xf32>
    %get3A_4 = arith.constant 1 : index
    %get3A_5 = arith.constant 0 : index
    %get3A_6 = arith.constant 0 : index
    %get3A_7 = vector.load %arg0[%get3A_4, %get3A_5, %get3A_6] : memref<2x10112x8xf32, #tpu.memory_space<vmem>>, vector<1x10000x2xf32>
    %get3A_8 = vector.shape_cast %get3A_7 : vector<1x10000x2xf32> to vector<10000x2xf32>
    %add3A = arith.addf %get3A_3, %get3A_8 : vector<10000x2xf32>
    %get3A_9 = arith.constant 0 : index
    %get3A_10 = arith.constant 0 : index
    %get3A_11 = vector.load %arg1[%get3A_9, %get3A_10] : memref<10000x1xf32, #tpu.memory_space<vmem>>, vector<10000x1xf32>
    %mul3A = vector.broadcast %get3A_11 : vector<10000x1xf32> to vector<10000x2xf32>
    %mul3A_12 = arith.mulf %add3A, %mul3A : vector<10000x2xf32>
    %swap3A = arith.constant 0 : index
    %swap3A_13 = arith.constant 0 : index
    %swap3A_14 = vector.load %arg2[%swap3A, %swap3A_13] : memref<10000x2xf32, #tpu.memory_space<vmem>>, vector<10000x2xf32>
    tpu.vector_store %arg2[%swap3A, %swap3A_13], %mul3A_12 {strides = array<i32>} : memref<10000x2xf32, #tpu.memory_space<vmem>>, vector<10000x2xf32>,
    return
  }
}

</mosaic_0001>

<sc_bundles>
// kernel: kernel.12.cloned.1.call-start
scs
__scs_entry_jumppad:
0x0: {  	(pc) =	sbr.rel $0x88, $3  }
0x1: {  	(tag) =	ssettag $0x0;
	lr =	simm.s32 $0x1  }
0x2: {  	[smem:$0x3F9D] =	sst lr;
	_ =	strace $0xD0000000  }
0x3: {  	_ = 	snop  }
0x4: {  	_ = 	snop  }
0x5: {  	_ = 	snop  }
0x6: {  	_ = 	snop  }
0x7: {  	_ = 	snop  }
__scs_overlays_trampoline_lowered:
0x8: {  	[smem:$0x3FAC] =	sst s0  }
0x9: {  	[smem:$0x3FAD] =	sst s1  }
0xa: {  	[smem:$0x3FAE] =	sst s2  }
0xb: {  	[smem:$0x3FAF] =	sst s3  }
0xc: {  	[smem:$0x3FB0] =	sst s4  }
0xd: {  	[smem:$0x3FB1] =	sst s5  }
0xe: {  	[smem:$0x3FB2] =	sst s6  }
0xf: {  	[smem:$0x3FB3] =	sst s7  }
0x10: {  	[smem:$0x3FB4] =	sst s8  }
0x11: {  	[smem:$0x3FB5] =	sst s9;
	s0 =	simm.s32 @!p0 $0x0  }
0x12: {  	s1 =	sld [smem:$0x3F9B];
	s0 =	simm.s32 @p0 $0x1  }
0x13: {  	[smem:$0x3FB6] =	sst s0;
	s0 =	simm.s32 @!p1 $0x0  }
0x14: {  	s2 =	sld [smem:$0x3F9A];
	s0 =	simm.s32 @p1 $0x1  }
0x15: {  	[smem:$0x3FB7] =	sst s0;
	s0 =	simm.s32 @!p2 $0x0  }
0x16: {  	s3 =	sld [smem:$0x3FDB];
	s0 =	simm.s32 @p2 $0x1  }
0x17: {  	s4 =	simm.s32 $0x1BF5;
	[smem:$0x3FB9] =	sst s0  }
0x18: {  	s0 =	sld [smem:$0x3F9C];
	_ =	swait.ge [sflag:s4], $0x0  }
0x19: {  	s7 =	sld [smem:$0x3F9D]  }
0x1a: {  	s8 =	sadd.s32 $0xFFFFE003, lr  }
0x1b: {  	s9 =	sadd.s32 $0xFFFFFEF7, lr;
	s5 =	simm.s32 $0xFFFFFFFF;
	p2 =	slt.u32 s8, $0xFFFFF086  }
0x1c: {  	p1 =	slt.u32 s9, $0xF7A;
	s5 =	simm.s32 @!p2 $0x0  }
0x1d: {  	s5 =	simm.s32 @p1 $0x1;
	p0 =	seq.s32 s7, s2  }
0x1e: {  	s7 =	smul.u32 @!p0 $0xF7A, s2;
	p2 =	seq.s32 @!p0 s5, $0x0  }
0x1f: {  	s9 =	smul.u32 $0xF7A, s1;
	s8 =	simm.s32 @!p0 $0x1BF5;
	p2 =	por !p2, p0  }
0x20: {  	[sflag:s8] =	ssyncset.s32 @!p0 $0xFFFFF086;
	s6 =	sadd.s32 @!p0 s3, s7;
	s7 =	simm.s32 @!p0 $0x108  }
0x21: {  	s3 =	sadd.s32 s3, s9;
	s6 =	sadd.s32 @!p0 $0x88, s6;
	s7 =	simm.s32 @p2 $0x1082  }
0x22: {  	[simem:s7], [sflag:s8] =	dma.local @!p0 [hbm:s6], $0xF7A  }
0x23: {  	s9 =	sor.u32 $0xD0000000, s2;
	s6 =	simm.s32 $0x108;
	_ =	swait.ge @!p0 [sflag:s8], $0x0  }
0x24: {  	s3 =	sadd.s32 $0x88, s3;
	s6 =	simm.s32 @!p1 $0x1082;
	[sflag:s4] =	ssyncset.s32 $0xFFFFF086  }
0x25: {  	[simem:s6], [sflag:s4] =	dma.local [hbm:s3], $0xF7A  }
0x26: {  	[smem:$0x3F9D] =	sst s1;
	(tag) =	ssettag s2;
	_ =	strace s9  }
0x27: {  	s1 =	sld [smem:$0x3FAD]  }
0x28: {  	s2 =	sld [smem:$0x3FAE]  }
0x29: {  	s4 =	sld [smem:$0x3FB0]  }
0x2a: {  	p0 =	seq.s32 s5, $0x0;
	s5 =	sld [smem:$0x3FB1]  }
0x2b: {  	s6 =	sld [smem:$0x3FB2]  }
0x2c: {  	s7 =	sld [smem:$0x3FB3]  }
0x2d: {  	s3 =	simm.s32 $0x108;
	s8 =	sld [smem:$0x3FB4]  }
0x2e: {  	s3 =	simm.s32 @!p0 $0x1082;
	s9 =	sld [smem:$0x3FB5]  }
0x2f: {  	lr =	sadd.s32 s0, s3;
	s0 =	sld [smem:$0x3FAC]  }
0x30: {  	s3 =	sld [smem:$0x3FAF]  }
0x31: {  	[smem:$0x3FB8] =	sst s10  }
0x32: {  	s10 =	sld [smem:$0x3FB6];
	_ =	sdelay $0x3  }
0x33: {  	p0 =	seq.s32 s10, $0x1;
	s10 =	sld [smem:$0x3FB8];
	_ =	sdelay $0x3  }
0x34: {  	[smem:$0x3FB8] =	sst s10  }
0x35: {  	s10 =	sld [smem:$0x3FB7];
	_ =	sdelay $0x3  }
0x36: {  	p1 =	seq.s32 s10, $0x1;
	s10 =	sld [smem:$0x3FB8];
	_ =	sdelay $0x3  }
0x37: {  	[smem:$0x3FB8] =	sst s10  }
0x38: {  	s10 =	sld [smem:$0x3FB9]  }
0x39: {  	_ = 	snop;
	(pc) =	sbr.ind lr, $3  }
0x3a: {  	_ = 	snop  }
0x3b: {  	_ = 	snop  }
0x3c: {  	p2 =	seq.s32 s10, $0x1;
	s10 =	sld [smem:$0x3FB8]  }
0x3d: {  	_ =	shalt  }
0x3e: {  	_ =	shalt  }
0x3f: {  	_ =	shalt  }
0x40: {  	_ =	shalt  }
0x41: {  	_ =	shalt  }
0x42: {  	_ =	shalt  }
0x43: {  	_ =	shalt  }
0x44: {  	_ =	shalt  }
0x45: {  	_ =	shalt  }
0x46: {  	_ =	shalt  }
0x47: {  	_ =	shalt  }
0x48: {  	_ =	shalt  }
0x49: {  	_ =	shalt  }
0x4a: {  	_ =	shalt  }
0x4b: {  	_ =	shalt  }
0x4c: {  	_ =	shalt  }
0x4d: {  	_ =	shalt  }
0x4e: {  	_ =	shalt  }
0x4f: {  	_ =	shalt  }
0x50: {  	_ =	shalt  }
0x51: {  	_ =	shalt  }
0x52: {  	_ =	shalt  }
0x53: {  	_ =	shalt  }
0x54: {  	_ =	shalt  }
0x55: {  	_ =	shalt  }
0x56: {  	_ =	shalt  }
0x57: {  	_ =	shalt  }
0x58: {  	_ =	shalt  }
0x59: {  	_ =	shalt  }
0x5a: {  	_ =	shalt  }
0x5b: {  	_ =	shalt  }
0x5c: {  	_ =	shalt  }
0x5d: {  	_ =	shalt  }
0x5e: {  	_ =	shalt  }
0x5f: {  	_ =	shalt  }
0x60: {  	_ =	shalt  }
0x61: {  	_ =	shalt  }
0x62: {  	_ =	shalt  }
0x63: {  	_ =	shalt  }
0x64: {  	_ =	shalt  }
0x65: {  	_ =	shalt  }
0x66: {  	_ =	shalt  }
0x67: {  	_ =	shalt  }
0x68: {  	_ =	shalt  }
0x69: {  	_ =	shalt  }
0x6a: {  	_ =	shalt  }
0x6b: {  	_ =	shalt  }
0x6c: {  	_ =	shalt  }
0x6d: {  	_ =	shalt  }
0x6e: {  	_ =	shalt  }
0x6f: {  	_ =	shalt  }
0x70: {  	_ =	shalt  }
0x71: {  	_ =	shalt  }
0x72: {  	_ =	shalt  }
0x73: {  	_ =	shalt  }
0x74: {  	_ =	shalt  }
0x75: {  	_ =	shalt  }
0x76: {  	_ =	shalt  }
0x77: {  	_ =	shalt  }
0x78: {  	_ =	shalt  }
0x79: {  	_ =	shalt  }
0x7a: {  	_ =	shalt  }
0x7b: {  	_ =	shalt  }
0x7c: {  	_ =	shalt  }
0x7d: {  	_ =	shalt  }
0x7e: {  	_ =	shalt  }
0x7f: {  	_ =	shalt  }
0x80: {  	_ =	shalt  }
0x81: {  	_ =	shalt  }
0x82: {  	_ =	shalt  }
0x83: {  	_ =	shalt  }
0x84: {  	_ =	shalt  }
0x85: {  	_ =	shalt  }
0x86: {  	_ =	shalt  }
0x87: {  	_ =	shalt  }
.Lfunc_end0:
.L_simem_size_0:
called_computation.1_lowered:
.L_overlay_start_0:
0x88: {  	s2 =	sld [smem:$0x3FD9]  }
0x89: {  	s3 =	sld [smem:$0x3FFE];
	_ =	sdelay $0x1  }
0x8a: {  	s1 =	srdreg.scid  }
0x8b: {  	s0 =	sand.u32 $0x1, s1  }
0x8c: {  	s16 =	sshll.u32 s0, $0xA;
	s2 =	sadd.s32 s3, s2  }
0x8d: {  	s2 =	sadd.s32 s2, s16  }
0x8e: {  	[smem:$0x3FC4] =	sst s2  }
0x8f: {  	_ = 	snop  }
0x90: {  	(tm) =	ssettm $0x1  }
0x91: {  	s17 =	sld [smem:$0x3FFB];
	_ =	sdelay $0x3  }
0x92: {  	_ =	strace s17  }
0x93: {  	s2 =	sld [smem:$0x3FFC];
	_ =	sdelay $0x3  }
0x94: {  	_ =	strace s2  }
0x95: {  	s2 =	sld [smem:$0x3FFD];
	_ =	sdelay $0x3  }
0x96: {  	_ =	strace s2  }
0x97: {  	_ =	strace $0x8FFFFFFF  }
0x98: {  	s18 =	sld [smem:$0x3FDB];
	_ =	sdelay $0x1  }
0x99: {  	s19 =	simm.s32 $_scs_section_size  }
0x9a: {  	s4 =	simm.s32 $_size__tile_overlayer_lowered;
	s5 =	simm.s32 $_tile_overlayer_lowered  }
0x9b: {  	s22 =	simm.s32 $0x1BFF;
	s21 =	sshll.u32 s5, $0x1;
	s2 =	sadd.s32 s19, s18  }
0x9c: {  	s6 =	simm.s32 $0x0;
	s20 =	sshll.u32 s4, $0x1;
	s4 =	sadd.s32 s21, s2  }
0x9d: {  	[timem:s6], [sflag:s22] =	dma.local [hbm:s4], s20  }
0x9e: {  	_ =	swait.ge [sflag:s22], s20  }
0x9f: {  	s3 =	ssub.s32 $0x0, s20;
	[sflag:s22] =	ssyncset.done $0x0  }
0xa0: {  	[sflag:s22] =	ssyncadd.s32 s3;
	_ =	sdelay $0x1  }
0xa1: {  	s23 =	simm.s32 $0x1B8B  }
0xa2: {  	_ =	swait.ge [sflag:s23], $0x1  }
0xa3: {  	[sflag:s23] =	ssyncset.done $0x0  }
0xa4: {  	s25 =	simm.s32 $0x1B8E;
	s24 =	sld [smem:$0x3FFE];
	[sflag:s23] =	ssyncadd.s32 $0xFFFFFFFF  }
0xa5: {  	s26 =	simm.s32 $execute0_lowered;
	[smem:$0x3FD2] =	sst s25  }
0xa6: {  	s4 =	sshll.u32 s26, $0x1;
	_ =	strace $0x80000049;
	[dreg:$0x1] =	wrdreg $0xFFFFFFFF  }
0xa7: {  	s28 =	simm.s32 $_size_execute0_lowered;
	s2 =	sadd.s32 s2, s4;
	[dreg:$0x0] =	wrdreg $0x0  }
0xa8: {  	s4 =	sshll.u32 s28, $0x1;
	[dreg:$0x2] =	wrdreg s2  }
0xa9: {  	[dreg:$0x3] =	wrdreg s4  }
0xaa: {  	[dreg:$0x4] =	wrdreg $0xC0  }
0xab: {  	_ =	task [dreg:s6], $0x5FFFF  }
0xac: {  	[dreg:$0x1] =	wrdreg $0xFFFFFFFF  }
0xad: {  	[dreg:$0x0] =	wrdreg $0x60  }
0xae: {  	[dreg:$0x2] =	wrdreg s24  }
0xaf: {  	[dreg:$0x3] =	wrdreg $0x68000  }
0xb0: {  	[dreg:$0x4] =	wrdreg $0xA3400  }
0xb1: {  	[dreg:$0x5] =	wrdreg $0x9  }
0xb2: {  	_ =	task.clear_ibuf [dreg:s6], $0x6FFFF;
	_ =	strace $0x90000049  }
0xb3: {  	s29 =	simm.s32 $0x9;
	_ =	strace $0x8000004B  }
0xb4: {  	_ =	swait.ge [sflag:s29], $0x1  }
0xb5: {  	[sflag:s29] =	ssyncadd.s32 $0xFFFFFFFF  }
0xb6: {  	_ =	strace $0x9000004B  }
0xb7: {  	_ =	sfence  }
0xb8: {  	s30 =	sld [smem:$0x0];
	_ =	sdelay $0x2  }
0xb9: {  	s31 =	sshll.u32 s1, $0xD;
	s1 =	sshrl.u32 s1, $0x2  }
0xba: {  	s3 =	sand.u32 $0x4000, s31;
	s1 =	sadd.s32 s1, s30  }
0xbb: {  	s0 =	sor.u32 s3, s0;
	s1 =	sshll.u32 s1, $0x11  }
0xbc: {  	s0 =	sor.u32 s1, s0  }
0xbd: {  	s0 =	sadd.s32 $0x8F2B, s0  }
0xbe: {  	[sflag:s0] =	ssyncadd.remote.s32 $0x1  }
0xbf: {  	_ =	sfence.sel $0xFFFF  }
0xc0: {  	[dreg:$0x0] =	wrdreg $0xFFFFFFFF;
	(pc) =	sbr.abs _section_cstart, $3  }
0xc1: {  	[dreg:$0x1] =	wrdreg $0xFFFFFFFF  }
0xc2: {  	_ =	task.clear_ibuf [dreg:s6], $0x2FFFF;
	_ =	strace $0x9FFFFFFF  }
0xc3: {  	(tm) =	ssettm $0x7FFFFFFF  }
tec
execute0_lowered:
.L_overlay_start_1:
0x0: {  	(tag) =	ssettag $0x1  }
0x1: {  	s0 =	rddreg [dreg:$0x0]  }
0x2: {  	s1 =	rddreg [dreg:$0x1]  }
0x3: {  	s3 =	rddreg [dreg:$0x2];
	s4 =	simm.s32 $0x0;
	s15 =	stileid.u32  }
0x4: {  	s7 =	srdreg.scid;
	s18 =	simm.s32 $0x1;
	s19 =	simm.s32 $0x80  }
0x5: {  	s20 =	simm.s32 $0x5000;
	s21 =	simm.s32 $0x2;
	s22 =	simm.s32 $0x5C00  }
0x6: {  	s26 =	simm.s32 $0x0;
	[smem:$0x7FF] =	sst s4;
	s2 =	smul.u32 $0x3B40, s15  }
0x7: {  	s6 =	sadd.s32 $0x1A00, s0;
	s5 =	sadd.s32 $0x17C00, s0;
	s7 =	sand.u32 $0x1, s7  }
0x8: {  	s8 =	sshll.u32 s15, $0x1;
	p0 =	sgt.u32 s15, $0x1;
	p1 =	sgt.u32 s15, $0x3  }
0x9: {  	s31 =	sshll.u32 s15, $0x6;
	_ =	strace $0x8000004A;
	s10 =	smul.u32 $0x7680, s7  }
0xa: {  	s8 =	sor.u32 s7, s8;
	s7 =	ssub.s32 $0x2, s7;
	s15 =	sor.u32 $0x1C03, s31  }
0xb: {  	s13 =	sshrl.u32 s2, $0x3;
	s12 =	smul.u32 $0x4E0, s8;
	s8 =	sshll.u32 s8, $0x4  }
0xc: {  	s11 =	sshrl.u32 s7, $0x1;
	s16 =	sadd.s32 s2, s1;
	s2 =	sadd.s32 s2, s3  }
0xd: {  	s9 =	sadd.s32 s13, s0;
	s10 =	sadd.s32 s10, s0;
	s14 =	sadd.s32 s8, s6  }
0xe: {  	s11 =	ssub.s32 s7, s11;
	s0 =	sadd.s32 $0xB640, s0;
	s16 =	sshrl.u32 s16, $0x3  }
0xf: {  	s17 =	sshrl.u32 s2, $0x3;
	s6 =	sadd.s32 s6, s12;
	s7 =	sadd.s32 $0x9C00, s14  }
0x10: {  	s14 =	sor.u32 $0x9C00, s8;
	s8 =	sadd.s32 $0x1F400, s9;
	s9 =	sadd.s32 s5, s13  }
0x11: {  	s23 =	sadd.s32 $0x26C00, s10;
	s10 =	smax.u32 s11, $0x1;
	s11 =	simm.s32 $0x3  }
0x12: {  	v0 =	vimm.s32 $0x0;
	v1 =	vimm.s32 $0x2710;
	s12 =	sadd.s32 s12, s0;
	s14 =	sadd.s32 @!p0 s0, s14;
	s24 =	sadd.s32 s13, s23  }
.LBB2_1:
0x13: {  	[tilespmem:s4], [sflag:$0x3] =	stream.linear.gather [hbm4b:s6+s4], $0x2700, $0x38;
	[tilespmem:$0xDE80] =	vst v63  }
0x14: {  	_ =	swait.ge [sflag:s11], $0x2700  }
0x15: {  	[sflag:s11] =	ssyncset.done $0x0  }
0x16: {  	[sflag:s11] =	ssyncadd.s32 $0xFFFFD900  }
0x17: {  	[tilespmem:$0x2700] =	vst v0  }
0x18: {  	[tilespmem:$0x2710] =	vst v0  }
0x19: {  	[tilespmem:$0x2720] =	vst v0  }
0x1a: {  	[tilespmem:$0x2730] =	vst v0  }
0x1b: {  	[tilespmem:$0x2740] =	vst v0  }
0x1c: {  	[tilespmem:$0x2750] =	vst v0  }
0x1d: {  	[tilespmem:$0x2760] =	vst v0  }
0x1e: {  	[tilespmem:$0x2770] =	vst v0  }
0x1f: {  	[tilespmem:$0x2780] =	vst v0  }
0x20: {  	[tilespmem:$0x2790] =	vst v0  }
0x21: {  	[tilespmem:$0x27A0] =	vst v0  }
0x22: {  	[tilespmem:$0x27B0] =	vst v0  }
0x23: {  	[tilespmem:$0x27C0] =	vst v0  }
0x24: {  	[tilespmem:$0x27D0] =	vst v0  }
0x25: {  	[tilespmem:$0x27E0] =	vst v0  }
0x26: {  	s0 =	simm.s32 @!p0 $0x0;
	s2 =	simm.s32 @!p0 $0x2700;
	[tilespmem:$0x27F0] =	vst v0  }
0x27: {  	[tilespmem:s2], [sflag:$0x3] =	stream.linear.gather @!p0 [hbm4b:s7+s0], $0x80, $0x38;
	[tilespmem:$0xDE80] =	vst v63  }
0x28: {  	s2 =	simm.s32 @!p0 $0x3  }
0x29: {  	_ =	swait.ge @!p0 [sflag:s2], $0x80  }
0x2a: {  	[sflag:s2] =	ssyncset.done @!p0 $0x0  }
0x2b: {  	s13 =	simm.s32 $0x2800;
	[sflag:s2] =	ssyncadd.s32 @!p0 $0xFFFFFF80  }
0x2c: {  	[tilespmem:s13], [sflag:$0x3] =	stream.linear.gather [hbm4b:s12+s4], $0x2700, $0x38;
	[tilespmem:$0xDE80] =	vst v63  }
0x2d: {  	_ =	swait.ge [sflag:s11], $0x2700  }
0x2e: {  	[sflag:s11] =	ssyncset.done $0x0  }
0x2f: {  	[sflag:s11] =	ssyncadd.s32 $0xFFFFD900  }
0x30: {  	[tilespmem:$0x4F00] =	vst v1  }
0x31: {  	[tilespmem:$0x4F10] =	vst v1  }
0x32: {  	[tilespmem:$0x4F20] =	vst v1  }
0x33: {  	[tilespmem:$0x4F30] =	vst v1  }
0x34: {  	[tilespmem:$0x4F40] =	vst v1  }
0x35: {  	[tilespmem:$0x4F50] =	vst v1  }
0x36: {  	[tilespmem:$0x4F60] =	vst v1  }
0x37: {  	[tilespmem:$0x4F70] =	vst v1  }
0x38: {  	[tilespmem:$0x4F80] =	vst v1  }
0x39: {  	[tilespmem:$0x4F90] =	vst v1  }
0x3a: {  	[tilespmem:$0x4FA0] =	vst v1  }
0x3b: {  	[tilespmem:$0x4FB0] =	vst v1  }
0x3c: {  	[tilespmem:$0x4FC0] =	vst v1  }
0x3d: {  	[tilespmem:$0x4FD0] =	vst v1  }
0x3e: {  	[tilespmem:$0x4FE0] =	vst v1  }
0x3f: {  	s13 =	simm.s32 @!p0 $0x4F00;
	[tilespmem:$0x4FF0] =	vst v1  }
0x40: {  	[tilespmem:s13], [sflag:$0x3] =	stream.linear.gather @!p0 [hbm4b:s14+s0], $0x80, $0x38;
	[tilespmem:$0xDE80] =	vst v63  }
0x41: {  	_ =	swait.ge @!p0 [sflag:s2], $0x80  }
0x42: {  	[sflag:s2] =	ssyncset.done @!p0 $0x0  }
0x43: {  	[sflag:s2] =	ssyncadd.s32 @!p0 $0xFFFFFF80  }
0x44: {  	[spmem:s16], [sflag:s15] =	dma.local [hbm:s8], $0x768  }
0x45: {  	_ =	swait.ge [sflag:s11], $0x768  }
0x46: {  	[sflag:s11] =	ssyncset.done $0x0  }
0x47: {  	[sflag:s11] =	ssyncadd.s32 $0xFFFFF898  }
0x48: {  	[spmem:s17], [sflag:s15] =	dma.local [hbm:s9], $0x768  }
0x49: {  	_ =	swait.ge [sflag:s11], $0x768  }
0x4a: {  	[sflag:s11] =	ssyncset.done $0x0  }
0x4b: {  	s28 =	simm.s32 @p1 $0x80;
	[sflag:s11] =	ssyncadd.s32 $0xFFFFF898  }
0x4c: {  	s29 =	simm.s32 @p1 $0x5000;
	s0 =	simm.s32 @p1 $0x0;
	[bflag:$0x0] =	sbarrier.arrive $0xFFFF  }
0x4d: {  	[tilespmem:s29], [sflag:$0x1] =	stream.indirect.gather @p1 [spmem:s3], $0x18, s0, s28, $0xb8;
	[tilespmem:$0xDE80] =	vst v63  }
0x4e: {  	s30 =	simm.s32 @p1 $0x5C00  }
0x4f: {  	[tilespmem:s30], [sflag:$0x2] =	stream.indirect.gather @p1 [spmem:s3], $0x18, s28, s28, $0xb8;
	[tilespmem:$0xDE80] =	vst v63  }
0x50: {  	s31 =	simm.s32 @!p1 $0x80;
	s2 =	simm.s32 @!p1 $0x0;
	s0 =	simm.s32 @!p1 $0x5000  }
0x51: {  	[tilespmem:s0], [sflag:$0x1] =	stream.indirect.gather @!p1 [hbm4b:s5+s31], $0x18, s2, s31, $0xb8;
	[tilespmem:$0xDE80] =	vst v63  }
0x52: {  	s2 =	simm.s32 @!p1 $0x5C00  }
0x53: {  	[tilespmem:s2], [sflag:$0x2] =	stream.indirect.gather @!p1 [hbm4b:s5+s31], $0x18, s31, s31, $0xb8;
	[tilespmem:$0xDE80] =	vst v63  }
0x54: {  	_ =	swait.ge [sflag:s18], $0xC00  }
0x55: {  	[sflag:s18] =	ssyncset.done $0x0  }
0x56: {  	s23 =	simm.s32 $0x2800;
	[sflag:s18] =	ssyncadd.s32 $0xFFFFF400  }
0x57: {  	[spmem:s1] =	stream.indirect.scatter.add.f32 [tilespmem:s20], [sflag:$0x3], $0x18, s23, s19, $0xb8;
	[tilespmem:$0xDE80] =	vst v63  }
0x58: {  	_ =	swait.ge [sflag:s11], $0xC00  }
0x59: {  	[sflag:s11] =	ssyncset.done $0x0  }
0x5a: {  	s13 =	simm.s32 $0x100;
	[sflag:s11] =	ssyncadd.s32 $0xFFFFF400  }
0x5b: {  	[tilespmem:s29], [sflag:$0x1] =	stream.indirect.gather @p1 [spmem:s3], $0x18, s13, s28, $0xb8;
	[tilespmem:$0xDE80] =	vst v63  }
0x5c: {  	_ = 	snop  }
0x5d: {  	[tilespmem:s0], [sflag:$0x1] =	stream.indirect.gather @!p1 [hbm4b:s5+s31], $0x18, s13, s31, $0xb8;
	[tilespmem:$0xDE80] =	vst v63  }
0x5e: {  	_ =	swait.ge [sflag:s21], $0xC00  }
0x5f: {  	[sflag:s21] =	ssyncset.done $0x0  }
0x60: {  	s25 =	simm.s32 $0x2880;
	[sflag:s21] =	ssyncadd.s32 $0xFFFFF400  }
0x61: {  	[spmem:s1] =	stream.indirect.scatter.add.f32 [tilespmem:s22], [sflag:$0x3], $0x18, s25, s19, $0xb8;
	[tilespmem:$0xDE80] =	vst v63  }
0x62: {  	_ =	swait.ge [sflag:s11], $0xC00  }
0x63: {  	[sflag:s11] =	ssyncset.done $0x0  }
0x64: {  	s23 =	simm.s32 $0x180;
	s13 =	simm.s32 $0x400;
	[sflag:s11] =	ssyncadd.s32 $0xFFFFF400  }
0x65: {  	[tilespmem:s30], [sflag:$0x2] =	stream.indirect.gather @p1 [spmem:s3], $0x18, s23, s28, $0xb8;
	[tilespmem:$0xDE80] =	vst v63  }
.LBB2_2:
0x66: {  	[tilespmem:s2], [sflag:$0x2] =	stream.indirect.gather @!p1 [hbm4b:s5+s31], $0x18, s23, s31, $0xb8;
	[tilespmem:$0xDE80] =	vst v63  }
0x67: {  	s23 =	smov.u32 s13;
	s13 =	sadd.s32 $0x400, s13;
	_ =	swait.ge [sflag:s18], $0xC00  }
0x68: {  	s23 =	sshra.s32 s23, $0x2;
	p2 =	sne.s32 s13, $0x9C00;
	[sflag:s18] =	ssyncset.done $0x0  }
0x69: {  	s25 =	sadd.s32 $0x2800, s23;
	[sflag:s18] =	ssyncadd.s32 $0xFFFFF400  }
0x6a: {  	[spmem:s1] =	stream.indirect.scatter.add.f32 [tilespmem:s20], [sflag:$0x3], $0x18, s25, s19, $0xb8;
	[tilespmem:$0xDE80] =	vst v63  }
0x6b: {  	_ =	swait.ge [sflag:s11], $0xC00  }
0x6c: {  	[sflag:s11] =	ssyncset.done $0x0  }
0x6d: {  	s25 =	sadd.s32 $0x100, s23;
	[sflag:s11] =	ssyncadd.s32 $0xFFFFF400  }
0x6e: {  	[tilespmem:s29], [sflag:$0x1] =	stream.indirect.gather @p1 [spmem:s3], $0x18, s25, s28, $0xb8;
	[tilespmem:$0xDE80] =	vst v63  }
0x6f: {  	_ = 	snop  }
0x70: {  	[tilespmem:s0], [sflag:$0x1] =	stream.indirect.gather @!p1 [hbm4b:s5+s31], $0x18, s25, s31, $0xb8;
	[tilespmem:$0xDE80] =	vst v63  }
0x71: {  	_ =	swait.ge [sflag:s21], $0xC00  }
0x72: {  	[sflag:s21] =	ssyncset.done $0x0  }
0x73: {  	s25 =	sadd.s32 $0x2880, s23;
	[sflag:s21] =	ssyncadd.s32 $0xFFFFF400  }
0x74: {  	[spmem:s1] =	stream.indirect.scatter.add.f32 [tilespmem:s22], [sflag:$0x3], $0x18, s25, s19, $0xb8;
	[tilespmem:$0xDE80] =	vst v63  }
.Ltmp0:
0x75: {  	_ = 	snop;
	(pc) =	sbr.rel @p2 .LBB2_2-.Ltmp0, $4  }
0x76: {  	_ =	swait.ge [sflag:s11], $0xC00  }
0x77: {  	[sflag:s11] =	ssyncset.done $0x0  }
0x78: {  	s23 =	sadd.s32 $0x180, s23;
	[sflag:s11] =	ssyncadd.s32 $0xFFFFF400  }
0x79: {  	[tilespmem:s30], [sflag:$0x2] =	stream.indirect.gather @p1 [spmem:s3], $0x18, s23, s28, $0xb8;
	[tilespmem:$0xDE80] =	vst v63  }
0x7a: {  	[tilespmem:s2], [sflag:$0x2] =	stream.indirect.gather @!p1 [hbm4b:s5+s31], $0x18, s23, s31, $0xb8;
	[tilespmem:$0xDE80] =	vst v63  }
0x7b: {  	_ =	swait.ge [sflag:s18], $0xC00  }
0x7c: {  	[sflag:s18] =	ssyncset.done $0x0  }
0x7d: {  	s0 =	simm.s32 $0x4F00;
	[sflag:s18] =	ssyncadd.s32 $0xFFFFF400  }
0x7e: {  	[spmem:s1] =	stream.indirect.scatter.add.f32 [tilespmem:s20], [sflag:$0x3], $0x18, s0, s19, $0xb8;
	[tilespmem:$0xDE80] =	vst v63  }
0x7f: {  	_ =	swait.ge [sflag:s11], $0xC00  }
0x80: {  	[sflag:s11] =	ssyncset.done $0x0  }
0x81: {  	[sflag:s11] =	ssyncadd.s32 $0xFFFFF400  }
0x82: {  	_ =	swait.ge [sflag:s21], $0xC00  }
0x83: {  	[sflag:s21] =	ssyncset.done $0x0  }
0x84: {  	s31 =	simm.s32 $0x4F80;
	[sflag:s21] =	ssyncadd.s32 $0xFFFFF400  }
0x85: {  	[spmem:s1] =	stream.indirect.scatter.add.f32 [tilespmem:s22], [sflag:$0x3], $0x18, s31, s19, $0xb8;
	[tilespmem:$0xDE80] =	vst v63  }
0x86: {  	_ =	swait.ge [sflag:s11], $0xC00  }
0x87: {  	s26 =	sadd.s32 $0x1, s26;
	[sflag:s11] =	ssyncset.done $0x0  }
0x88: {  	p2 =	sne.s32 s26, s10;
	[sflag:s11] =	ssyncadd.s32 $0xFFFFF400  }
.Ltmp1:
0x89: {  	[bflag:$0x0] =	sbarrier.arrive $0xFFFF;
	(pc) =	sbr.rel @p2 .LBB2_1-.Ltmp1, $4  }
0x8a: {  	[hbm:s24], [sflag:s15] =	dma.local [spmem:s16], $0x768  }
0x8b: {  	_ =	swait.ge [sflag:s11], $0x768  }
0x8c: {  	[sflag:s11] =	ssyncset.done $0x0  }
0x8d: {  	[sflag:s11] =	ssyncadd.s32 $0xFFFFF898  }
0x8e: {  	_ =	sfence.sel $0x180000  }
0x8f: {  	[bflag:$0x0] =	sbarrier.arrive $0xFFFF  }
0x90: {  	_ =	strace $0x9000004A  }
0x91: {  	s0 =	stileid.u32;
	[bflag:$0x2] =	sbarrier.arrive $0xFFFF  }
0x92: {  	p0 =	sne.s32 s0, $0x0;
	s0 =	rddreg [dreg:$0x3]  }
0x93: {  	s0 =	sadd.s32 @!p0 $0x100000, s0  }
0x94: {  	[sflag:s0] =	ssyncadd.tile.s32 @!p0 $0x1;
	_ =	shalt  }
.Lfunc_end2:
_tile_overlayer_lowered:
.L_overlay_start_2:
0x95: {  	(tag) =	ssettag $0x2  }
0x96: {  	s0 =	rddreg [dreg:$0x0];
	s2 =	stileid.u32  }
0x97: {  	s1 =	rddreg [dreg:$0x1];
	p0 =	sne.s32 s2, $0x0  }
0x98: {  	s3 =	rddreg [dreg:$0x2];
	[bflag:$0x3] =	sbarrier.arrive $0xFFFF;
	s2 =	simm.s32 @!p0 $0x1C03  }
0x99: {  	[timem:s3], [sflag:s2] =	dma.local @!p0 [hbm:s0], s1  }
0x9a: {  	s0 =	simm.s32 @!p0 $0x3  }
0x9b: {  	_ =	swait.ge @!p0 [sflag:s0], s1  }
0x9c: {  	s1 =	ssub.s32 @!p0 $0x0, s1;
	[sflag:s0] =	ssyncset.done @!p0 $0x0  }
0x9d: {  	[sflag:s0] =	ssyncadd.s32 @!p0 s1  }
0x9e: {  	[bflag:$0x3] =	sbarrier.arrive $0xFFFF  }
0x9f: {  	_ =	shalt  }

// kernel: kernel.15.cloned.1.call-start
scs
__scs_entry_jumppad:
0x0: {  	(pc) =	sbr.rel $0x88, $3  }
0x1: {  	(tag) =	ssettag $0x0;
	lr =	simm.s32 $0x1  }
0x2: {  	[smem:$0x3F9D] =	sst lr;
	_ =	strace $0xD0000000  }
0x3: {  	_ = 	snop  }
0x4: {  	_ = 	snop  }
0x5: {  	_ = 	snop  }
0x6: {  	_ = 	snop  }
0x7: {  	_ = 	snop  }
__scs_overlays_trampoline_lowered:
0x8: {  	[smem:$0x3FAC] =	sst s0  }
0x9: {  	[smem:$0x3FAD] =	sst s1  }
0xa: {  	[smem:$0x3FAE] =	sst s2  }
0xb: {  	[smem:$0x3FAF] =	sst s3  }
0xc: {  	[smem:$0x3FB0] =	sst s4  }
0xd: {  	[smem:$0x3FB1] =	sst s5  }
0xe: {  	[smem:$0x3FB2] =	sst s6  }
0xf: {  	[smem:$0x3FB3] =	sst s7  }
0x10: {  	[smem:$0x3FB4] =	sst s8  }
0x11: {  	[smem:$0x3FB5] =	sst s9;
	s0 =	simm.s32 @!p0 $0x0  }
0x12: {  	s1 =	sld [smem:$0x3F9B];
	s0 =	simm.s32 @p0 $0x1  }
0x13: {  	[smem:$0x3FB6] =	sst s0;
	s0 =	simm.s32 @!p1 $0x0  }
0x14: {  	s2 =	sld [smem:$0x3F9A];
	s0 =	simm.s32 @p1 $0x1  }
0x15: {  	[smem:$0x3FB7] =	sst s0;
	s0 =	simm.s32 @!p2 $0x0  }
0x16: {  	s3 =	sld [smem:$0x3FDB];
	s0 =	simm.s32 @p2 $0x1  }
0x17: {  	s4 =	simm.s32 $0x1BF5;
	[smem:$0x3FB9] =	sst s0  }
0x18: {  	s0 =	sld [smem:$0x3F9C];
	_ =	swait.ge [sflag:s4], $0x0  }
0x19: {  	s7 =	sld [smem:$0x3F9D]  }
0x1a: {  	s8 =	sadd.s32 $0xFFFFE003, lr  }
0x1b: {  	s9 =	sadd.s32 $0xFFFFFEF7, lr;
	s5 =	simm.s32 $0xFFFFFFFF;
	p2 =	slt.u32 s8, $0xFFFFF086  }
0x1c: {  	p1 =	slt.u32 s9, $0xF7A;
	s5 =	simm.s32 @!p2 $0x0  }
0x1d: {  	s5 =	simm.s32 @p1 $0x1;
	p0 =	seq.s32 s7, s2  }
0x1e: {  	s7 =	smul.u32 @!p0 $0xF7A, s2;
	p2 =	seq.s32 @!p0 s5, $0x0  }
0x1f: {  	s9 =	smul.u32 $0xF7A, s1;
	s8 =	simm.s32 @!p0 $0x1BF5;
	p2 =	por !p2, p0  }
0x20: {  	[sflag:s8] =	ssyncset.s32 @!p0 $0xFFFFF086;
	s6 =	sadd.s32 @!p0 s3, s7;
	s7 =	simm.s32 @!p0 $0x108  }
0x21: {  	s3 =	sadd.s32 s3, s9;
	s6 =	sadd.s32 @!p0 $0x88, s6;
	s7 =	simm.s32 @p2 $0x1082  }
0x22: {  	[simem:s7], [sflag:s8] =	dma.local @!p0 [hbm:s6], $0xF7A  }
0x23: {  	s9 =	sor.u32 $0xD0000000, s2;
	s6 =	simm.s32 $0x108;
	_ =	swait.ge @!p0 [sflag:s8], $0x0  }
0x24: {  	s3 =	sadd.s32 $0x88, s3;
	s6 =	simm.s32 @!p1 $0x1082;
	[sflag:s4] =	ssyncset.s32 $0xFFFFF086  }
0x25: {  	[simem:s6], [sflag:s4] =	dma.local [hbm:s3], $0xF7A  }
0x26: {  	[smem:$0x3F9D] =	sst s1;
	(tag) =	ssettag s2;
	_ =	strace s9  }
0x27: {  	s1 =	sld [smem:$0x3FAD]  }
0x28: {  	s2 =	sld [smem:$0x3FAE]  }
0x29: {  	s4 =	sld [smem:$0x3FB0]  }
0x2a: {  	p0 =	seq.s32 s5, $0x0;
	s5 =	sld [smem:$0x3FB1]  }
0x2b: {  	s6 =	sld [smem:$0x3FB2]  }
0x2c: {  	s7 =	sld [smem:$0x3FB3]  }
0x2d: {  	s3 =	simm.s32 $0x108;
	s8 =	sld [smem:$0x3FB4]  }
0x2e: {  	s3 =	simm.s32 @!p0 $0x1082;
	s9 =	sld [smem:$0x3FB5]  }
0x2f: {  	lr =	sadd.s32 s0, s3;
	s0 =	sld [smem:$0x3FAC]  }
0x30: {  	s3 =	sld [smem:$0x3FAF]  }
0x31: {  	[smem:$0x3FB8] =	sst s10  }
0x32: {  	s10 =	sld [smem:$0x3FB6];
	_ =	sdelay $0x3  }
0x33: {  	p0 =	seq.s32 s10, $0x1;
	s10 =	sld [smem:$0x3FB8];
	_ =	sdelay $0x3  }
0x34: {  	[smem:$0x3FB8] =	sst s10  }
0x35: {  	s10 =	sld [smem:$0x3FB7];
	_ =	sdelay $0x3  }
0x36: {  	p1 =	seq.s32 s10, $0x1;
	s10 =	sld [smem:$0x3FB8];
	_ =	sdelay $0x3  }
0x37: {  	[smem:$0x3FB8] =	sst s10  }
0x38: {  	s10 =	sld [smem:$0x3FB9]  }
0x39: {  	_ = 	snop;
	(pc) =	sbr.ind lr, $3  }
0x3a: {  	_ = 	snop  }
0x3b: {  	_ = 	snop  }
0x3c: {  	p2 =	seq.s32 s10, $0x1;
	s10 =	sld [smem:$0x3FB8]  }
0x3d: {  	_ =	shalt  }
0x3e: {  	_ =	shalt  }
0x3f: {  	_ =	shalt  }
0x40: {  	_ =	shalt  }
0x41: {  	_ =	shalt  }
0x42: {  	_ =	shalt  }
0x43: {  	_ =	shalt  }
0x44: {  	_ =	shalt  }
0x45: {  	_ =	shalt  }
0x46: {  	_ =	shalt  }
0x47: {  	_ =	shalt  }
0x48: {  	_ =	shalt  }
0x49: {  	_ =	shalt  }
0x4a: {  	_ =	shalt  }
0x4b: {  	_ =	shalt  }
0x4c: {  	_ =	shalt  }
0x4d: {  	_ =	shalt  }
0x4e: {  	_ =	shalt  }
0x4f: {  	_ =	shalt  }
0x50: {  	_ =	shalt  }
0x51: {  	_ =	shalt  }
0x52: {  	_ =	shalt  }
0x53: {  	_ =	shalt  }
0x54: {  	_ =	shalt  }
0x55: {  	_ =	shalt  }
0x56: {  	_ =	shalt  }
0x57: {  	_ =	shalt  }
0x58: {  	_ =	shalt  }
0x59: {  	_ =	shalt  }
0x5a: {  	_ =	shalt  }
0x5b: {  	_ =	shalt  }
0x5c: {  	_ =	shalt  }
0x5d: {  	_ =	shalt  }
0x5e: {  	_ =	shalt  }
0x5f: {  	_ =	shalt  }
0x60: {  	_ =	shalt  }
0x61: {  	_ =	shalt  }
0x62: {  	_ =	shalt  }
0x63: {  	_ =	shalt  }
0x64: {  	_ =	shalt  }
0x65: {  	_ =	shalt  }
0x66: {  	_ =	shalt  }
0x67: {  	_ =	shalt  }
0x68: {  	_ =	shalt  }
0x69: {  	_ =	shalt  }
0x6a: {  	_ =	shalt  }
0x6b: {  	_ =	shalt  }
0x6c: {  	_ =	shalt  }
0x6d: {  	_ =	shalt  }
0x6e: {  	_ =	shalt  }
0x6f: {  	_ =	shalt  }
0x70: {  	_ =	shalt  }
0x71: {  	_ =	shalt  }
0x72: {  	_ =	shalt  }
0x73: {  	_ =	shalt  }
0x74: {  	_ =	shalt  }
0x75: {  	_ =	shalt  }
0x76: {  	_ =	shalt  }
0x77: {  	_ =	shalt  }
0x78: {  	_ =	shalt  }
0x79: {  	_ =	shalt  }
0x7a: {  	_ =	shalt  }
0x7b: {  	_ =	shalt  }
0x7c: {  	_ =	shalt  }
0x7d: {  	_ =	shalt  }
0x7e: {  	_ =	shalt  }
0x7f: {  	_ =	shalt  }
0x80: {  	_ =	shalt  }
0x81: {  	_ =	shalt  }
0x82: {  	_ =	shalt  }
0x83: {  	_ =	shalt  }
0x84: {  	_ =	shalt  }
0x85: {  	_ =	shalt  }
0x86: {  	_ =	shalt  }
0x87: {  	_ =	shalt  }
.Lfunc_end0:
.L_simem_size_0:
called_computation.2_lowered:
.L_overlay_start_0:
0x88: {  	s2 =	sld [smem:$0x3FD9]  }
0x89: {  	s3 =	sld [smem:$0x3FFE];
	_ =	sdelay $0x1  }
0x8a: {  	s1 =	srdreg.scid  }
0x8b: {  	s0 =	sand.u32 $0x1, s1  }
0x8c: {  	s16 =	sshll.u32 s0, $0xA;
	s2 =	sadd.s32 s3, s2  }
0x8d: {  	s2 =	sadd.s32 s2, s16  }
0x8e: {  	[smem:$0x3FC4] =	sst s2  }
0x8f: {  	_ = 	snop  }
0x90: {  	(tm) =	ssettm $0x1  }
0x91: {  	s17 =	sld [smem:$0x3FFB];
	_ =	sdelay $0x3  }
0x92: {  	_ =	strace s17  }
0x93: {  	s2 =	sld [smem:$0x3FFC];
	_ =	sdelay $0x3  }
0x94: {  	_ =	strace s2  }
0x95: {  	s2 =	sld [smem:$0x3FFD];
	_ =	sdelay $0x3  }
0x96: {  	_ =	strace s2  }
0x97: {  	_ =	strace $0x8FFFFFFF  }
0x98: {  	s18 =	sld [smem:$0x3FDB];
	_ =	sdelay $0x1  }
0x99: {  	s19 =	simm.s32 $_scs_section_size  }
0x9a: {  	s4 =	simm.s32 $_size__tile_overlayer_lowered;
	s5 =	simm.s32 $_tile_overlayer_lowered  }
0x9b: {  	s22 =	simm.s32 $0x1BFF;
	s21 =	sshll.u32 s5, $0x1;
	s2 =	sadd.s32 s19, s18  }
0x9c: {  	s6 =	simm.s32 $0x0;
	s20 =	sshll.u32 s4, $0x1;
	s4 =	sadd.s32 s21, s2  }
0x9d: {  	[timem:s6], [sflag:s22] =	dma.local [hbm:s4], s20  }
0x9e: {  	_ =	swait.ge [sflag:s22], s20  }
0x9f: {  	s3 =	ssub.s32 $0x0, s20;
	[sflag:s22] =	ssyncset.done $0x0  }
0xa0: {  	[sflag:s22] =	ssyncadd.s32 s3;
	_ =	sdelay $0x1  }
0xa1: {  	s23 =	simm.s32 $0x1B8B  }
0xa2: {  	_ =	swait.ge [sflag:s23], $0x1  }
0xa3: {  	[sflag:s23] =	ssyncset.done $0x0  }
0xa4: {  	s25 =	simm.s32 $0x1B8E;
	s24 =	sld [smem:$0x3FFE];
	[sflag:s23] =	ssyncadd.s32 $0xFFFFFFFF  }
0xa5: {  	s26 =	simm.s32 $execute0_lowered;
	[smem:$0x3FD2] =	sst s25  }
0xa6: {  	s4 =	sshll.u32 s26, $0x1;
	_ =	strace $0x8000004C;
	[dreg:$0x1] =	wrdreg $0xFFFFFFFF  }
0xa7: {  	s28 =	simm.s32 $_size_execute0_lowered;
	s2 =	sadd.s32 s2, s4;
	[dreg:$0x0] =	wrdreg $0x0  }
0xa8: {  	s4 =	sshll.u32 s28, $0x1;
	[dreg:$0x2] =	wrdreg s2  }
0xa9: {  	[dreg:$0x3] =	wrdreg s4  }
0xaa: {  	[dreg:$0x4] =	wrdreg $0xC0  }
0xab: {  	_ =	task [dreg:s6], $0x5FFFF  }
0xac: {  	[dreg:$0x1] =	wrdreg $0xFFFFFFFF  }
0xad: {  	[dreg:$0x0] =	wrdreg $0x60  }
0xae: {  	[dreg:$0x2] =	wrdreg s24  }
0xaf: {  	[dreg:$0x3] =	wrdreg $0x58000  }
0xb0: {  	[dreg:$0x4] =	wrdreg $0x6BC00  }
0xb1: {  	[dreg:$0x5] =	wrdreg $0x9  }
0xb2: {  	_ =	task.clear_ibuf [dreg:s6], $0x6FFFF;
	_ =	strace $0x9000004C  }
0xb3: {  	s29 =	simm.s32 $0x9;
	_ =	strace $0x8000004E  }
0xb4: {  	_ =	swait.ge [sflag:s29], $0x1  }
0xb5: {  	[sflag:s29] =	ssyncadd.s32 $0xFFFFFFFF  }
0xb6: {  	_ =	strace $0x9000004E  }
0xb7: {  	_ =	sfence  }
0xb8: {  	s30 =	sld [smem:$0x0];
	_ =	sdelay $0x2  }
0xb9: {  	s31 =	sshll.u32 s1, $0xD;
	s1 =	sshrl.u32 s1, $0x2  }
0xba: {  	s3 =	sand.u32 $0x4000, s31;
	s1 =	sadd.s32 s1, s30  }
0xbb: {  	s0 =	sor.u32 s3, s0;
	s1 =	sshll.u32 s1, $0x11  }
0xbc: {  	s0 =	sor.u32 s1, s0  }
0xbd: {  	s0 =	sadd.s32 $0x8F2B, s0  }
0xbe: {  	[sflag:s0] =	ssyncadd.remote.s32 $0x1  }
0xbf: {  	_ =	sfence.sel $0xFFFF  }
0xc0: {  	[dreg:$0x0] =	wrdreg $0xFFFFFFFF;
	(pc) =	sbr.abs _section_cstart, $3  }
0xc1: {  	[dreg:$0x1] =	wrdreg $0xFFFFFFFF  }
0xc2: {  	_ =	task.clear_ibuf [dreg:s6], $0x2FFFF;
	_ =	strace $0x9FFFFFFF  }
0xc3: {  	(tm) =	ssettm $0x7FFFFFFF  }
tec
execute0_lowered:
.L_overlay_start_1:
0x0: {  	(tag) =	ssettag $0x1  }
0x1: {  	s0 =	rddreg [dreg:$0x0]  }
0x2: {  	s1 =	rddreg [dreg:$0x1]  }
0x3: {  	s2 =	rddreg [dreg:$0x2];
	s4 =	simm.s32 $0x0  }
0x4: {  	s18 =	stileid.u32;
	s6 =	srdreg.scid;
	s19 =	simm.s32 $0x80  }
0x5: {  	s20 =	simm.s32 $0x5000;
	s21 =	simm.s32 $0x2;
	s22 =	simm.s32 $0x5400  }
0x6: {  	s26 =	simm.s32 $0x0;
	[smem:$0x7FF] =	sst s4;
	s3 =	sadd.s32 $0x1A00, s0  }
0x7: {  	s9 =	smul.u32 $0x13C0, s18;
	s5 =	sadd.s32 $0x17C00, s0;
	s6 =	sand.u32 $0x1, s6  }
0x8: {  	s7 =	sshll.u32 s18, $0x1;
	p0 =	sgt.u32 s18, $0x1;
	s31 =	sshll.u32 s18, $0x6  }
0x9: {  	s18 =	simm.s32 $0x1;
	_ =	strace $0x8000004D;
	s8 =	smul.u32 $0x2780, s6  }
0xa: {  	s7 =	sor.u32 s6, s7;
	s6 =	ssub.s32 $0x2, s6;
	s13 =	sshrl.u32 s9, $0x3  }
0xb: {  	s12 =	smul.u32 $0x4E0, s7;
	s30 =	sshrl.u32 s6, $0x1;
	s14 =	sshll.u32 s7, $0x4  }
0xc: {  	s16 =	sadd.s32 s9, s1;
	s17 =	sadd.s32 s9, s2;
	s10 =	sadd.s32 s13, s0  }
0xd: {  	s11 =	sadd.s32 s8, s0;
	s15 =	ssub.s32 s6, s30;
	s0 =	sadd.s32 $0xB640, s0  }
0xe: {  	s9 =	sadd.s32 s5, s13;
	s16 =	sshrl.u32 s16, $0x3;
	s17 =	sshrl.u32 s17, $0x3  }
0xf: {  	s6 =	sadd.s32 s3, s12;
	s3 =	sadd.s32 s14, s3;
	s8 =	sadd.s32 $0x15400, s10  }
0x10: {  	s23 =	sadd.s32 $0x1A400, s11;
	s10 =	smax.u32 s15, $0x1;
	s11 =	simm.s32 $0x3  }
0x11: {  	s12 =	sadd.s32 s12, s0;
	s7 =	sadd.s32 $0x9C00, s3;
	s3 =	sor.u32 $0x9C00, s14  }
0x12: {  	v0 =	vimm.s32 $0x0;
	v1 =	vimm.s32 $0x2710;
	s15 =	sor.u32 $0x1C03, s31;
	s24 =	sadd.s32 s13, s23;
	s14 =	sadd.s32 @!p0 s0, s3  }
.LBB2_1:
0x13: {  	[tilespmem:s4], [sflag:$0x3] =	stream.linear.gather [hbm4b:s6+s4], $0x2700, $0x38;
	[tilespmem:$0x7F80] =	vst v63  }
0x14: {  	_ =	swait.ge [sflag:s11], $0x2700  }
0x15: {  	[sflag:s11] =	ssyncset.done $0x0  }
0x16: {  	[sflag:s11] =	ssyncadd.s32 $0xFFFFD900  }
0x17: {  	[tilespmem:$0x2700] =	vst v0  }
0x18: {  	[tilespmem:$0x2710] =	vst v0  }
0x19: {  	[tilespmem:$0x2720] =	vst v0  }
0x1a: {  	[tilespmem:$0x2730] =	vst v0  }
0x1b: {  	[tilespmem:$0x2740] =	vst v0  }
0x1c: {  	[tilespmem:$0x2750] =	vst v0  }
0x1d: {  	[tilespmem:$0x2760] =	vst v0  }
0x1e: {  	[tilespmem:$0x2770] =	vst v0  }
0x1f: {  	[tilespmem:$0x2780] =	vst v0  }
0x20: {  	[tilespmem:$0x2790] =	vst v0  }
0x21: {  	[tilespmem:$0x27A0] =	vst v0  }
0x22: {  	[tilespmem:$0x27B0] =	vst v0  }
0x23: {  	[tilespmem:$0x27C0] =	vst v0  }
0x24: {  	[tilespmem:$0x27D0] =	vst v0  }
0x25: {  	[tilespmem:$0x27E0] =	vst v0  }
0x26: {  	s3 =	simm.s32 @!p0 $0x0;
	s0 =	simm.s32 @!p0 $0x2700;
	[tilespmem:$0x27F0] =	vst v0  }
0x27: {  	[tilespmem:s0], [sflag:$0x3] =	stream.linear.gather @!p0 [hbm4b:s7+s3], $0x80, $0x38;
	[tilespmem:$0x7F80] =	vst v63  }
0x28: {  	s0 =	simm.s32 @!p0 $0x3  }
0x29: {  	_ =	swait.ge @!p0 [sflag:s0], $0x80  }
0x2a: {  	[sflag:s0] =	ssyncset.done @!p0 $0x0  }
0x2b: {  	s13 =	simm.s32 $0x2800;
	[sflag:s0] =	ssyncadd.s32 @!p0 $0xFFFFFF80  }
0x2c: {  	[tilespmem:s13], [sflag:$0x3] =	stream.linear.gather [hbm4b:s12+s4], $0x2700, $0x38;
	[tilespmem:$0x7F80] =	vst v63  }
0x2d: {  	_ =	swait.ge [sflag:s11], $0x2700  }
0x2e: {  	[sflag:s11] =	ssyncset.done $0x0  }
0x2f: {  	[sflag:s11] =	ssyncadd.s32 $0xFFFFD900  }
0x30: {  	[tilespmem:$0x4F00] =	vst v1  }
0x31: {  	[tilespmem:$0x4F10] =	vst v1  }
0x32: {  	[tilespmem:$0x4F20] =	vst v1  }
0x33: {  	[tilespmem:$0x4F30] =	vst v1  }
0x34: {  	[tilespmem:$0x4F40] =	vst v1  }
0x35: {  	[tilespmem:$0x4F50] =	vst v1  }
0x36: {  	[tilespmem:$0x4F60] =	vst v1  }
0x37: {  	[tilespmem:$0x4F70] =	vst v1  }
0x38: {  	[tilespmem:$0x4F80] =	vst v1  }
0x39: {  	[tilespmem:$0x4F90] =	vst v1  }
0x3a: {  	[tilespmem:$0x4FA0] =	vst v1  }
0x3b: {  	[tilespmem:$0x4FB0] =	vst v1  }
0x3c: {  	[tilespmem:$0x4FC0] =	vst v1  }
0x3d: {  	[tilespmem:$0x4FD0] =	vst v1  }
0x3e: {  	[tilespmem:$0x4FE0] =	vst v1  }
0x3f: {  	s13 =	simm.s32 @!p0 $0x4F00;
	[tilespmem:$0x4FF0] =	vst v1  }
0x40: {  	[tilespmem:s13], [sflag:$0x3] =	stream.linear.gather @!p0 [hbm4b:s14+s3], $0x80, $0x38;
	[tilespmem:$0x7F80] =	vst v63  }
0x41: {  	_ =	swait.ge @!p0 [sflag:s0], $0x80  }
0x42: {  	[sflag:s0] =	ssyncset.done @!p0 $0x0  }
0x43: {  	[sflag:s0] =	ssyncadd.s32 @!p0 $0xFFFFFF80  }
0x44: {  	[spmem:s16], [sflag:s15] =	dma.local [hbm:s8], $0x278  }
0x45: {  	_ =	swait.ge [sflag:s11], $0x278  }
0x46: {  	[sflag:s11] =	ssyncset.done $0x0  }
0x47: {  	[sflag:s11] =	ssyncadd.s32 $0xFFFFFD88  }
0x48: {  	[spmem:s17], [sflag:s15] =	dma.local [hbm:s9], $0x278  }
0x49: {  	_ =	swait.ge [sflag:s11], $0x278  }
0x4a: {  	[sflag:s11] =	ssyncset.done $0x0  }
0x4b: {  	s28 =	simm.s32 @p0 $0x80;
	[sflag:s11] =	ssyncadd.s32 $0xFFFFFD88  }
0x4c: {  	s29 =	simm.s32 @p0 $0x5000;
	s0 =	simm.s32 @p0 $0x0;
	[bflag:$0x0] =	sbarrier.arrive $0xFFFF  }
0x4d: {  	[tilespmem:s29], [sflag:$0x1] =	stream.indirect.gather @p0 [spmem:s2], $0x8, s0, s28, $0xb8;
	[tilespmem:$0x7F80] =	vst v63  }
0x4e: {  	s30 =	simm.s32 @p0 $0x5400  }
0x4f: {  	[tilespmem:s30], [sflag:$0x2] =	stream.indirect.gather @p0 [spmem:s2], $0x8, s28, s28, $0xb8;
	[tilespmem:$0x7F80] =	vst v63  }
0x50: {  	s31 =	simm.s32 @!p0 $0x80;
	s0 =	simm.s32 @!p0 $0x5000  }
0x51: {  	[tilespmem:s0], [sflag:$0x1] =	stream.indirect.gather @!p0 [hbm4b:s5+s31], $0x8, s3, s31, $0xb8;
	[tilespmem:$0x7F80] =	vst v63  }
0x52: {  	s3 =	simm.s32 @!p0 $0x5400  }
0x53: {  	[tilespmem:s3], [sflag:$0x2] =	stream.indirect.gather @!p0 [hbm4b:s5+s31], $0x8, s31, s31, $0xb8;
	[tilespmem:$0x7F80] =	vst v63  }
0x54: {  	_ =	swait.ge [sflag:s18], $0x400  }
0x55: {  	[sflag:s18] =	ssyncset.done $0x0  }
0x56: {  	s23 =	simm.s32 $0x2800;
	[sflag:s18] =	ssyncadd.s32 $0xFFFFFC00  }
0x57: {  	[spmem:s1] =	stream.indirect.scatter.add.f32 [tilespmem:s20], [sflag:$0x3], $0x8, s23, s19, $0xb8;
	[tilespmem:$0x7F80] =	vst v63  }
0x58: {  	_ =	swait.ge [sflag:s11], $0x400  }
0x59: {  	[sflag:s11] =	ssyncset.done $0x0  }
0x5a: {  	s13 =	simm.s32 $0x100;
	[sflag:s11] =	ssyncadd.s32 $0xFFFFFC00  }
0x5b: {  	[tilespmem:s29], [sflag:$0x1] =	stream.indirect.gather @p0 [spmem:s2], $0x8, s13, s28, $0xb8;
	[tilespmem:$0x7F80] =	vst v63  }
0x5c: {  	_ = 	snop  }
0x5d: {  	[tilespmem:s0], [sflag:$0x1] =	stream.indirect.gather @!p0 [hbm4b:s5+s31], $0x8, s13, s31, $0xb8;
	[tilespmem:$0x7F80] =	vst v63  }
0x5e: {  	_ =	swait.ge [sflag:s21], $0x400  }
0x5f: {  	[sflag:s21] =	ssyncset.done $0x0  }
0x60: {  	s25 =	simm.s32 $0x2880;
	[sflag:s21] =	ssyncadd.s32 $0xFFFFFC00  }
0x61: {  	[spmem:s1] =	stream.indirect.scatter.add.f32 [tilespmem:s22], [sflag:$0x3], $0x8, s25, s19, $0xb8;
	[tilespmem:$0x7F80] =	vst v63  }
0x62: {  	_ =	swait.ge [sflag:s11], $0x400  }
0x63: {  	[sflag:s11] =	ssyncset.done $0x0  }
0x64: {  	s23 =	simm.s32 $0x180;
	s13 =	simm.s32 $0x400;
	[sflag:s11] =	ssyncadd.s32 $0xFFFFFC00  }
0x65: {  	[tilespmem:s30], [sflag:$0x2] =	stream.indirect.gather @p0 [spmem:s2], $0x8, s23, s28, $0xb8;
	[tilespmem:$0x7F80] =	vst v63  }
.LBB2_2:
0x66: {  	[tilespmem:s3], [sflag:$0x2] =	stream.indirect.gather @!p0 [hbm4b:s5+s31], $0x8, s23, s31, $0xb8;
	[tilespmem:$0x7F80] =	vst v63  }
0x67: {  	s23 =	smov.u32 s13;
	s13 =	sadd.s32 $0x400, s13;
	_ =	swait.ge [sflag:s18], $0x400  }
0x68: {  	s23 =	sshra.s32 s23, $0x2;
	p1 =	sne.s32 s13, $0x9C00;
	[sflag:s18] =	ssyncset.done $0x0  }
0x69: {  	s25 =	sadd.s32 $0x2800, s23;
	[sflag:s18] =	ssyncadd.s32 $0xFFFFFC00  }
0x6a: {  	[spmem:s1] =	stream.indirect.scatter.add.f32 [tilespmem:s20], [sflag:$0x3], $0x8, s25, s19, $0xb8;
	[tilespmem:$0x7F80] =	vst v63  }
0x6b: {  	_ =	swait.ge [sflag:s11], $0x400  }
0x6c: {  	[sflag:s11] =	ssyncset.done $0x0  }
0x6d: {  	s25 =	sadd.s32 $0x100, s23;
	[sflag:s11] =	ssyncadd.s32 $0xFFFFFC00  }
0x6e: {  	[tilespmem:s29], [sflag:$0x1] =	stream.indirect.gather @p0 [spmem:s2], $0x8, s25, s28, $0xb8;
	[tilespmem:$0x7F80] =	vst v63  }
0x6f: {  	_ = 	snop  }
0x70: {  	[tilespmem:s0], [sflag:$0x1] =	stream.indirect.gather @!p0 [hbm4b:s5+s31], $0x8, s25, s31, $0xb8;
	[tilespmem:$0x7F80] =	vst v63  }
0x71: {  	_ =	swait.ge [sflag:s21], $0x400  }
0x72: {  	[sflag:s21] =	ssyncset.done $0x0  }
0x73: {  	s25 =	sadd.s32 $0x2880, s23;
	[sflag:s21] =	ssyncadd.s32 $0xFFFFFC00  }
0x74: {  	[spmem:s1] =	stream.indirect.scatter.add.f32 [tilespmem:s22], [sflag:$0x3], $0x8, s25, s19, $0xb8;
	[tilespmem:$0x7F80] =	vst v63  }
.Ltmp0:
0x75: {  	_ = 	snop;
	(pc) =	sbr.rel @p1 .LBB2_2-.Ltmp0, $4  }
0x76: {  	_ =	swait.ge [sflag:s11], $0x400  }
0x77: {  	[sflag:s11] =	ssyncset.done $0x0  }
0x78: {  	s23 =	sadd.s32 $0x180, s23;
	[sflag:s11] =	ssyncadd.s32 $0xFFFFFC00  }
0x79: {  	[tilespmem:s30], [sflag:$0x2] =	stream.indirect.gather @p0 [spmem:s2], $0x8, s23, s28, $0xb8;
	[tilespmem:$0x7F80] =	vst v63  }
0x7a: {  	[tilespmem:s3], [sflag:$0x2] =	stream.indirect.gather @!p0 [hbm4b:s5+s31], $0x8, s23, s31, $0xb8;
	[tilespmem:$0x7F80] =	vst v63  }
0x7b: {  	_ =	swait.ge [sflag:s18], $0x400  }
0x7c: {  	[sflag:s18] =	ssyncset.done $0x0  }
0x7d: {  	s0 =	simm.s32 $0x4F00;
	[sflag:s18] =	ssyncadd.s32 $0xFFFFFC00  }
0x7e: {  	[spmem:s1] =	stream.indirect.scatter.add.f32 [tilespmem:s20], [sflag:$0x3], $0x8, s0, s19, $0xb8;
	[tilespmem:$0x7F80] =	vst v63  }
0x7f: {  	_ =	swait.ge [sflag:s11], $0x400  }
0x80: {  	[sflag:s11] =	ssyncset.done $0x0  }
0x81: {  	[sflag:s11] =	ssyncadd.s32 $0xFFFFFC00  }
0x82: {  	_ =	swait.ge [sflag:s21], $0x400  }
0x83: {  	[sflag:s21] =	ssyncset.done $0x0  }
0x84: {  	s31 =	simm.s32 $0x4F80;
	[sflag:s21] =	ssyncadd.s32 $0xFFFFFC00  }
0x85: {  	[spmem:s1] =	stream.indirect.scatter.add.f32 [tilespmem:s22], [sflag:$0x3], $0x8, s31, s19, $0xb8;
	[tilespmem:$0x7F80] =	vst v63  }
0x86: {  	_ =	swait.ge [sflag:s11], $0x400  }
0x87: {  	s26 =	sadd.s32 $0x1, s26;
	[sflag:s11] =	ssyncset.done $0x0  }
0x88: {  	p1 =	sne.s32 s26, s10;
	[sflag:s11] =	ssyncadd.s32 $0xFFFFFC00  }
.Ltmp1:
0x89: {  	[bflag:$0x0] =	sbarrier.arrive $0xFFFF;
	(pc) =	sbr.rel @p1 .LBB2_1-.Ltmp1, $4  }
0x8a: {  	[hbm:s24], [sflag:s15] =	dma.local [spmem:s16], $0x278  }
0x8b: {  	_ =	swait.ge [sflag:s11], $0x278  }
0x8c: {  	[sflag:s11] =	ssyncset.done $0x0  }
0x8d: {  	[sflag:s11] =	ssyncadd.s32 $0xFFFFFD88  }
0x8e: {  	_ =	sfence.sel $0x180000  }
0x8f: {  	[bflag:$0x0] =	sbarrier.arrive $0xFFFF  }
0x90: {  	_ =	strace $0x9000004D  }
0x91: {  	s0 =	stileid.u32;
	[bflag:$0x2] =	sbarrier.arrive $0xFFFF  }
0x92: {  	p0 =	sne.s32 s0, $0x0;
	s0 =	rddreg [dreg:$0x3]  }
0x93: {  	s0 =	sadd.s32 @!p0 $0x100000, s0  }
0x94: {  	[sflag:s0] =	ssyncadd.tile.s32 @!p0 $0x1;
	_ =	shalt  }
.Lfunc_end2:
_tile_overlayer_lowered:
.L_overlay_start_2:
0x95: {  	(tag) =	ssettag $0x2  }
0x96: {  	s0 =	rddreg [dreg:$0x0];
	s2 =	stileid.u32  }
0x97: {  	s1 =	rddreg [dreg:$0x1];
	p0 =	sne.s32 s2, $0x0  }
0x98: {  	s3 =	rddreg [dreg:$0x2];
	[bflag:$0x3] =	sbarrier.arrive $0xFFFF;
	s2 =	simm.s32 @!p0 $0x1C03  }
0x99: {  	[timem:s3], [sflag:s2] =	dma.local @!p0 [hbm:s0], s1  }
0x9a: {  	s0 =	simm.s32 @!p0 $0x3  }
0x9b: {  	_ =	swait.ge @!p0 [sflag:s0], s1  }
0x9c: {  	s1 =	ssub.s32 @!p0 $0x0, s1;
	[sflag:s0] =	ssyncset.done @!p0 $0x0  }
0x9d: {  	[sflag:s0] =	ssyncadd.s32 @!p0 s1  }
0x9e: {  	[bflag:$0x3] =	sbarrier.arrive $0xFFFF  }
0x9f: {  	_ =	shalt  }

// kernel: kernel.9.cloned.1.call-start
scs
__scs_entry_jumppad:
0x0: {  	(pc) =	sbr.rel $0x88, $3  }
0x1: {  	(tag) =	ssettag $0x0;
	lr =	simm.s32 $0x1  }
0x2: {  	[smem:$0x3F9D] =	sst lr;
	_ =	strace $0xD0000000  }
0x3: {  	_ = 	snop  }
0x4: {  	_ = 	snop  }
0x5: {  	_ = 	snop  }
0x6: {  	_ = 	snop  }
0x7: {  	_ = 	snop  }
__scs_overlays_trampoline_lowered:
0x8: {  	[smem:$0x3FAC] =	sst s0  }
0x9: {  	[smem:$0x3FAD] =	sst s1  }
0xa: {  	[smem:$0x3FAE] =	sst s2  }
0xb: {  	[smem:$0x3FAF] =	sst s3  }
0xc: {  	[smem:$0x3FB0] =	sst s4  }
0xd: {  	[smem:$0x3FB1] =	sst s5  }
0xe: {  	[smem:$0x3FB2] =	sst s6  }
0xf: {  	[smem:$0x3FB3] =	sst s7  }
0x10: {  	[smem:$0x3FB4] =	sst s8  }
0x11: {  	[smem:$0x3FB5] =	sst s9;
	s0 =	simm.s32 @!p0 $0x0  }
0x12: {  	s1 =	sld [smem:$0x3F9B];
	s0 =	simm.s32 @p0 $0x1  }
0x13: {  	[smem:$0x3FB6] =	sst s0;
	s0 =	simm.s32 @!p1 $0x0  }
0x14: {  	s2 =	sld [smem:$0x3F9A];
	s0 =	simm.s32 @p1 $0x1  }
0x15: {  	[smem:$0x3FB7] =	sst s0;
	s0 =	simm.s32 @!p2 $0x0  }
0x16: {  	s3 =	sld [smem:$0x3FDB];
	s0 =	simm.s32 @p2 $0x1  }
0x17: {  	s4 =	simm.s32 $0x1BF5;
	[smem:$0x3FB9] =	sst s0  }
0x18: {  	s0 =	sld [smem:$0x3F9C];
	_ =	swait.ge [sflag:s4], $0x0  }
0x19: {  	s7 =	sld [smem:$0x3F9D]  }
0x1a: {  	s8 =	sadd.s32 $0xFFFFE003, lr  }
0x1b: {  	s9 =	sadd.s32 $0xFFFFFEF7, lr;
	s5 =	simm.s32 $0xFFFFFFFF;
	p2 =	slt.u32 s8, $0xFFFFF086  }
0x1c: {  	p1 =	slt.u32 s9, $0xF7A;
	s5 =	simm.s32 @!p2 $0x0  }
0x1d: {  	s5 =	simm.s32 @p1 $0x1;
	p0 =	seq.s32 s7, s2  }
0x1e: {  	s7 =	smul.u32 @!p0 $0xF7A, s2;
	p2 =	seq.s32 @!p0 s5, $0x0  }
0x1f: {  	s9 =	smul.u32 $0xF7A, s1;
	s8 =	simm.s32 @!p0 $0x1BF5;
	p2 =	por !p2, p0  }
0x20: {  	[sflag:s8] =	ssyncset.s32 @!p0 $0xFFFFF086;
	s6 =	sadd.s32 @!p0 s3, s7;
	s7 =	simm.s32 @!p0 $0x108  }
0x21: {  	s3 =	sadd.s32 s3, s9;
	s6 =	sadd.s32 @!p0 $0x88, s6;
	s7 =	simm.s32 @p2 $0x1082  }
0x22: {  	[simem:s7], [sflag:s8] =	dma.local @!p0 [hbm:s6], $0xF7A  }
0x23: {  	s9 =	sor.u32 $0xD0000000, s2;
	s6 =	simm.s32 $0x108;
	_ =	swait.ge @!p0 [sflag:s8], $0x0  }
0x24: {  	s3 =	sadd.s32 $0x88, s3;
	s6 =	simm.s32 @!p1 $0x1082;
	[sflag:s4] =	ssyncset.s32 $0xFFFFF086  }
0x25: {  	[simem:s6], [sflag:s4] =	dma.local [hbm:s3], $0xF7A  }
0x26: {  	[smem:$0x3F9D] =	sst s1;
	(tag) =	ssettag s2;
	_ =	strace s9  }
0x27: {  	s1 =	sld [smem:$0x3FAD]  }
0x28: {  	s2 =	sld [smem:$0x3FAE]  }
0x29: {  	s4 =	sld [smem:$0x3FB0]  }
0x2a: {  	p0 =	seq.s32 s5, $0x0;
	s5 =	sld [smem:$0x3FB1]  }
0x2b: {  	s6 =	sld [smem:$0x3FB2]  }
0x2c: {  	s7 =	sld [smem:$0x3FB3]  }
0x2d: {  	s3 =	simm.s32 $0x108;
	s8 =	sld [smem:$0x3FB4]  }
0x2e: {  	s3 =	simm.s32 @!p0 $0x1082;
	s9 =	sld [smem:$0x3FB5]  }
0x2f: {  	lr =	sadd.s32 s0, s3;
	s0 =	sld [smem:$0x3FAC]  }
0x30: {  	s3 =	sld [smem:$0x3FAF]  }
0x31: {  	[smem:$0x3FB8] =	sst s10  }
0x32: {  	s10 =	sld [smem:$0x3FB6];
	_ =	sdelay $0x3  }
0x33: {  	p0 =	seq.s32 s10, $0x1;
	s10 =	sld [smem:$0x3FB8];
	_ =	sdelay $0x3  }
0x34: {  	[smem:$0x3FB8] =	sst s10  }
0x35: {  	s10 =	sld [smem:$0x3FB7];
	_ =	sdelay $0x3  }
0x36: {  	p1 =	seq.s32 s10, $0x1;
	s10 =	sld [smem:$0x3FB8];
	_ =	sdelay $0x3  }
0x37: {  	[smem:$0x3FB8] =	sst s10  }
0x38: {  	s10 =	sld [smem:$0x3FB9]  }
0x39: {  	_ = 	snop;
	(pc) =	sbr.ind lr, $3  }
0x3a: {  	_ = 	snop  }
0x3b: {  	_ = 	snop  }
0x3c: {  	p2 =	seq.s32 s10, $0x1;
	s10 =	sld [smem:$0x3FB8]  }
0x3d: {  	_ =	shalt  }
0x3e: {  	_ =	shalt  }
0x3f: {  	_ =	shalt  }
0x40: {  	_ =	shalt  }
0x41: {  	_ =	shalt  }
0x42: {  	_ =	shalt  }
0x43: {  	_ =	shalt  }
0x44: {  	_ =	shalt  }
0x45: {  	_ =	shalt  }
0x46: {  	_ =	shalt  }
0x47: {  	_ =	shalt  }
0x48: {  	_ =	shalt  }
0x49: {  	_ =	shalt  }
0x4a: {  	_ =	shalt  }
0x4b: {  	_ =	shalt  }
0x4c: {  	_ =	shalt  }
0x4d: {  	_ =	shalt  }
0x4e: {  	_ =	shalt  }
0x4f: {  	_ =	shalt  }
0x50: {  	_ =	shalt  }
0x51: {  	_ =	shalt  }
0x52: {  	_ =	shalt  }
0x53: {  	_ =	shalt  }
0x54: {  	_ =	shalt  }
0x55: {  	_ =	shalt  }
0x56: {  	_ =	shalt  }
0x57: {  	_ =	shalt  }
0x58: {  	_ =	shalt  }
0x59: {  	_ =	shalt  }
0x5a: {  	_ =	shalt  }
0x5b: {  	_ =	shalt  }
0x5c: {  	_ =	shalt  }
0x5d: {  	_ =	shalt  }
0x5e: {  	_ =	shalt  }
0x5f: {  	_ =	shalt  }
0x60: {  	_ =	shalt  }
0x61: {  	_ =	shalt  }
0x62: {  	_ =	shalt  }
0x63: {  	_ =	shalt  }
0x64: {  	_ =	shalt  }
0x65: {  	_ =	shalt  }
0x66: {  	_ =	shalt  }
0x67: {  	_ =	shalt  }
0x68: {  	_ =	shalt  }
0x69: {  	_ =	shalt  }
0x6a: {  	_ =	shalt  }
0x6b: {  	_ =	shalt  }
0x6c: {  	_ =	shalt  }
0x6d: {  	_ =	shalt  }
0x6e: {  	_ =	shalt  }
0x6f: {  	_ =	shalt  }
0x70: {  	_ =	shalt  }
0x71: {  	_ =	shalt  }
0x72: {  	_ =	shalt  }
0x73: {  	_ =	shalt  }
0x74: {  	_ =	shalt  }
0x75: {  	_ =	shalt  }
0x76: {  	_ =	shalt  }
0x77: {  	_ =	shalt  }
0x78: {  	_ =	shalt  }
0x79: {  	_ =	shalt  }
0x7a: {  	_ =	shalt  }
0x7b: {  	_ =	shalt  }
0x7c: {  	_ =	shalt  }
0x7d: {  	_ =	shalt  }
0x7e: {  	_ =	shalt  }
0x7f: {  	_ =	shalt  }
0x80: {  	_ =	shalt  }
0x81: {  	_ =	shalt  }
0x82: {  	_ =	shalt  }
0x83: {  	_ =	shalt  }
0x84: {  	_ =	shalt  }
0x85: {  	_ =	shalt  }
0x86: {  	_ =	shalt  }
0x87: {  	_ =	shalt  }
.Lfunc_end0:
.L_simem_size_0:
called_computation_lowered:
.L_overlay_start_0:
0x88: {  	s2 =	sld [smem:$0x3FD9]  }
0x89: {  	s3 =	sld [smem:$0x3FFE];
	_ =	sdelay $0x1  }
0x8a: {  	s1 =	srdreg.scid  }
0x8b: {  	s0 =	sand.u32 $0x1, s1  }
0x8c: {  	s17 =	sshll.u32 s0, $0xA;
	s2 =	sadd.s32 s3, s2  }
0x8d: {  	s2 =	sadd.s32 s2, s17  }
0x8e: {  	[smem:$0x3FC4] =	sst s2  }
0x8f: {  	_ = 	snop  }
0x90: {  	s2 =	sld [smem:$0x3FD0];
	(tm) =	ssettm $0x1  }
0x91: {  	s18 =	sld [smem:$0x3FFB];
	_ =	sdelay $0x3  }
0x92: {  	_ =	strace s18  }
0x93: {  	s3 =	sld [smem:$0x3FFC];
	_ =	sdelay $0x3  }
0x94: {  	_ =	strace s3  }
0x95: {  	s3 =	sld [smem:$0x3FFD];
	_ =	sdelay $0x3  }
0x96: {  	_ =	strace s3  }
0x97: {  	_ =	strace $0x8FFFFFFF  }
0x98: {  	s19 =	sld [smem:$0x3FDB];
	_ =	sdelay $0x1  }
0x99: {  	s4 =	simm.s32 $_scs_section_size  }
0x9a: {  	s5 =	simm.s32 $_size__tile_overlayer_lowered;
	s6 =	simm.s32 $_tile_overlayer_lowered  }
0x9b: {  	s22 =	simm.s32 $0x1BFF;
	s21 =	sshll.u32 s6, $0x1;
	s3 =	sadd.s32 s4, s19  }
0x9c: {  	s7 =	simm.s32 $0x0;
	s20 =	sshll.u32 s5, $0x1;
	s5 =	sadd.s32 s21, s3  }
0x9d: {  	[timem:s7], [sflag:s22] =	dma.local [hbm:s5], s20  }
0x9e: {  	_ =	swait.ge [sflag:s22], s20  }
0x9f: {  	s4 =	ssub.s32 $0x0, s20;
	[sflag:s22] =	ssyncset.done $0x0  }
0xa0: {  	[sflag:s22] =	ssyncadd.s32 s4;
	_ =	sdelay $0x1  }
0xa1: {  	s23 =	simm.s32 $0x1B8B  }
0xa2: {  	_ =	swait.ge [sflag:s23], $0x1  }
0xa3: {  	[sflag:s23] =	ssyncset.done $0x0  }
0xa4: {  	s25 =	simm.s32 $0x1B8E;
	s24 =	sld [smem:$0x3FFE];
	[sflag:s23] =	ssyncadd.s32 $0xFFFFFFFF  }
0xa5: {  	s26 =	simm.s32 $execute0_lowered;
	[smem:$0x3FD2] =	sst s25  }
0xa6: {  	s5 =	sshll.u32 s26, $0x1;
	_ =	strace $0x80000046;
	[dreg:$0x1] =	wrdreg $0xFFFFFFFF  }
0xa7: {  	s28 =	simm.s32 $_size_execute0_lowered;
	s3 =	sadd.s32 s3, s5;
	[dreg:$0x0] =	wrdreg $0x0  }
0xa8: {  	s5 =	sshll.u32 s28, $0x1;
	[dreg:$0x2] =	wrdreg s3  }
0xa9: {  	[dreg:$0x3] =	wrdreg s5  }
0xaa: {  	[dreg:$0x4] =	wrdreg $0xC0  }
0xab: {  	_ =	task [dreg:s7], $0x5FFFF  }
0xac: {  	[dreg:$0x1] =	wrdreg $0xFFFFFFFF  }
0xad: {  	[dreg:$0x0] =	wrdreg $0x60  }
0xae: {  	[dreg:$0x2] =	wrdreg s24  }
0xaf: {  	[dreg:$0x3] =	wrdreg s2  }
0xb0: {  	[dreg:$0x4] =	wrdreg $0x2C000  }
0xb1: {  	[dreg:$0x5] =	wrdreg $0x9  }
0xb2: {  	_ =	task.clear_ibuf [dreg:s7], $0x6FFFF;
	_ =	strace $0x90000046  }
0xb3: {  	s29 =	simm.s32 $0x9;
	_ =	strace $0x80000048  }
0xb4: {  	_ =	swait.ge [sflag:s29], $0x1  }
0xb5: {  	[sflag:s29] =	ssyncadd.s32 $0xFFFFFFFF  }
0xb6: {  	_ =	strace $0x90000048  }
0xb7: {  	_ =	sfence  }
0xb8: {  	s30 =	sld [smem:$0x0];
	_ =	sdelay $0x2  }
0xb9: {  	s31 =	sshll.u32 s1, $0xD;
	s1 =	sshrl.u32 s1, $0x2  }
0xba: {  	s3 =	sand.u32 $0x4000, s31;
	s1 =	sadd.s32 s1, s30  }
0xbb: {  	s0 =	sor.u32 s3, s0;
	s1 =	sshll.u32 s1, $0x11  }
0xbc: {  	s0 =	sor.u32 s1, s0  }
0xbd: {  	s0 =	sadd.s32 $0x8F2B, s0  }
0xbe: {  	[sflag:s0] =	ssyncadd.remote.s32 $0x1  }
0xbf: {  	_ =	sfence.sel $0xFFFF  }
0xc0: {  	[dreg:$0x0] =	wrdreg $0xFFFFFFFF;
	(pc) =	sbr.abs _section_cstart, $3  }
0xc1: {  	[dreg:$0x1] =	wrdreg $0xFFFFFFFF  }
0xc2: {  	_ =	task.clear_ibuf [dreg:s7], $0x2FFFF;
	_ =	strace $0x9FFFFFFF  }
0xc3: {  	(tm) =	ssettm $0x7FFFFFFF  }
tec
execute0_lowered:
.L_overlay_start_1:
0x0: {  	(tag) =	ssettag $0x1  }
0x1: {  	s5 =	rddreg [dreg:$0x0]  }
0x2: {  	s2 =	rddreg [dreg:$0x1]  }
0x3: {  	s3 =	rddreg [dreg:$0x2];
	s1 =	stileid.u32  }
0x4: {  	s0 =	rddreg [dreg:$0x3];
	s4 =	simm.s32 $0x0;
	s6 =	srdreg.scid  }
0x5: {  	s7 =	smul.u32 $0x13C0, s1;
	[smem:$0x7FF] =	sst s4  }
0x6: {  	s6 =	sand.u32 $0x1, s6;
	s10 =	sshll.u32 s1, $0x1;
	s29 =	sadd.s32 $0xB640, s5  }
0x7: {  	p0 =	sgt.u32 s1, $0x1;
	s31 =	sshll.u32 s1, $0x6;
	_ =	strace $0x80000047  }
0x8: {  	s9 =	ssub.s32 $0x2, s6;
	s11 =	smul.u32 $0x2780, s6;
	s6 =	sor.u32 s6, s10  }
0x9: {  	s10 =	simm.s32 $0x2800;
	s14 =	sshrl.u32 s7, $0x3;
	s12 =	sshrl.u32 s9, $0x1  }
0xa: {  	s13 =	smul.u32 $0x4E0, s6;
	s6 =	sshll.u32 s6, $0x4;
	s30 =	sadd.s32 s7, s3  }
0xb: {  	s8 =	sadd.s32 s14, s5;
	s11 =	sadd.s32 s11, s5;
	s9 =	ssub.s32 s9, s12  }
0xc: {  	s6 =	sadd.s32 s6, s29;
	s12 =	sshrl.u32 s30, $0x3;
	s5 =	sadd.s32 s13, s29  }
0xd: {  	s6 =	sadd.s32 $0x9C00, s6;
	s7 =	sadd.s32 $0x15400, s8;
	s15 =	sadd.s32 $0x17C00, s11  }
0xe: {  	s8 =	smax.u32 s9, $0x1;
	s9 =	simm.s32 $0x1;
	s11 =	sor.u32 $0x1C01, s31  }
0xf: {  	v0 =	vimm.s32 $0x2710;
	s13 =	simm.s32 $0x80;
	s14 =	sadd.s32 s14, s15;
	s15 =	simm.s32 $0x0  }
.LBB2_1:
0x10: {  	[tilespmem:s4], [sflag:$0x1] =	stream.linear.gather [hbm4b:s5+s4], $0x2700, $0x38;
	[tilespmem:$0x3FC0] =	vst v63  }
0x11: {  	_ =	swait.ge [sflag:s9], $0x2700  }
0x12: {  	[sflag:s9] =	ssyncset.done $0x0  }
0x13: {  	[sflag:s9] =	ssyncadd.s32 $0xFFFFD900  }
0x14: {  	[tilespmem:$0x2700] =	vst v0  }
0x15: {  	[tilespmem:$0x2710] =	vst v0  }
0x16: {  	[tilespmem:$0x2720] =	vst v0  }
0x17: {  	[tilespmem:$0x2730] =	vst v0  }
0x18: {  	[tilespmem:$0x2740] =	vst v0  }
0x19: {  	[tilespmem:$0x2750] =	vst v0  }
0x1a: {  	[tilespmem:$0x2760] =	vst v0  }
0x1b: {  	[tilespmem:$0x2770] =	vst v0  }
0x1c: {  	[tilespmem:$0x2780] =	vst v0  }
0x1d: {  	[tilespmem:$0x2790] =	vst v0  }
0x1e: {  	[tilespmem:$0x27A0] =	vst v0  }
0x1f: {  	[tilespmem:$0x27B0] =	vst v0  }
0x20: {  	[tilespmem:$0x27C0] =	vst v0  }
0x21: {  	[tilespmem:$0x27D0] =	vst v0  }
0x22: {  	[tilespmem:$0x27E0] =	vst v0  }
0x23: {  	s16 =	simm.s32 @!p0 $0x0;
	s17 =	simm.s32 @!p0 $0x2700;
	[tilespmem:$0x27F0] =	vst v0  }
0x24: {  	[tilespmem:s17], [sflag:$0x1] =	stream.linear.gather @!p0 [hbm4b:s6+s16], $0x80, $0x38;
	[tilespmem:$0x3FC0] =	vst v63  }
0x25: {  	s16 =	simm.s32 @!p0 $0x1  }
0x26: {  	_ =	swait.ge @!p0 [sflag:s16], $0x80  }
0x27: {  	[sflag:s16] =	ssyncset.done @!p0 $0x0  }
0x28: {  	[sflag:s16] =	ssyncadd.s32 @!p0 $0xFFFFFF80  }
0x29: {  	[tilespmem:s10], [sflag:$0x1] =	stream.linear.gather [hbm4b:s2+s4], $0x400, $0x38;
	[tilespmem:$0x3FC0] =	vst v63  }
0x2a: {  	_ =	swait.ge [sflag:s9], $0x400  }
0x2b: {  	[sflag:s9] =	ssyncset.done $0x0  }
0x2c: {  	[sflag:s9] =	ssyncadd.s32 $0xFFFFFC00  }
0x2d: {  	[spmem:s12], [sflag:s11] =	dma.local [hbm:s7], $0x278  }
0x2e: {  	_ =	swait.ge [sflag:s9], $0x278  }
0x2f: {  	[sflag:s9] =	ssyncset.done $0x0  }
0x30: {  	[sflag:s9] =	ssyncadd.s32 $0xFFFFFD88  }
0x31: {  	s31 =	simm.s32 $0x0;
	[bflag:$0x0] =	sbarrier.arrive $0xFFFF  }
0x32: {  	[spmem:s3] =	stream.indirect.scatter.add.f32 [tilespmem:s10], [sflag:$0x1], $0x8, s31, s13, $0xb8;
	[tilespmem:$0x3FC0] =	vst v63  }
0x33: {  	_ =	swait.ge [sflag:s9], $0x400  }
0x34: {  	s16 =	simm.s32 $0x200;
	[sflag:s9] =	ssyncset.done $0x0  }
.LBB2_2:
0x35: {  	s17 =	sshra.s32 s16, $0x2;
	[sflag:s9] =	ssyncadd.s32 $0xFFFFFC00;
	p1 =	sne.s32 s16, $0x9E00  }
0x36: {  	[spmem:s3] =	stream.indirect.scatter.add.f32 [tilespmem:s10], [sflag:$0x1], $0x8, s17, s13, $0xb8;
	[tilespmem:$0x3FC0] =	vst v63  }
.Ltmp0:
0x37: {  	_ = 	snop;
	(pc) =	sbr.rel @p1 .LBB2_2-.Ltmp0, $4  }
0x38: {  	_ = 	snop  }
0x39: {  	s16 =	sadd.s32 $0x200, s16  }
0x3a: {  	_ =	swait.ge [sflag:s9], $0x400  }
0x3b: {  	[sflag:s9] =	ssyncset.done $0x0  }
0x3c: {  	s15 =	sadd.s32 $0x1, s15  }
0x3d: {  	[sflag:s9] =	ssyncadd.s32 $0xFFFFFC00;
	p1 =	sne.s32 s15, s8  }
.Ltmp1:
0x3e: {  	[bflag:$0x0] =	sbarrier.arrive $0xFFFF;
	(pc) =	sbr.rel @p1 .LBB2_1-.Ltmp1, $4  }
0x3f: {  	[hbm:s14], [sflag:s11] =	dma.local [spmem:s12], $0x278  }
0x40: {  	_ =	swait.ge [sflag:s9], $0x278  }
0x41: {  	[sflag:s9] =	ssyncset.done $0x0  }
0x42: {  	[sflag:s9] =	ssyncadd.s32 $0xFFFFFD88  }
0x43: {  	_ =	sfence.sel $0x180000  }
0x44: {  	[bflag:$0x0] =	sbarrier.arrive $0xFFFF  }
0x45: {  	p0 =	sne.s32 s1, $0x0;
	_ =	strace $0x90000047  }
0x46: {  	s0 =	sadd.s32 @!p0 $0x100000, s0;
	[bflag:$0x2] =	sbarrier.arrive $0xFFFF  }
0x47: {  	[sflag:s0] =	ssyncadd.tile.s32 @!p0 $0x1;
	_ =	shalt  }
.Lfunc_end2:
_tile_overlayer_lowered:
.L_overlay_start_2:
0x48: {  	(tag) =	ssettag $0x2  }
0x49: {  	s0 =	rddreg [dreg:$0x0];
	s2 =	stileid.u32  }
0x4a: {  	s1 =	rddreg [dreg:$0x1];
	p0 =	sne.s32 s2, $0x0  }
0x4b: {  	s3 =	rddreg [dreg:$0x2];
	[bflag:$0x3] =	sbarrier.arrive $0xFFFF;
	s2 =	simm.s32 @!p0 $0x1C01  }
0x4c: {  	[timem:s3], [sflag:s2] =	dma.local @!p0 [hbm:s0], s1  }
0x4d: {  	s0 =	simm.s32 @!p0 $0x1  }
0x4e: {  	_ =	swait.ge @!p0 [sflag:s0], s1  }
0x4f: {  	s1 =	ssub.s32 @!p0 $0x0, s1;
	[sflag:s0] =	ssyncset.done @!p0 $0x0  }
0x50: {  	[sflag:s0] =	ssyncadd.s32 @!p0 s1  }
0x51: {  	[bflag:$0x3] =	sbarrier.arrive $0xFFFF  }
0x52: {  	_ =	shalt  }

</sc_bundles>
